<compile_context>
chip_gen: v7x
topology: tpu7x:2x2x1
jax: 0.10.2.dev20260603
libtpu: 0.0.44.dev20260713+nightly
codegen_flags: <defaults>
</compile_context>

<pallas_src>
import functools

import jax
import jax.numpy as jnp
from jax import lax
from jax.experimental import pallas as pl
from jax.experimental.pallas import tpu as pltpu
from jax.experimental.pallas import tpu_sc as plsc

N = 4096
E = 131072
C_IN = 256
H = 4
CH = 64
ALPHA = 0.2
NEG = -9e15

NUM_CORES = 2
NUM_SUBCORES = 16
NW = NUM_CORES * NUM_SUBCORES
ROWS_PER_TILE = N // NW
WORDS = N // 32
TILE_WORDS = ROWS_PER_TILE * WORDS
ECH = 16384
NCH = E // ECH


def _bitmask_body(src_hbm, dst_hbm, bm_hbm,
                  src_a, dst_a, src_b, dst_b, bm, sem_a, sem_b):
    cid = lax.axis_index("c")
    sid = lax.axis_index("s")
    wid = cid * NUM_SUBCORES + sid
    lo = wid * ROWS_PER_TILE

    z16 = jnp.zeros((16,), jnp.int32)

    def zf(i, carry):
        bm[pl.ds(i * 16, 16)] = z16
        return carry
    lax.fori_loop(0, TILE_WORDS // 16, zf, 0)

    bufs = [(src_a, dst_a, sem_a), (src_b, dst_b, sem_b)]
    pltpu.make_async_copy(src_hbm.at[pl.ds(0, ECH)], src_a, sem_a).start()
    pltpu.make_async_copy(dst_hbm.at[pl.ds(0, ECH)], dst_a, sem_a).start()

    for g in range(NCH):
        sv, dv, sem = bufs[g % 2]
        pltpu.make_async_copy(src_hbm.at[pl.ds(g * ECH, ECH)], sv, sem).wait()
        pltpu.make_async_copy(dst_hbm.at[pl.ds(g * ECH, ECH)], dv, sem).wait()
        if g + 1 < NCH:
            nsv, ndv, nsem = bufs[(g + 1) % 2]
            pltpu.make_async_copy(
                src_hbm.at[pl.ds((g + 1) * ECH, ECH)], nsv, nsem).start()
            pltpu.make_async_copy(
                dst_hbm.at[pl.ds((g + 1) * ECH, ECH)], ndv, nsem).start()

        one16 = jnp.full((16,), 1, jnp.int32)

        def keys(c):
            s16 = sv[pl.ds(c * 16, 16)]
            d16 = dv[pl.ds(c * 16, 16)]
            mine = (s16 >= lo) & (s16 < lo + ROWS_PER_TILE)
            word = jnp.where(mine, (s16 - lo) * WORDS + (d16 & (WORDS - 1)), 0)
            bit = lax.shift_left(one16, lax.shift_right_logical(d16, 7))
            return mine, word, bit

        def grp(c, missacc):
            mine, word, bit = keys(c)
            w = plsc.load_gather(bm, [word], mask=mine)
            plsc.store_scatter(bm, [word], w | bit, mask=mine)
            w2 = plsc.load_gather(bm, [word], mask=mine)
            return missacc | (mine & ((w2 & bit) == 0))
        missacc = lax.fori_loop(0, ECH // 16, grp,
                                jnp.zeros((16,), jnp.bool_))

        @pl.when(jnp.any(missacc))
        def _():
            def rep(c, carry):
                mine, word, bit = keys(c)

                def cond(pend):
                    return jnp.any(pend)

                def body(pend):
                    w2 = plsc.load_gather(bm, [word], mask=pend)
                    miss = pend & ((w2 & bit) == 0)
                    plsc.store_scatter(bm, [word], w2 | bit, mask=miss)
                    return miss
                lax.while_loop(cond, body, mine)
                return carry
            lax.fori_loop(0, ECH // 16, rep, 0)

    pltpu.sync_copy(bm, bm_hbm.at[pl.ds(wid * TILE_WORDS, TILE_WORDS)])


@functools.cache
def _bitmask_kernel():
    return functools.partial(
        pl.kernel,
        out_type=jax.ShapeDtypeStruct((N * WORDS,), jnp.int32),
        mesh=plsc.VectorSubcoreMesh(
            core_axis_name="c", subcore_axis_name="s",
            num_cores=NUM_CORES, num_subcores=NUM_SUBCORES,
        ),
        scratch_types=[
            pltpu.VMEM((ECH,), jnp.int32),
            pltpu.VMEM((ECH,), jnp.int32),
            pltpu.VMEM((ECH,), jnp.int32),
            pltpu.VMEM((ECH,), jnp.int32),
            pltpu.VMEM((TILE_WORDS,), jnp.int32),
            pltpu.SemaphoreType.DMA,
            pltpu.SemaphoreType.DMA,
        ],
        compiler_params=pltpu.CompilerParams(needs_layout_passes=False),
    )(_bitmask_body)


def _proj_body(nf_ref, wt_ref, b_ref, a1_ref, a2_ref,
               x_ref, s_ref, d_ref, cs_ref, dm_ref):
    xb = jnp.dot(nf_ref[...], wt_ref[...], preferred_element_type=jnp.float32)
    xb = xb + b_ref[...]
    x_ref[...] = xb
    s_ref[...] = jnp.dot(xb, a1_ref[...], preferred_element_type=jnp.float32)
    db = jnp.dot(xb, a2_ref[...], preferred_element_type=jnp.float32)
    d_ref[...] = db

    @pl.when(pl.program_id(0) == 0)
    def _():
        cs_ref[...] = jnp.zeros_like(cs_ref)
        dm_ref[...] = jnp.full_like(dm_ref, -jnp.inf)
    cs_ref[...] += jnp.sum(xb, axis=0, keepdims=True)
    dm_ref[...] = jnp.maximum(dm_ref[...], jnp.max(db, axis=0, keepdims=True))


RP = 512
RB = 256


def _gat_body(s_ref, dt_ref, x_ref, m_ref, mean_ref, dm_ref, o_ref):
    s_blk = s_ref[...]
    mb = m_ref[...]
    rep = jnp.concatenate([mb] * 32, axis=1)
    sh = lax.shift_right_logical(
        lax.broadcasted_iota(jnp.int32, (RB, N), 1), 7)
    bitset = (lax.shift_right_logical(rep, sh) & 1) == 1
    sD = s_blk + dm_ref[...]
    M = jnp.where(sD > 0, sD, ALPHA * sD)
    for h in range(H):
        Mh = M[:, h:h + 1]
        c2 = (ALPHA - 1.0) * Mh
        t2 = (s_blk[:, h:h + 1] - Mh) + dt_ref[h:h + 1, :]
        arg = jnp.where(t2 > -Mh, t2, ALPHA * t2 + c2)
        arg = jnp.where(bitset, arg, jnp.float32(NEG))
        e = jnp.exp(arg)
        den = jnp.sum(e, axis=1, keepdims=True)
        acc = jnp.dot(e, x_ref[:, h * CH:(h + 1) * CH],
                      preferred_element_type=jnp.float32)
        o_ref[:, h * CH:(h + 1) * CH] = jnp.where(
            den == 0.0, mean_ref[:, h * CH:(h + 1) * CH], acc / den)


def kernel(node_feats, edge_index, W, b, a):
    src = edge_index[:, 0].astype(jnp.int32)
    dst = edge_index[:, 1].astype(jnp.int32)
    bm_flat = _bitmask_kernel()(src, dst)
    mask_bits = bm_flat.reshape(N, WORDS)

    eye = jnp.eye(H, dtype=jnp.float32)
    a1 = (a[:, :CH, None] * eye[:, None, :]).reshape(H * CH, H)
    a2 = (a[:, CH:, None] * eye[:, None, :]).reshape(H * CH, H)

    x, s, d, cs, dm = pl.pallas_call(
        _proj_body,
        grid=(N // RP,),
        in_specs=[
            pl.BlockSpec((RP, C_IN), lambda i: (i, 0)),
            pl.BlockSpec((C_IN, H * CH), lambda i: (0, 0)),
            pl.BlockSpec((1, H * CH), lambda i: (0, 0)),
            pl.BlockSpec((H * CH, H), lambda i: (0, 0)),
            pl.BlockSpec((H * CH, H), lambda i: (0, 0)),
        ],
        out_specs=[
            pl.BlockSpec((RP, H * CH), lambda i: (i, 0)),
            pl.BlockSpec((RP, H), lambda i: (i, 0)),
            pl.BlockSpec((RP, H), lambda i: (i, 0)),
            pl.BlockSpec((1, H * CH), lambda i: (0, 0)),
            pl.BlockSpec((1, H), lambda i: (0, 0)),
        ],
        out_shape=[
            jax.ShapeDtypeStruct((N, H * CH), jnp.float32),
            jax.ShapeDtypeStruct((N, H), jnp.float32),
            jax.ShapeDtypeStruct((N, H), jnp.float32),
            jax.ShapeDtypeStruct((1, H * CH), jnp.float32),
            jax.ShapeDtypeStruct((1, H), jnp.float32),
        ],
        compiler_params=pltpu.CompilerParams(
            dimension_semantics=("arbitrary",),
        ),
    )(node_feats, W.T, b.reshape(1, H * CH), a1, a2)
    mean = cs * (1.0 / N)

    out = pl.pallas_call(
        _gat_body,
        grid=(N // RB,),
        in_specs=[
            pl.BlockSpec((RB, H), lambda i: (i, 0)),
            pl.BlockSpec((H, N), lambda i: (0, 0)),
            pl.BlockSpec((N, H * CH), lambda i: (0, 0)),
            pl.BlockSpec((RB, WORDS), lambda i: (i, 0)),
            pl.BlockSpec((1, H * CH), lambda i: (0, 0)),
            pl.BlockSpec((1, H), lambda i: (0, 0)),
        ],
        out_specs=pl.BlockSpec((RB, H * CH), lambda i: (i, 0)),
        out_shape=jax.ShapeDtypeStruct((N, H * CH), jnp.float32),
        compiler_params=pltpu.CompilerParams(
            dimension_semantics=("arbitrary",),
            vmem_limit_bytes=100 * 1024 * 1024,
        ),
    )(s, d.T, x, mask_bits, mean, dm)

    return out.reshape(1, N, H * CH)

# --- scband reference (transcript-rebuilt; emitter-appended) ---
"""Pipeline reference for scband-gatlayer-48550310314658 (READ-ONLY COPY).

The authoritative reference and input builder live on the scoring server;
editing this copy changes nothing except your own understanding.
"""

import jax, jax.numpy as jnp
import numpy as np

N = 4096
E = 131072
C_IN = 256
C_OUT = 256
H = 4
CH = C_OUT // H
ALPHA = 0.2


def setup_inputs(seed: int = 0) -> dict:
    key = jax.random.key(seed)
    k1, k2, k3, k4, k5 = jax.random.split(key, 5)
    node_feats = jax.random.normal(k1, (N, C_IN), dtype=jnp.float32)
    edge_index = jax.random.randint(k2, (E, 2), 0, N, dtype=jnp.int32)
    # Linear projection params (xavier-ish scale) and attention vector a[H, 2*CH]
    W = jax.random.normal(k3, (H * CH, C_IN), dtype=jnp.float32) * (1.414 * (2.0 / (C_IN + H * CH)) ** 0.5)
    b = jnp.zeros((H * CH,), dtype=jnp.float32)
    a = jax.random.normal(k4, (H, 2 * CH), dtype=jnp.float32) * (1.414 * (2.0 / (H + 2 * CH)) ** 0.5)
    return {"node_feats": node_feats, "edge_index": edge_index, "W": W, "b": b, "a": a}


def reference(node_feats, edge_index, W, b, a):
    batch_size = 1
    num_nodes = node_feats.shape[0]
    # projection (nn.Linear)
    x = node_feats @ W.T + b                      # [N, H*CH]
    x = x.reshape(batch_size, num_nodes, H, CH)    # [1, N, H, CH]
    # dense adjacency built via scatter-overwrite (duplicates collapse to 1, as in torch)
    adj = jnp.zeros((num_nodes, num_nodes), dtype=jnp.int32)
    adj = adj.at[edge_index[:, 0], edge_index[:, 1]].set(1)
    # attention logits: a_input = concat(feat_i, feat_j); einsum('bhc,hc->bh', a_input, a)
    xf = x.reshape(num_nodes, H, CH)
    logit_src = jnp.einsum('nhc,hc->nh', xf, a[:, :CH])   # contribution of row node i
    logit_dst = jnp.einsum('nhc,hc->nh', xf, a[:, CH:])   # contribution of col node j
    attn_logits = logit_src[:, None, :] + logit_dst[None, :, :]           # [N, N, H]
    attn_logits = jnp.where(attn_logits > 0, attn_logits, ALPHA * attn_logits)  # LeakyReLU
    attn_matrix = jnp.where(adj[:, :, None] == 1, attn_logits, jnp.float32(-9e15))
    attn_matrix = attn_matrix[None]                        # [1, N, N, H]
    attn_probs = jax.nn.softmax(attn_matrix, axis=2)
    out = jnp.einsum('bijh,bjhc->bihc', attn_probs, x)     # [1, N, H, CH]
    out = out.reshape(batch_size, num_nodes, H * CH)       # concat_heads=True
    return out

if __name__ == "__main__":
    import jax
    _d = setup_inputs()
    print(jax.jit(kernel)(*tuple(_d.values())))

</pallas_src>

<mosaic_0001>
#map = affine_map<(d0, d1) -> (0)>
module attributes {stable_mosaic.version = 14 : i64} {
  func.func @_bitmask_body(%arg0: i32, %arg1: i32, %arg2: memref<131072xi32, #tpu.memory_space<hbm>>, %arg3: memref<131072xi32, #tpu.memory_space<hbm>>, %arg4: memref<524288xi32, #tpu.memory_space<hbm>>, %arg5: memref<16384xi32, #tpu.memory_space<vmem>>, %arg6: memref<16384xi32, #tpu.memory_space<vmem>>, %arg7: memref<16384xi32, #tpu.memory_space<vmem>>, %arg8: memref<16384xi32, #tpu.memory_space<vmem>>, %arg9: memref<16384xi32, #tpu.memory_space<vmem>>, %arg10: memref<!tpu.dma_semaphore, #tpu.memory_space<semaphore_mem>>, %arg11: memref<!tpu.dma_semaphore, #tpu.memory_space<semaphore_mem>>) attributes {dimension_semantics = [#tpu.dimension_semantics<core_parallel>, #tpu.dimension_semantics<subcore_parallel>], iteration_bounds = array<i64: 2, 16>, scalar_prefetch = 0 : i64, scratch_operands = 7 : i64, tpu.core_type = #tpu.core_type<sc_vector_subcore>, window_params = [{transform_indices = #map}, {transform_indices = #map}, {transform_indices = #map}]} {
    %mul3A = arith.constant 16 : i32
    %mul3A_0 = arith.muli %arg0, %mul3A : i32
    %add3A = arith.addi %mul3A_0, %arg1 : i32
    %mul3A_1 = arith.constant 128 : i32
    %mul3A_2 = arith.muli %add3A, %mul3A_1 : i32
    %broadcast_in_dim3A = arith.constant 0 : i32
    %broadcast_in_dim3A_3 = vector.broadcast %broadcast_in_dim3A : i32 to vector<16xi32>
    %scan3A = arith.constant 0 : i32
    %scan3A_4 = arith.constant 0 : i32
    %scan3A_5 = arith.constant 1024 : i32
    %scan3A_6 = arith.addi %scan3A_4, %scan3A_5 : i32
    %scan3A_7 = arith.constant 1 : i32
    scf.for %scan3A_326 = %scan3A_4 to %scan3A_6 step %scan3A_7  : i32 {
      %mul3A_327 = arith.constant 16 : i32
      %mul3A_328 = arith.muli %scan3A_326, %mul3A_327 : i32
      %swap3A = arith.index_cast %mul3A_328 : i32 to index
      %swap3A_329 = tpu.vector_load %arg9[%swap3A] {strides = array<i32>} : memref<16384xi32, #tpu.memory_space<vmem>>, vector<16xi32>,
      tpu.vector_store %arg9[%swap3A], %broadcast_in_dim3A_3 {strides = array<i32>} : memref<16384xi32, #tpu.memory_space<vmem>>, vector<16xi32>,
    }
    %scan3A_8 = arith.constant 1024 : i32
    %dma_start3A = arith.constant 0 : i32
    %dma_start3A_9 = tpu.memref_slice %arg2[%dma_start3A] : memref<131072xi32, #tpu.memory_space<hbm>> -> memref<16384xi32, #tpu.memory_space<hbm>>
    %dma_start3A_10 = arith.constant 0 : i32
    %dma_start3A_11 = tpu.memref_slice %arg2[%dma_start3A_10] : memref<131072xi32, #tpu.memory_space<hbm>> -> memref<16384xi32, #tpu.memory_space<hbm>>
    tpu.enqueue_dma source(%dma_start3A_11 : memref<16384xi32, #tpu.memory_space<hbm>>) target(%arg5 : memref<16384xi32, #tpu.memory_space<vmem>>) target_semaphore(%arg10 : memref<!tpu.dma_semaphore, #tpu.memory_space<semaphore_mem>>)
    %dma_start3A_12 = arith.constant 0 : i32
    %dma_start3A_13 = tpu.memref_slice %arg3[%dma_start3A_12] : memref<131072xi32, #tpu.memory_space<hbm>> -> memref<16384xi32, #tpu.memory_space<hbm>>
    %dma_start3A_14 = arith.constant 0 : i32
    %dma_start3A_15 = tpu.memref_slice %arg3[%dma_start3A_14] : memref<131072xi32, #tpu.memory_space<hbm>> -> memref<16384xi32, #tpu.memory_space<hbm>>
    tpu.enqueue_dma source(%dma_start3A_15 : memref<16384xi32, #tpu.memory_space<hbm>>) target(%arg6 : memref<16384xi32, #tpu.memory_space<vmem>>) target_semaphore(%arg10 : memref<!tpu.dma_semaphore, #tpu.memory_space<semaphore_mem>>)
    %dma_wait3A = arith.constant 0 : i32
    %dma_wait3A_16 = tpu.memref_slice %arg2[%dma_wait3A] : memref<131072xi32, #tpu.memory_space<hbm>> -> memref<16384xi32, #tpu.memory_space<hbm>>
    %dma_wait3A_17 = arith.constant 0 : i32
    %dma_wait3A_18 = tpu.memref_slice %arg2[%dma_wait3A_17] : memref<131072xi32, #tpu.memory_space<hbm>> -> memref<16384xi32, #tpu.memory_space<hbm>>
    tpu.wait_dma2 semaphore(%arg10 : memref<!tpu.dma_semaphore, #tpu.memory_space<semaphore_mem>>) src(%dma_wait3A_18 : memref<16384xi32, #tpu.memory_space<hbm>>) dst(%arg5 : memref<16384xi32, #tpu.memory_space<vmem>>)
    %dma_wait3A_19 = arith.constant 0 : i32
    %dma_wait3A_20 = tpu.memref_slice %arg3[%dma_wait3A_19] : memref<131072xi32, #tpu.memory_space<hbm>> -> memref<16384xi32, #tpu.memory_space<hbm>>
    %dma_wait3A_21 = arith.constant 0 : i32
    %dma_wait3A_22 = tpu.memref_slice %arg3[%dma_wait3A_21] : memref<131072xi32, #tpu.memory_space<hbm>> -> memref<16384xi32, #tpu.memory_space<hbm>>
    tpu.wait_dma2 semaphore(%arg10 : memref<!tpu.dma_semaphore, #tpu.memory_space<semaphore_mem>>) src(%dma_wait3A_22 : memref<16384xi32, #tpu.memory_space<hbm>>) dst(%arg6 : memref<16384xi32, #tpu.memory_space<vmem>>)
    %dma_start3A_23 = arith.constant 16384 : i32
    %dma_start3A_24 = tpu.memref_slice %arg2[%dma_start3A_23] : memref<131072xi32, #tpu.memory_space<hbm>> -> memref<16384xi32, #tpu.memory_space<hbm>>
    %dma_start3A_25 = arith.constant 16384 : i32
    %dma_start3A_26 = tpu.memref_slice %arg2[%dma_start3A_25] : memref<131072xi32, #tpu.memory_space<hbm>> -> memref<16384xi32, #tpu.memory_space<hbm>>
    tpu.enqueue_dma source(%dma_start3A_26 : memref<16384xi32, #tpu.memory_space<hbm>>) target(%arg7 : memref<16384xi32, #tpu.memory_space<vmem>>) target_semaphore(%arg11 : memref<!tpu.dma_semaphore, #tpu.memory_space<semaphore_mem>>)
    %dma_start3A_27 = arith.constant 16384 : i32
    %dma_start3A_28 = tpu.memref_slice %arg3[%dma_start3A_27] : memref<131072xi32, #tpu.memory_space<hbm>> -> memref<16384xi32, #tpu.memory_space<hbm>>
    %dma_start3A_29 = arith.constant 16384 : i32
    %dma_start3A_30 = tpu.memref_slice %arg3[%dma_start3A_29] : memref<131072xi32, #tpu.memory_space<hbm>> -> memref<16384xi32, #tpu.memory_space<hbm>>
    tpu.enqueue_dma source(%dma_start3A_30 : memref<16384xi32, #tpu.memory_space<hbm>>) target(%arg8 : memref<16384xi32, #tpu.memory_space<vmem>>) target_semaphore(%arg11 : memref<!tpu.dma_semaphore, #tpu.memory_space<semaphore_mem>>)
    %broadcast_in_dim3A_31 = arith.constant 1 : i32
    %broadcast_in_dim3A_32 = vector.broadcast %broadcast_in_dim3A_31 : i32 to vector<16xi32>
    %broadcast_in_dim3A_33 = arith.constant false
    %broadcast_in_dim3A_34 = vector.broadcast %broadcast_in_dim3A_33 : i1 to vector<16xi1>
    %scan3A_35 = arith.constant 0 : i32
    %scan3A_36 = arith.constant 1024 : i32
    %scan3A_37 = arith.addi %scan3A_35, %scan3A_36 : i32
    %scan3A_38 = arith.constant 1 : i32
    %scan3A_39 = scf.for %scan3A_326 = %scan3A_35 to %scan3A_37 step %scan3A_38 iter_args(%scan3A_327 = %broadcast_in_dim3A_34) -> (vector<16xi1>)  : i32 {
      %mul3A_328 = arith.constant 16 : i32
      %mul3A_329 = arith.muli %scan3A_326, %mul3A_328 : i32
      %get3A = arith.index_cast %mul3A_329 : i32 to index
      %get3A_330 = tpu.vector_load %arg5[%get3A] {strides = array<i32>} : memref<16384xi32, #tpu.memory_space<vmem>>, vector<16xi32>,
      %mul3A_331 = arith.constant 16 : i32
      %mul3A_332 = arith.muli %scan3A_326, %mul3A_331 : i32
      %get3A_333 = arith.index_cast %mul3A_332 : i32 to index
      %get3A_334 = tpu.vector_load %arg6[%get3A_333] {strides = array<i32>} : memref<16384xi32, #tpu.memory_space<vmem>>, vector<16xi32>,
      %ge3A = vector.broadcast %mul3A_2 : i32 to vector<16xi32>
      %ge3A_335 = arith.cmpi sge, %get3A_330, %ge3A : vector<16xi32>
      %add3A_336 = arith.constant 128 : i32
      %add3A_337 = arith.addi %mul3A_2, %add3A_336 : i32
      %lt3A = vector.broadcast %add3A_337 : i32 to vector<16xi32>
      %lt3A_338 = arith.cmpi slt, %get3A_330, %lt3A : vector<16xi32>
      %and3A = arith.andi %ge3A_335, %lt3A_338 : vector<16xi1>
      %sub3A = vector.broadcast %mul3A_2 : i32 to vector<16xi32>
      %sub3A_339 = arith.subi %get3A_330, %sub3A : vector<16xi32>
      %mul3A_340 = arith.constant 128 : i32
      %mul3A_341 = vector.broadcast %mul3A_340 : i32 to vector<16xi32>
      %mul3A_342 = arith.muli %sub3A_339, %mul3A_341 : vector<16xi32>
      %and3A_343 = arith.constant 127 : i32
      %and3A_344 = vector.broadcast %and3A_343 : i32 to vector<16xi32>
      %and3A_345 = arith.andi %get3A_334, %and3A_344 : vector<16xi32>
      %add3A_346 = arith.addi %mul3A_342, %and3A_345 : vector<16xi32>
      %jit3A = arith.constant 0 : i32
      %broadcast_in_dim3A_347 = vector.broadcast %jit3A : i32 to vector<16xi32>
      %select_n3A = arith.select %and3A, %add3A_346, %broadcast_in_dim3A_347 : vector<16xi1>, vector<16xi32>
      %shift_right_logical3A = arith.constant 7 : i32
      %shift_right_logical3A_348 = vector.broadcast %shift_right_logical3A : i32 to vector<16xi32>
      %shift_right_logical3A_349 = arith.shrui %get3A_334, %shift_right_logical3A_348 : vector<16xi32>
      %shift_left3A = arith.shli %broadcast_in_dim3A_32, %shift_right_logical3A_349 : vector<16xi32>
      %gather3A = tpu.vector_load_idx %arg9[%select_n3A] masked %and3A : memref<16384xi32, #tpu.memory_space<vmem>>[vector<16xi32>], vector<16xi32>, vector<16xi1>
      %or3A = arith.ori %gather3A, %shift_left3A : vector<16xi32>
      tpu.vector_store_idx %arg9[%select_n3A], %or3A masked %and3A : memref<16384xi32, #tpu.memory_space<vmem>>[vector<16xi32>], vector<16xi32>, vector<16xi1>
      %gather3A_350 = tpu.vector_load_idx %arg9[%select_n3A] masked %and3A : memref<16384xi32, #tpu.memory_space<vmem>>[vector<16xi32>], vector<16xi32>, vector<16xi1>
      %and3A_351 = arith.andi %gather3A_350, %shift_left3A : vector<16xi32>
      %eq3A = arith.constant 0 : i32
      %eq3A_352 = vector.broadcast %eq3A : i32 to vector<16xi32>
      %eq3A_353 = arith.cmpi eq, %and3A_351, %eq3A_352 : vector<16xi32>
      %and3A_354 = arith.andi %and3A, %eq3A_353 : vector<16xi1>
      %or3A_355 = arith.ori %scan3A_327, %and3A_354 : vector<16xi1>
      scf.yield %or3A_355 : vector<16xi1>
    }
    %scan3A_40 = arith.constant 1024 : i32
    %reduce_or3A = arith.constant 1.000000e+00 : f32
    %reduce_or3A_41 = arith.constant 0.000000e+00 : f32
    %reduce_or3A_42 = vector.broadcast %reduce_or3A : f32 to vector<16xf32>
    %reduce_or3A_43 = vector.broadcast %reduce_or3A_41 : f32 to vector<16xf32>
    %reduce_or3A_44 = arith.select %scan3A_39, %reduce_or3A_42, %reduce_or3A_43 : vector<16xi1>, vector<16xf32>
    %reduce_or3A_45 = arith.constant true
    %reduce_or3A_46 = vector.broadcast %reduce_or3A_45 : i1 to vector<16xi1>
    %reduce_or3A_47 = tpu.scan <max>, %reduce_or3A_44 masked %reduce_or3A_46 : vector<16xf32>, vector<16xi1> -> vector<16xf32>
    %reduce_or3A_48 = vector.extract %reduce_or3A_47[15] : f32 from vector<16xf32>
    %reduce_or3A_49 = arith.constant 0.000000e+00 : f32
    %reduce_or3A_50 = arith.cmpf ogt, %reduce_or3A_48, %reduce_or3A_49 : f32
    %convert_element_type3A = arith.extui %reduce_or3A_50 : i1 to i32
    %cond3A = arith.constant 0 : i32
    %cond3A_51 = arith.cmpi ne, %convert_element_type3A, %cond3A : i32
    scf.if %cond3A_51 {
      %scan3A_326 = arith.constant 0 : i32
      %scan3A_327 = arith.constant 0 : i32
      %scan3A_328 = arith.constant 1024 : i32
      %scan3A_329 = arith.addi %scan3A_327, %scan3A_328 : i32
      %scan3A_330 = arith.constant 1 : i32
      scf.for %scan3A_332 = %scan3A_327 to %scan3A_329 step %scan3A_330  : i32 {
        %mul3A_333 = arith.constant 16 : i32
        %mul3A_334 = arith.muli %scan3A_332, %mul3A_333 : i32
        %get3A = arith.index_cast %mul3A_334 : i32 to index
        %get3A_335 = tpu.vector_load %arg5[%get3A] {strides = array<i32>} : memref<16384xi32, #tpu.memory_space<vmem>>, vector<16xi32>,
        %mul3A_336 = arith.constant 16 : i32
        %mul3A_337 = arith.muli %scan3A_332, %mul3A_336 : i32
        %get3A_338 = arith.index_cast %mul3A_337 : i32 to index
        %get3A_339 = tpu.vector_load %arg6[%get3A_338] {strides = array<i32>} : memref<16384xi32, #tpu.memory_space<vmem>>, vector<16xi32>,
        %ge3A = vector.broadcast %mul3A_2 : i32 to vector<16xi32>
        %ge3A_340 = arith.cmpi sge, %get3A_335, %ge3A : vector<16xi32>
        %add3A_341 = arith.constant 128 : i32
        %add3A_342 = arith.addi %mul3A_2, %add3A_341 : i32
        %lt3A = vector.broadcast %add3A_342 : i32 to vector<16xi32>
        %lt3A_343 = arith.cmpi slt, %get3A_335, %lt3A : vector<16xi32>
        %and3A = arith.andi %ge3A_340, %lt3A_343 : vector<16xi1>
        %sub3A = vector.broadcast %mul3A_2 : i32 to vector<16xi32>
        %sub3A_344 = arith.subi %get3A_335, %sub3A : vector<16xi32>
        %mul3A_345 = arith.constant 128 : i32
        %mul3A_346 = vector.broadcast %mul3A_345 : i32 to vector<16xi32>
        %mul3A_347 = arith.muli %sub3A_344, %mul3A_346 : vector<16xi32>
        %and3A_348 = arith.constant 127 : i32
        %and3A_349 = vector.broadcast %and3A_348 : i32 to vector<16xi32>
        %and3A_350 = arith.andi %get3A_339, %and3A_349 : vector<16xi32>
        %add3A_351 = arith.addi %mul3A_347, %and3A_350 : vector<16xi32>
        %jit3A = arith.constant 0 : i32
        %broadcast_in_dim3A_352 = vector.broadcast %jit3A : i32 to vector<16xi32>
        %select_n3A = arith.select %and3A, %add3A_351, %broadcast_in_dim3A_352 : vector<16xi1>, vector<16xi32>
        %shift_right_logical3A = arith.constant 7 : i32
        %shift_right_logical3A_353 = vector.broadcast %shift_right_logical3A : i32 to vector<16xi32>
        %shift_right_logical3A_354 = arith.shrui %get3A_339, %shift_right_logical3A_353 : vector<16xi32>
        %shift_left3A = arith.shli %broadcast_in_dim3A_32, %shift_right_logical3A_354 : vector<16xi32>
        %while3A = scf.while (%while3A_355 = %and3A) : (vector<16xi1>) -> vector<16xi1> {
          %reduce_or3A_356 = arith.constant 1.000000e+00 : f32
          %reduce_or3A_357 = arith.constant 0.000000e+00 : f32
          %reduce_or3A_358 = vector.broadcast %reduce_or3A_356 : f32 to vector<16xf32>
          %reduce_or3A_359 = vector.broadcast %reduce_or3A_357 : f32 to vector<16xf32>
          %reduce_or3A_360 = arith.select %while3A_355, %reduce_or3A_358, %reduce_or3A_359 : vector<16xi1>, vector<16xf32>
          %reduce_or3A_361 = arith.constant true
          %reduce_or3A_362 = vector.broadcast %reduce_or3A_361 : i1 to vector<16xi1>
          %reduce_or3A_363 = tpu.scan <max>, %reduce_or3A_360 masked %reduce_or3A_362 : vector<16xf32>, vector<16xi1> -> vector<16xf32>
          %reduce_or3A_364 = vector.extract %reduce_or3A_363[15] : f32 from vector<16xf32>
          %reduce_or3A_365 = arith.constant 0.000000e+00 : f32
          %reduce_or3A_366 = arith.cmpf ogt, %reduce_or3A_364, %reduce_or3A_365 : f32
          scf.condition(%reduce_or3A_366) %while3A_355 : vector<16xi1>
        } do {
        ^bb0(%while3A_355: vector<16xi1>):
          %gather3A = tpu.vector_load_idx %arg9[%select_n3A] masked %while3A_355 : memref<16384xi32, #tpu.memory_space<vmem>>[vector<16xi32>], vector<16xi32>, vector<16xi1>
          %and3A_356 = arith.andi %gather3A, %shift_left3A : vector<16xi32>
          %eq3A = arith.constant 0 : i32
          %eq3A_357 = vector.broadcast %eq3A : i32 to vector<16xi32>
          %eq3A_358 = arith.cmpi eq, %and3A_356, %eq3A_357 : vector<16xi32>
          %and3A_359 = arith.andi %while3A_355, %eq3A_358 : vector<16xi1>
          %or3A = arith.ori %gather3A, %shift_left3A : vector<16xi32>
          tpu.vector_store_idx %arg9[%select_n3A], %or3A masked %and3A_359 : memref<16384xi32, #tpu.memory_space<vmem>>[vector<16xi32>], vector<16xi32>, vector<16xi1>
          scf.yield %and3A_359 : vector<16xi1>
        }
      }
      %scan3A_331 = arith.constant 1024 : i32
    } else {
    }
    %dma_wait3A_52 = arith.constant 16384 : i32
    %dma_wait3A_53 = tpu.memref_slice %arg2[%dma_wait3A_52] : memref<131072xi32, #tpu.memory_space<hbm>> -> memref<16384xi32, #tpu.memory_space<hbm>>
    %dma_wait3A_54 = arith.constant 16384 : i32
    %dma_wait3A_55 = tpu.memref_slice %arg2[%dma_wait3A_54] : memref<131072xi32, #tpu.memory_space<hbm>> -> memref<16384xi32, #tpu.memory_space<hbm>>
    tpu.wait_dma2 semaphore(%arg11 : memref<!tpu.dma_semaphore, #tpu.memory_space<semaphore_mem>>) src(%dma_wait3A_55 : memref<16384xi32, #tpu.memory_space<hbm>>) dst(%arg7 : memref<16384xi32, #tpu.memory_space<vmem>>)
    %dma_wait3A_56 = arith.constant 16384 : i32
    %dma_wait3A_57 = tpu.memref_slice %arg3[%dma_wait3A_56] : memref<131072xi32, #tpu.memory_space<hbm>> -> memref<16384xi32, #tpu.memory_space<hbm>>
    %dma_wait3A_58 = arith.constant 16384 : i32
    %dma_wait3A_59 = tpu.memref_slice %arg3[%dma_wait3A_58] : memref<131072xi32, #tpu.memory_space<hbm>> -> memref<16384xi32, #tpu.memory_space<hbm>>
    tpu.wait_dma2 semaphore(%arg11 : memref<!tpu.dma_semaphore, #tpu.memory_space<semaphore_mem>>) src(%dma_wait3A_59 : memref<16384xi32, #tpu.memory_space<hbm>>) dst(%arg8 : memref<16384xi32, #tpu.memory_space<vmem>>)
    %dma_start3A_60 = arith.constant 32768 : i32
    %dma_start3A_61 = tpu.memref_slice %arg2[%dma_start3A_60] : memref<131072xi32, #tpu.memory_space<hbm>> -> memref<16384xi32, #tpu.memory_space<hbm>>
    %dma_start3A_62 = arith.constant 32768 : i32
    %dma_start3A_63 = tpu.memref_slice %arg2[%dma_start3A_62] : memref<131072xi32, #tpu.memory_space<hbm>> -> memref<16384xi32, #tpu.memory_space<hbm>>
    tpu.enqueue_dma source(%dma_start3A_63 : memref<16384xi32, #tpu.memory_space<hbm>>) target(%arg5 : memref<16384xi32, #tpu.memory_space<vmem>>) target_semaphore(%arg10 : memref<!tpu.dma_semaphore, #tpu.memory_space<semaphore_mem>>)
    %dma_start3A_64 = arith.constant 32768 : i32
    %dma_start3A_65 = tpu.memref_slice %arg3[%dma_start3A_64] : memref<131072xi32, #tpu.memory_space<hbm>> -> memref<16384xi32, #tpu.memory_space<hbm>>
    %dma_start3A_66 = arith.constant 32768 : i32
    %dma_start3A_67 = tpu.memref_slice %arg3[%dma_start3A_66] : memref<131072xi32, #tpu.memory_space<hbm>> -> memref<16384xi32, #tpu.memory_space<hbm>>
    tpu.enqueue_dma source(%dma_start3A_67 : memref<16384xi32, #tpu.memory_space<hbm>>) target(%arg6 : memref<16384xi32, #tpu.memory_space<vmem>>) target_semaphore(%arg10 : memref<!tpu.dma_semaphore, #tpu.memory_space<semaphore_mem>>)
    %broadcast_in_dim3A_68 = arith.constant 1 : i32
    %broadcast_in_dim3A_69 = vector.broadcast %broadcast_in_dim3A_68 : i32 to vector<16xi32>
    %broadcast_in_dim3A_70 = arith.constant false
    %broadcast_in_dim3A_71 = vector.broadcast %broadcast_in_dim3A_70 : i1 to vector<16xi1>
    %scan3A_72 = arith.constant 0 : i32
    %scan3A_73 = arith.constant 1024 : i32
    %scan3A_74 = arith.addi %scan3A_72, %scan3A_73 : i32
    %scan3A_75 = arith.constant 1 : i32
    %scan3A_76 = scf.for %scan3A_326 = %scan3A_72 to %scan3A_74 step %scan3A_75 iter_args(%scan3A_327 = %broadcast_in_dim3A_71) -> (vector<16xi1>)  : i32 {
      %mul3A_328 = arith.constant 16 : i32
      %mul3A_329 = arith.muli %scan3A_326, %mul3A_328 : i32
      %get3A = arith.index_cast %mul3A_329 : i32 to index
      %get3A_330 = tpu.vector_load %arg7[%get3A] {strides = array<i32>} : memref<16384xi32, #tpu.memory_space<vmem>>, vector<16xi32>,
      %mul3A_331 = arith.constant 16 : i32
      %mul3A_332 = arith.muli %scan3A_326, %mul3A_331 : i32
      %get3A_333 = arith.index_cast %mul3A_332 : i32 to index
      %get3A_334 = tpu.vector_load %arg8[%get3A_333] {strides = array<i32>} : memref<16384xi32, #tpu.memory_space<vmem>>, vector<16xi32>,
      %ge3A = vector.broadcast %mul3A_2 : i32 to vector<16xi32>
      %ge3A_335 = arith.cmpi sge, %get3A_330, %ge3A : vector<16xi32>
      %add3A_336 = arith.constant 128 : i32
      %add3A_337 = arith.addi %mul3A_2, %add3A_336 : i32
      %lt3A = vector.broadcast %add3A_337 : i32 to vector<16xi32>
      %lt3A_338 = arith.cmpi slt, %get3A_330, %lt3A : vector<16xi32>
      %and3A = arith.andi %ge3A_335, %lt3A_338 : vector<16xi1>
      %sub3A = vector.broadcast %mul3A_2 : i32 to vector<16xi32>
      %sub3A_339 = arith.subi %get3A_330, %sub3A : vector<16xi32>
      %mul3A_340 = arith.constant 128 : i32
      %mul3A_341 = vector.broadcast %mul3A_340 : i32 to vector<16xi32>
      %mul3A_342 = arith.muli %sub3A_339, %mul3A_341 : vector<16xi32>
      %and3A_343 = arith.constant 127 : i32
      %and3A_344 = vector.broadcast %and3A_343 : i32 to vector<16xi32>
      %and3A_345 = arith.andi %get3A_334, %and3A_344 : vector<16xi32>
      %add3A_346 = arith.addi %mul3A_342, %and3A_345 : vector<16xi32>
      %jit3A = arith.constant 0 : i32
      %broadcast_in_dim3A_347 = vector.broadcast %jit3A : i32 to vector<16xi32>
      %select_n3A = arith.select %and3A, %add3A_346, %broadcast_in_dim3A_347 : vector<16xi1>, vector<16xi32>
      %shift_right_logical3A = arith.constant 7 : i32
      %shift_right_logical3A_348 = vector.broadcast %shift_right_logical3A : i32 to vector<16xi32>
      %shift_right_logical3A_349 = arith.shrui %get3A_334, %shift_right_logical3A_348 : vector<16xi32>
      %shift_left3A = arith.shli %broadcast_in_dim3A_69, %shift_right_logical3A_349 : vector<16xi32>
      %gather3A = tpu.vector_load_idx %arg9[%select_n3A] masked %and3A : memref<16384xi32, #tpu.memory_space<vmem>>[vector<16xi32>], vector<16xi32>, vector<16xi1>
      %or3A = arith.ori %gather3A, %shift_left3A : vector<16xi32>
      tpu.vector_store_idx %arg9[%select_n3A], %or3A masked %and3A : memref<16384xi32, #tpu.memory_space<vmem>>[vector<16xi32>], vector<16xi32>, vector<16xi1>
      %gather3A_350 = tpu.vector_load_idx %arg9[%select_n3A] masked %and3A : memref<16384xi32, #tpu.memory_space<vmem>>[vector<16xi32>], vector<16xi32>, vector<16xi1>
      %and3A_351 = arith.andi %gather3A_350, %shift_left3A : vector<16xi32>
      %eq3A = arith.constant 0 : i32
      %eq3A_352 = vector.broadcast %eq3A : i32 to vector<16xi32>
      %eq3A_353 = arith.cmpi eq, %and3A_351, %eq3A_352 : vector<16xi32>
      %and3A_354 = arith.andi %and3A, %eq3A_353 : vector<16xi1>
      %or3A_355 = arith.ori %scan3A_327, %and3A_354 : vector<16xi1>
      scf.yield %or3A_355 : vector<16xi1>
    }
    %scan3A_77 = arith.constant 1024 : i32
    %reduce_or3A_78 = arith.constant 1.000000e+00 : f32
    %reduce_or3A_79 = arith.constant 0.000000e+00 : f32
    %reduce_or3A_80 = vector.broadcast %reduce_or3A_78 : f32 to vector<16xf32>
    %reduce_or3A_81 = vector.broadcast %reduce_or3A_79 : f32 to vector<16xf32>
    %reduce_or3A_82 = arith.select %scan3A_76, %reduce_or3A_80, %reduce_or3A_81 : vector<16xi1>, vector<16xf32>
    %reduce_or3A_83 = arith.constant true
    %reduce_or3A_84 = vector.broadcast %reduce_or3A_83 : i1 to vector<16xi1>
    %reduce_or3A_85 = tpu.scan <max>, %reduce_or3A_82 masked %reduce_or3A_84 : vector<16xf32>, vector<16xi1> -> vector<16xf32>
    %reduce_or3A_86 = vector.extract %reduce_or3A_85[15] : f32 from vector<16xf32>
    %reduce_or3A_87 = arith.constant 0.000000e+00 : f32
    %reduce_or3A_88 = arith.cmpf ogt, %reduce_or3A_86, %reduce_or3A_87 : f32
    %convert_element_type3A_89 = arith.extui %reduce_or3A_88 : i1 to i32
    %cond3A_90 = arith.constant 0 : i32
    %cond3A_91 = arith.cmpi ne, %convert_element_type3A_89, %cond3A_90 : i32
    scf.if %cond3A_91 {
      %scan3A_326 = arith.constant 0 : i32
      %scan3A_327 = arith.constant 0 : i32
      %scan3A_328 = arith.constant 1024 : i32
      %scan3A_329 = arith.addi %scan3A_327, %scan3A_328 : i32
      %scan3A_330 = arith.constant 1 : i32
      scf.for %scan3A_332 = %scan3A_327 to %scan3A_329 step %scan3A_330  : i32 {
        %mul3A_333 = arith.constant 16 : i32
        %mul3A_334 = arith.muli %scan3A_332, %mul3A_333 : i32
        %get3A = arith.index_cast %mul3A_334 : i32 to index
        %get3A_335 = tpu.vector_load %arg7[%get3A] {strides = array<i32>} : memref<16384xi32, #tpu.memory_space<vmem>>, vector<16xi32>,
        %mul3A_336 = arith.constant 16 : i32
        %mul3A_337 = arith.muli %scan3A_332, %mul3A_336 : i32
        %get3A_338 = arith.index_cast %mul3A_337 : i32 to index
        %get3A_339 = tpu.vector_load %arg8[%get3A_338] {strides = array<i32>} : memref<16384xi32, #tpu.memory_space<vmem>>, vector<16xi32>,
        %ge3A = vector.broadcast %mul3A_2 : i32 to vector<16xi32>
        %ge3A_340 = arith.cmpi sge, %get3A_335, %ge3A : vector<16xi32>
        %add3A_341 = arith.constant 128 : i32
        %add3A_342 = arith.addi %mul3A_2, %add3A_341 : i32
        %lt3A = vector.broadcast %add3A_342 : i32 to vector<16xi32>
        %lt3A_343 = arith.cmpi slt, %get3A_335, %lt3A : vector<16xi32>
        %and3A = arith.andi %ge3A_340, %lt3A_343 : vector<16xi1>
        %sub3A = vector.broadcast %mul3A_2 : i32 to vector<16xi32>
        %sub3A_344 = arith.subi %get3A_335, %sub3A : vector<16xi32>
        %mul3A_345 = arith.constant 128 : i32
        %mul3A_346 = vector.broadcast %mul3A_345 : i32 to vector<16xi32>
        %mul3A_347 = arith.muli %sub3A_344, %mul3A_346 : vector<16xi32>
        %and3A_348 = arith.constant 127 : i32
        %and3A_349 = vector.broadcast %and3A_348 : i32 to vector<16xi32>
        %and3A_350 = arith.andi %get3A_339, %and3A_349 : vector<16xi32>
        %add3A_351 = arith.addi %mul3A_347, %and3A_350 : vector<16xi32>
        %jit3A = arith.constant 0 : i32
        %broadcast_in_dim3A_352 = vector.broadcast %jit3A : i32 to vector<16xi32>
        %select_n3A = arith.select %and3A, %add3A_351, %broadcast_in_dim3A_352 : vector<16xi1>, vector<16xi32>
        %shift_right_logical3A = arith.constant 7 : i32
        %shift_right_logical3A_353 = vector.broadcast %shift_right_logical3A : i32 to vector<16xi32>
        %shift_right_logical3A_354 = arith.shrui %get3A_339, %shift_right_logical3A_353 : vector<16xi32>
        %shift_left3A = arith.shli %broadcast_in_dim3A_69, %shift_right_logical3A_354 : vector<16xi32>
        %while3A = scf.while (%while3A_355 = %and3A) : (vector<16xi1>) -> vector<16xi1> {
          %reduce_or3A_356 = arith.constant 1.000000e+00 : f32
          %reduce_or3A_357 = arith.constant 0.000000e+00 : f32
          %reduce_or3A_358 = vector.broadcast %reduce_or3A_356 : f32 to vector<16xf32>
          %reduce_or3A_359 = vector.broadcast %reduce_or3A_357 : f32 to vector<16xf32>
          %reduce_or3A_360 = arith.select %while3A_355, %reduce_or3A_358, %reduce_or3A_359 : vector<16xi1>, vector<16xf32>
          %reduce_or3A_361 = arith.constant true
          %reduce_or3A_362 = vector.broadcast %reduce_or3A_361 : i1 to vector<16xi1>
          %reduce_or3A_363 = tpu.scan <max>, %reduce_or3A_360 masked %reduce_or3A_362 : vector<16xf32>, vector<16xi1> -> vector<16xf32>
          %reduce_or3A_364 = vector.extract %reduce_or3A_363[15] : f32 from vector<16xf32>
          %reduce_or3A_365 = arith.constant 0.000000e+00 : f32
          %reduce_or3A_366 = arith.cmpf ogt, %reduce_or3A_364, %reduce_or3A_365 : f32
          scf.condition(%reduce_or3A_366) %while3A_355 : vector<16xi1>
        } do {
        ^bb0(%while3A_355: vector<16xi1>):
          %gather3A = tpu.vector_load_idx %arg9[%select_n3A] masked %while3A_355 : memref<16384xi32, #tpu.memory_space<vmem>>[vector<16xi32>], vector<16xi32>, vector<16xi1>
          %and3A_356 = arith.andi %gather3A, %shift_left3A : vector<16xi32>
          %eq3A = arith.constant 0 : i32
          %eq3A_357 = vector.broadcast %eq3A : i32 to vector<16xi32>
          %eq3A_358 = arith.cmpi eq, %and3A_356, %eq3A_357 : vector<16xi32>
          %and3A_359 = arith.andi %while3A_355, %eq3A_358 : vector<16xi1>
          %or3A = arith.ori %gather3A, %shift_left3A : vector<16xi32>
          tpu.vector_store_idx %arg9[%select_n3A], %or3A masked %and3A_359 : memref<16384xi32, #tpu.memory_space<vmem>>[vector<16xi32>], vector<16xi32>, vector<16xi1>
          scf.yield %and3A_359 : vector<16xi1>
        }
      }
      %scan3A_331 = arith.constant 1024 : i32
    } else {
    }
    %dma_wait3A_92 = arith.constant 32768 : i32
    %dma_wait3A_93 = tpu.memref_slice %arg2[%dma_wait3A_92] : memref<131072xi32, #tpu.memory_space<hbm>> -> memref<16384xi32, #tpu.memory_space<hbm>>
    %dma_wait3A_94 = arith.constant 32768 : i32
    %dma_wait3A_95 = tpu.memref_slice %arg2[%dma_wait3A_94] : memref<131072xi32, #tpu.memory_space<hbm>> -> memref<16384xi32, #tpu.memory_space<hbm>>
    tpu.wait_dma2 semaphore(%arg10 : memref<!tpu.dma_semaphore, #tpu.memory_space<semaphore_mem>>) src(%dma_wait3A_95 : memref<16384xi32, #tpu.memory_space<hbm>>) dst(%arg5 : memref<16384xi32, #tpu.memory_space<vmem>>)
    %dma_wait3A_96 = arith.constant 32768 : i32
    %dma_wait3A_97 = tpu.memref_slice %arg3[%dma_wait3A_96] : memref<131072xi32, #tpu.memory_space<hbm>> -> memref<16384xi32, #tpu.memory_space<hbm>>
    %dma_wait3A_98 = arith.constant 32768 : i32
    %dma_wait3A_99 = tpu.memref_slice %arg3[%dma_wait3A_98] : memref<131072xi32, #tpu.memory_space<hbm>> -> memref<16384xi32, #tpu.memory_space<hbm>>
    tpu.wait_dma2 semaphore(%arg10 : memref<!tpu.dma_semaphore, #tpu.memory_space<semaphore_mem>>) src(%dma_wait3A_99 : memref<16384xi32, #tpu.memory_space<hbm>>) dst(%arg6 : memref<16384xi32, #tpu.memory_space<vmem>>)
    %dma_start3A_100 = arith.constant 49152 : i32
    %dma_start3A_101 = tpu.memref_slice %arg2[%dma_start3A_100] : memref<131072xi32, #tpu.memory_space<hbm>> -> memref<16384xi32, #tpu.memory_space<hbm>>
    %dma_start3A_102 = arith.constant 49152 : i32
    %dma_start3A_103 = tpu.memref_slice %arg2[%dma_start3A_102] : memref<131072xi32, #tpu.memory_space<hbm>> -> memref<16384xi32, #tpu.memory_space<hbm>>
    tpu.enqueue_dma source(%dma_start3A_103 : memref<16384xi32, #tpu.memory_space<hbm>>) target(%arg7 : memref<16384xi32, #tpu.memory_space<vmem>>) target_semaphore(%arg11 : memref<!tpu.dma_semaphore, #tpu.memory_space<semaphore_mem>>)
    %dma_start3A_104 = arith.constant 49152 : i32
    %dma_start3A_105 = tpu.memref_slice %arg3[%dma_start3A_104] : memref<131072xi32, #tpu.memory_space<hbm>> -> memref<16384xi32, #tpu.memory_space<hbm>>
    %dma_start3A_106 = arith.constant 49152 : i32
    %dma_start3A_107 = tpu.memref_slice %arg3[%dma_start3A_106] : memref<131072xi32, #tpu.memory_space<hbm>> -> memref<16384xi32, #tpu.memory_space<hbm>>
    tpu.enqueue_dma source(%dma_start3A_107 : memref<16384xi32, #tpu.memory_space<hbm>>) target(%arg8 : memref<16384xi32, #tpu.memory_space<vmem>>) target_semaphore(%arg11 : memref<!tpu.dma_semaphore, #tpu.memory_space<semaphore_mem>>)
    %broadcast_in_dim3A_108 = arith.constant 1 : i32
    %broadcast_in_dim3A_109 = vector.broadcast %broadcast_in_dim3A_108 : i32 to vector<16xi32>
    %broadcast_in_dim3A_110 = arith.constant false
    %broadcast_in_dim3A_111 = vector.broadcast %broadcast_in_dim3A_110 : i1 to vector<16xi1>
    %scan3A_112 = arith.constant 0 : i32
    %scan3A_113 = arith.constant 1024 : i32
    %scan3A_114 = arith.addi %scan3A_112, %scan3A_113 : i32
    %scan3A_115 = arith.constant 1 : i32
    %scan3A_116 = scf.for %scan3A_326 = %scan3A_112 to %scan3A_114 step %scan3A_115 iter_args(%scan3A_327 = %broadcast_in_dim3A_111) -> (vector<16xi1>)  : i32 {
      %mul3A_328 = arith.constant 16 : i32
      %mul3A_329 = arith.muli %scan3A_326, %mul3A_328 : i32
      %get3A = arith.index_cast %mul3A_329 : i32 to index
      %get3A_330 = tpu.vector_load %arg5[%get3A] {strides = array<i32>} : memref<16384xi32, #tpu.memory_space<vmem>>, vector<16xi32>,
      %mul3A_331 = arith.constant 16 : i32
      %mul3A_332 = arith.muli %scan3A_326, %mul3A_331 : i32
      %get3A_333 = arith.index_cast %mul3A_332 : i32 to index
      %get3A_334 = tpu.vector_load %arg6[%get3A_333] {strides = array<i32>} : memref<16384xi32, #tpu.memory_space<vmem>>, vector<16xi32>,
      %ge3A = vector.broadcast %mul3A_2 : i32 to vector<16xi32>
      %ge3A_335 = arith.cmpi sge, %get3A_330, %ge3A : vector<16xi32>
      %add3A_336 = arith.constant 128 : i32
      %add3A_337 = arith.addi %mul3A_2, %add3A_336 : i32
      %lt3A = vector.broadcast %add3A_337 : i32 to vector<16xi32>
      %lt3A_338 = arith.cmpi slt, %get3A_330, %lt3A : vector<16xi32>
      %and3A = arith.andi %ge3A_335, %lt3A_338 : vector<16xi1>
      %sub3A = vector.broadcast %mul3A_2 : i32 to vector<16xi32>
      %sub3A_339 = arith.subi %get3A_330, %sub3A : vector<16xi32>
      %mul3A_340 = arith.constant 128 : i32
      %mul3A_341 = vector.broadcast %mul3A_340 : i32 to vector<16xi32>
      %mul3A_342 = arith.muli %sub3A_339, %mul3A_341 : vector<16xi32>
      %and3A_343 = arith.constant 127 : i32
      %and3A_344 = vector.broadcast %and3A_343 : i32 to vector<16xi32>
      %and3A_345 = arith.andi %get3A_334, %and3A_344 : vector<16xi32>
      %add3A_346 = arith.addi %mul3A_342, %and3A_345 : vector<16xi32>
      %jit3A = arith.constant 0 : i32
      %broadcast_in_dim3A_347 = vector.broadcast %jit3A : i32 to vector<16xi32>
      %select_n3A = arith.select %and3A, %add3A_346, %broadcast_in_dim3A_347 : vector<16xi1>, vector<16xi32>
      %shift_right_logical3A = arith.constant 7 : i32
      %shift_right_logical3A_348 = vector.broadcast %shift_right_logical3A : i32 to vector<16xi32>
      %shift_right_logical3A_349 = arith.shrui %get3A_334, %shift_right_logical3A_348 : vector<16xi32>
      %shift_left3A = arith.shli %broadcast_in_dim3A_109, %shift_right_logical3A_349 : vector<16xi32>
      %gather3A = tpu.vector_load_idx %arg9[%select_n3A] masked %and3A : memref<16384xi32, #tpu.memory_space<vmem>>[vector<16xi32>], vector<16xi32>, vector<16xi1>
      %or3A = arith.ori %gather3A, %shift_left3A : vector<16xi32>
      tpu.vector_store_idx %arg9[%select_n3A], %or3A masked %and3A : memref<16384xi32, #tpu.memory_space<vmem>>[vector<16xi32>], vector<16xi32>, vector<16xi1>
      %gather3A_350 = tpu.vector_load_idx %arg9[%select_n3A] masked %and3A : memref<16384xi32, #tpu.memory_space<vmem>>[vector<16xi32>], vector<16xi32>, vector<16xi1>
      %and3A_351 = arith.andi %gather3A_350, %shift_left3A : vector<16xi32>
      %eq3A = arith.constant 0 : i32
      %eq3A_352 = vector.broadcast %eq3A : i32 to vector<16xi32>
      %eq3A_353 = arith.cmpi eq, %and3A_351, %eq3A_352 : vector<16xi32>
      %and3A_354 = arith.andi %and3A, %eq3A_353 : vector<16xi1>
      %or3A_355 = arith.ori %scan3A_327, %and3A_354 : vector<16xi1>
      scf.yield %or3A_355 : vector<16xi1>
    }
    %scan3A_117 = arith.constant 1024 : i32
    %reduce_or3A_118 = arith.constant 1.000000e+00 : f32
    %reduce_or3A_119 = arith.constant 0.000000e+00 : f32
    %reduce_or3A_120 = vector.broadcast %reduce_or3A_118 : f32 to vector<16xf32>
    %reduce_or3A_121 = vector.broadcast %reduce_or3A_119 : f32 to vector<16xf32>
    %reduce_or3A_122 = arith.select %scan3A_116, %reduce_or3A_120, %reduce_or3A_121 : vector<16xi1>, vector<16xf32>
    %reduce_or3A_123 = arith.constant true
    %reduce_or3A_124 = vector.broadcast %reduce_or3A_123 : i1 to vector<16xi1>
    %reduce_or3A_125 = tpu.scan <max>, %reduce_or3A_122 masked %reduce_or3A_124 : vector<16xf32>, vector<16xi1> -> vector<16xf32>
    %reduce_or3A_126 = vector.extract %reduce_or3A_125[15] : f32 from vector<16xf32>
    %reduce_or3A_127 = arith.constant 0.000000e+00 : f32
    %reduce_or3A_128 = arith.cmpf ogt, %reduce_or3A_126, %reduce_or3A_127 : f32
    %convert_element_type3A_129 = arith.extui %reduce_or3A_128 : i1 to i32
    %cond3A_130 = arith.constant 0 : i32
    %cond3A_131 = arith.cmpi ne, %convert_element_type3A_129, %cond3A_130 : i32
    scf.if %cond3A_131 {
      %scan3A_326 = arith.constant 0 : i32
      %scan3A_327 = arith.constant 0 : i32
      %scan3A_328 = arith.constant 1024 : i32
      %scan3A_329 = arith.addi %scan3A_327, %scan3A_328 : i32
      %scan3A_330 = arith.constant 1 : i32
      scf.for %scan3A_332 = %scan3A_327 to %scan3A_329 step %scan3A_330  : i32 {
        %mul3A_333 = arith.constant 16 : i32
        %mul3A_334 = arith.muli %scan3A_332, %mul3A_333 : i32
        %get3A = arith.index_cast %mul3A_334 : i32 to index
        %get3A_335 = tpu.vector_load %arg5[%get3A] {strides = array<i32>} : memref<16384xi32, #tpu.memory_space<vmem>>, vector<16xi32>,
        %mul3A_336 = arith.constant 16 : i32
        %mul3A_337 = arith.muli %scan3A_332, %mul3A_336 : i32
        %get3A_338 = arith.index_cast %mul3A_337 : i32 to index
        %get3A_339 = tpu.vector_load %arg6[%get3A_338] {strides = array<i32>} : memref<16384xi32, #tpu.memory_space<vmem>>, vector<16xi32>,
        %ge3A = vector.broadcast %mul3A_2 : i32 to vector<16xi32>
        %ge3A_340 = arith.cmpi sge, %get3A_335, %ge3A : vector<16xi32>
        %add3A_341 = arith.constant 128 : i32
        %add3A_342 = arith.addi %mul3A_2, %add3A_341 : i32
        %lt3A = vector.broadcast %add3A_342 : i32 to vector<16xi32>
        %lt3A_343 = arith.cmpi slt, %get3A_335, %lt3A : vector<16xi32>
        %and3A = arith.andi %ge3A_340, %lt3A_343 : vector<16xi1>
        %sub3A = vector.broadcast %mul3A_2 : i32 to vector<16xi32>
        %sub3A_344 = arith.subi %get3A_335, %sub3A : vector<16xi32>
        %mul3A_345 = arith.constant 128 : i32
        %mul3A_346 = vector.broadcast %mul3A_345 : i32 to vector<16xi32>
        %mul3A_347 = arith.muli %sub3A_344, %mul3A_346 : vector<16xi32>
        %and3A_348 = arith.constant 127 : i32
        %and3A_349 = vector.broadcast %and3A_348 : i32 to vector<16xi32>
        %and3A_350 = arith.andi %get3A_339, %and3A_349 : vector<16xi32>
        %add3A_351 = arith.addi %mul3A_347, %and3A_350 : vector<16xi32>
        %jit3A = arith.constant 0 : i32
        %broadcast_in_dim3A_352 = vector.broadcast %jit3A : i32 to vector<16xi32>
        %select_n3A = arith.select %and3A, %add3A_351, %broadcast_in_dim3A_352 : vector<16xi1>, vector<16xi32>
        %shift_right_logical3A = arith.constant 7 : i32
        %shift_right_logical3A_353 = vector.broadcast %shift_right_logical3A : i32 to vector<16xi32>
        %shift_right_logical3A_354 = arith.shrui %get3A_339, %shift_right_logical3A_353 : vector<16xi32>
        %shift_left3A = arith.shli %broadcast_in_dim3A_109, %shift_right_logical3A_354 : vector<16xi32>
        %while3A = scf.while (%while3A_355 = %and3A) : (vector<16xi1>) -> vector<16xi1> {
          %reduce_or3A_356 = arith.constant 1.000000e+00 : f32
          %reduce_or3A_357 = arith.constant 0.000000e+00 : f32
          %reduce_or3A_358 = vector.broadcast %reduce_or3A_356 : f32 to vector<16xf32>
          %reduce_or3A_359 = vector.broadcast %reduce_or3A_357 : f32 to vector<16xf32>
          %reduce_or3A_360 = arith.select %while3A_355, %reduce_or3A_358, %reduce_or3A_359 : vector<16xi1>, vector<16xf32>
          %reduce_or3A_361 = arith.constant true
          %reduce_or3A_362 = vector.broadcast %reduce_or3A_361 : i1 to vector<16xi1>
          %reduce_or3A_363 = tpu.scan <max>, %reduce_or3A_360 masked %reduce_or3A_362 : vector<16xf32>, vector<16xi1> -> vector<16xf32>
          %reduce_or3A_364 = vector.extract %reduce_or3A_363[15] : f32 from vector<16xf32>
          %reduce_or3A_365 = arith.constant 0.000000e+00 : f32
          %reduce_or3A_366 = arith.cmpf ogt, %reduce_or3A_364, %reduce_or3A_365 : f32
          scf.condition(%reduce_or3A_366) %while3A_355 : vector<16xi1>
        } do {
        ^bb0(%while3A_355: vector<16xi1>):
          %gather3A = tpu.vector_load_idx %arg9[%select_n3A] masked %while3A_355 : memref<16384xi32, #tpu.memory_space<vmem>>[vector<16xi32>], vector<16xi32>, vector<16xi1>
          %and3A_356 = arith.andi %gather3A, %shift_left3A : vector<16xi32>
          %eq3A = arith.constant 0 : i32
          %eq3A_357 = vector.broadcast %eq3A : i32 to vector<16xi32>
          %eq3A_358 = arith.cmpi eq, %and3A_356, %eq3A_357 : vector<16xi32>
          %and3A_359 = arith.andi %while3A_355, %eq3A_358 : vector<16xi1>
          %or3A = arith.ori %gather3A, %shift_left3A : vector<16xi32>
          tpu.vector_store_idx %arg9[%select_n3A], %or3A masked %and3A_359 : memref<16384xi32, #tpu.memory_space<vmem>>[vector<16xi32>], vector<16xi32>, vector<16xi1>
          scf.yield %and3A_359 : vector<16xi1>
        }
      }
      %scan3A_331 = arith.constant 1024 : i32
    } else {
    }
    %dma_wait3A_132 = arith.constant 49152 : i32
    %dma_wait3A_133 = tpu.memref_slice %arg2[%dma_wait3A_132] : memref<131072xi32, #tpu.memory_space<hbm>> -> memref<16384xi32, #tpu.memory_space<hbm>>
    %dma_wait3A_134 = arith.constant 49152 : i32
    %dma_wait3A_135 = tpu.memref_slice %arg2[%dma_wait3A_134] : memref<131072xi32, #tpu.memory_space<hbm>> -> memref<16384xi32, #tpu.memory_space<hbm>>
    tpu.wait_dma2 semaphore(%arg11 : memref<!tpu.dma_semaphore, #tpu.memory_space<semaphore_mem>>) src(%dma_wait3A_135 : memref<16384xi32, #tpu.memory_space<hbm>>) dst(%arg7 : memref<16384xi32, #tpu.memory_space<vmem>>)
    %dma_wait3A_136 = arith.constant 49152 : i32
    %dma_wait3A_137 = tpu.memref_slice %arg3[%dma_wait3A_136] : memref<131072xi32, #tpu.memory_space<hbm>> -> memref<16384xi32, #tpu.memory_space<hbm>>
    %dma_wait3A_138 = arith.constant 49152 : i32
    %dma_wait3A_139 = tpu.memref_slice %arg3[%dma_wait3A_138] : memref<131072xi32, #tpu.memory_space<hbm>> -> memref<16384xi32, #tpu.memory_space<hbm>>
    tpu.wait_dma2 semaphore(%arg11 : memref<!tpu.dma_semaphore, #tpu.memory_space<semaphore_mem>>) src(%dma_wait3A_139 : memref<16384xi32, #tpu.memory_space<hbm>>) dst(%arg8 : memref<16384xi32, #tpu.memory_space<vmem>>)
    %dma_start3A_140 = arith.constant 65536 : i32
    %dma_start3A_141 = tpu.memref_slice %arg2[%dma_start3A_140] : memref<131072xi32, #tpu.memory_space<hbm>> -> memref<16384xi32, #tpu.memory_space<hbm>>
    %dma_start3A_142 = arith.constant 65536 : i32
    %dma_start3A_143 = tpu.memref_slice %arg2[%dma_start3A_142] : memref<131072xi32, #tpu.memory_space<hbm>> -> memref<16384xi32, #tpu.memory_space<hbm>>
    tpu.enqueue_dma source(%dma_start3A_143 : memref<16384xi32, #tpu.memory_space<hbm>>) target(%arg5 : memref<16384xi32, #tpu.memory_space<vmem>>) target_semaphore(%arg10 : memref<!tpu.dma_semaphore, #tpu.memory_space<semaphore_mem>>)
    %dma_start3A_144 = arith.constant 65536 : i32
    %dma_start3A_145 = tpu.memref_slice %arg3[%dma_start3A_144] : memref<131072xi32, #tpu.memory_space<hbm>> -> memref<16384xi32, #tpu.memory_space<hbm>>
    %dma_start3A_146 = arith.constant 65536 : i32
    %dma_start3A_147 = tpu.memref_slice %arg3[%dma_start3A_146] : memref<131072xi32, #tpu.memory_space<hbm>> -> memref<16384xi32, #tpu.memory_space<hbm>>
    tpu.enqueue_dma source(%dma_start3A_147 : memref<16384xi32, #tpu.memory_space<hbm>>) target(%arg6 : memref<16384xi32, #tpu.memory_space<vmem>>) target_semaphore(%arg10 : memref<!tpu.dma_semaphore, #tpu.memory_space<semaphore_mem>>)
    %broadcast_in_dim3A_148 = arith.constant 1 : i32
    %broadcast_in_dim3A_149 = vector.broadcast %broadcast_in_dim3A_148 : i32 to vector<16xi32>
    %broadcast_in_dim3A_150 = arith.constant false
    %broadcast_in_dim3A_151 = vector.broadcast %broadcast_in_dim3A_150 : i1 to vector<16xi1>
    %scan3A_152 = arith.constant 0 : i32
    %scan3A_153 = arith.constant 1024 : i32
    %scan3A_154 = arith.addi %scan3A_152, %scan3A_153 : i32
    %scan3A_155 = arith.constant 1 : i32
    %scan3A_156 = scf.for %scan3A_326 = %scan3A_152 to %scan3A_154 step %scan3A_155 iter_args(%scan3A_327 = %broadcast_in_dim3A_151) -> (vector<16xi1>)  : i32 {
      %mul3A_328 = arith.constant 16 : i32
      %mul3A_329 = arith.muli %scan3A_326, %mul3A_328 : i32
      %get3A = arith.index_cast %mul3A_329 : i32 to index
      %get3A_330 = tpu.vector_load %arg7[%get3A] {strides = array<i32>} : memref<16384xi32, #tpu.memory_space<vmem>>, vector<16xi32>,
      %mul3A_331 = arith.constant 16 : i32
      %mul3A_332 = arith.muli %scan3A_326, %mul3A_331 : i32
      %get3A_333 = arith.index_cast %mul3A_332 : i32 to index
      %get3A_334 = tpu.vector_load %arg8[%get3A_333] {strides = array<i32>} : memref<16384xi32, #tpu.memory_space<vmem>>, vector<16xi32>,
      %ge3A = vector.broadcast %mul3A_2 : i32 to vector<16xi32>
      %ge3A_335 = arith.cmpi sge, %get3A_330, %ge3A : vector<16xi32>
      %add3A_336 = arith.constant 128 : i32
      %add3A_337 = arith.addi %mul3A_2, %add3A_336 : i32
      %lt3A = vector.broadcast %add3A_337 : i32 to vector<16xi32>
      %lt3A_338 = arith.cmpi slt, %get3A_330, %lt3A : vector<16xi32>
      %and3A = arith.andi %ge3A_335, %lt3A_338 : vector<16xi1>
      %sub3A = vector.broadcast %mul3A_2 : i32 to vector<16xi32>
      %sub3A_339 = arith.subi %get3A_330, %sub3A : vector<16xi32>
      %mul3A_340 = arith.constant 128 : i32
      %mul3A_341 = vector.broadcast %mul3A_340 : i32 to vector<16xi32>
      %mul3A_342 = arith.muli %sub3A_339, %mul3A_341 : vector<16xi32>
      %and3A_343 = arith.constant 127 : i32
      %and3A_344 = vector.broadcast %and3A_343 : i32 to vector<16xi32>
      %and3A_345 = arith.andi %get3A_334, %and3A_344 : vector<16xi32>
      %add3A_346 = arith.addi %mul3A_342, %and3A_345 : vector<16xi32>
      %jit3A = arith.constant 0 : i32
      %broadcast_in_dim3A_347 = vector.broadcast %jit3A : i32 to vector<16xi32>
      %select_n3A = arith.select %and3A, %add3A_346, %broadcast_in_dim3A_347 : vector<16xi1>, vector<16xi32>
      %shift_right_logical3A = arith.constant 7 : i32
      %shift_right_logical3A_348 = vector.broadcast %shift_right_logical3A : i32 to vector<16xi32>
      %shift_right_logical3A_349 = arith.shrui %get3A_334, %shift_right_logical3A_348 : vector<16xi32>
      %shift_left3A = arith.shli %broadcast_in_dim3A_149, %shift_right_logical3A_349 : vector<16xi32>
      %gather3A = tpu.vector_load_idx %arg9[%select_n3A] masked %and3A : memref<16384xi32, #tpu.memory_space<vmem>>[vector<16xi32>], vector<16xi32>, vector<16xi1>
      %or3A = arith.ori %gather3A, %shift_left3A : vector<16xi32>
      tpu.vector_store_idx %arg9[%select_n3A], %or3A masked %and3A : memref<16384xi32, #tpu.memory_space<vmem>>[vector<16xi32>], vector<16xi32>, vector<16xi1>
      %gather3A_350 = tpu.vector_load_idx %arg9[%select_n3A] masked %and3A : memref<16384xi32, #tpu.memory_space<vmem>>[vector<16xi32>], vector<16xi32>, vector<16xi1>
      %and3A_351 = arith.andi %gather3A_350, %shift_left3A : vector<16xi32>
      %eq3A = arith.constant 0 : i32
      %eq3A_352 = vector.broadcast %eq3A : i32 to vector<16xi32>
      %eq3A_353 = arith.cmpi eq, %and3A_351, %eq3A_352 : vector<16xi32>
      %and3A_354 = arith.andi %and3A, %eq3A_353 : vector<16xi1>
      %or3A_355 = arith.ori %scan3A_327, %and3A_354 : vector<16xi1>
      scf.yield %or3A_355 : vector<16xi1>
    }
    %scan3A_157 = arith.constant 1024 : i32
    %reduce_or3A_158 = arith.constant 1.000000e+00 : f32
    %reduce_or3A_159 = arith.constant 0.000000e+00 : f32
    %reduce_or3A_160 = vector.broadcast %reduce_or3A_158 : f32 to vector<16xf32>
    %reduce_or3A_161 = vector.broadcast %reduce_or3A_159 : f32 to vector<16xf32>
    %reduce_or3A_162 = arith.select %scan3A_156, %reduce_or3A_160, %reduce_or3A_161 : vector<16xi1>, vector<16xf32>
    %reduce_or3A_163 = arith.constant true
    %reduce_or3A_164 = vector.broadcast %reduce_or3A_163 : i1 to vector<16xi1>
    %reduce_or3A_165 = tpu.scan <max>, %reduce_or3A_162 masked %reduce_or3A_164 : vector<16xf32>, vector<16xi1> -> vector<16xf32>
    %reduce_or3A_166 = vector.extract %reduce_or3A_165[15] : f32 from vector<16xf32>
    %reduce_or3A_167 = arith.constant 0.000000e+00 : f32
    %reduce_or3A_168 = arith.cmpf ogt, %reduce_or3A_166, %reduce_or3A_167 : f32
    %convert_element_type3A_169 = arith.extui %reduce_or3A_168 : i1 to i32
    %cond3A_170 = arith.constant 0 : i32
    %cond3A_171 = arith.cmpi ne, %convert_element_type3A_169, %cond3A_170 : i32
    scf.if %cond3A_171 {
      %scan3A_326 = arith.constant 0 : i32
      %scan3A_327 = arith.constant 0 : i32
      %scan3A_328 = arith.constant 1024 : i32
      %scan3A_329 = arith.addi %scan3A_327, %scan3A_328 : i32
      %scan3A_330 = arith.constant 1 : i32
      scf.for %scan3A_332 = %scan3A_327 to %scan3A_329 step %scan3A_330  : i32 {
        %mul3A_333 = arith.constant 16 : i32
        %mul3A_334 = arith.muli %scan3A_332, %mul3A_333 : i32
        %get3A = arith.index_cast %mul3A_334 : i32 to index
        %get3A_335 = tpu.vector_load %arg7[%get3A] {strides = array<i32>} : memref<16384xi32, #tpu.memory_space<vmem>>, vector<16xi32>,
        %mul3A_336 = arith.constant 16 : i32
        %mul3A_337 = arith.muli %scan3A_332, %mul3A_336 : i32
        %get3A_338 = arith.index_cast %mul3A_337 : i32 to index
        %get3A_339 = tpu.vector_load %arg8[%get3A_338] {strides = array<i32>} : memref<16384xi32, #tpu.memory_space<vmem>>, vector<16xi32>,
        %ge3A = vector.broadcast %mul3A_2 : i32 to vector<16xi32>
        %ge3A_340 = arith.cmpi sge, %get3A_335, %ge3A : vector<16xi32>
        %add3A_341 = arith.constant 128 : i32
        %add3A_342 = arith.addi %mul3A_2, %add3A_341 : i32
        %lt3A = vector.broadcast %add3A_342 : i32 to vector<16xi32>
        %lt3A_343 = arith.cmpi slt, %get3A_335, %lt3A : vector<16xi32>
        %and3A = arith.andi %ge3A_340, %lt3A_343 : vector<16xi1>
        %sub3A = vector.broadcast %mul3A_2 : i32 to vector<16xi32>
        %sub3A_344 = arith.subi %get3A_335, %sub3A : vector<16xi32>
        %mul3A_345 = arith.constant 128 : i32
        %mul3A_346 = vector.broadcast %mul3A_345 : i32 to vector<16xi32>
        %mul3A_347 = arith.muli %sub3A_344, %mul3A_346 : vector<16xi32>
        %and3A_348 = arith.constant 127 : i32
        %and3A_349 = vector.broadcast %and3A_348 : i32 to vector<16xi32>
        %and3A_350 = arith.andi %get3A_339, %and3A_349 : vector<16xi32>
        %add3A_351 = arith.addi %mul3A_347, %and3A_350 : vector<16xi32>
        %jit3A = arith.constant 0 : i32
        %broadcast_in_dim3A_352 = vector.broadcast %jit3A : i32 to vector<16xi32>
        %select_n3A = arith.select %and3A, %add3A_351, %broadcast_in_dim3A_352 : vector<16xi1>, vector<16xi32>
        %shift_right_logical3A = arith.constant 7 : i32
        %shift_right_logical3A_353 = vector.broadcast %shift_right_logical3A : i32 to vector<16xi32>
        %shift_right_logical3A_354 = arith.shrui %get3A_339, %shift_right_logical3A_353 : vector<16xi32>
        %shift_left3A = arith.shli %broadcast_in_dim3A_149, %shift_right_logical3A_354 : vector<16xi32>
        %while3A = scf.while (%while3A_355 = %and3A) : (vector<16xi1>) -> vector<16xi1> {
          %reduce_or3A_356 = arith.constant 1.000000e+00 : f32
          %reduce_or3A_357 = arith.constant 0.000000e+00 : f32
          %reduce_or3A_358 = vector.broadcast %reduce_or3A_356 : f32 to vector<16xf32>
          %reduce_or3A_359 = vector.broadcast %reduce_or3A_357 : f32 to vector<16xf32>
          %reduce_or3A_360 = arith.select %while3A_355, %reduce_or3A_358, %reduce_or3A_359 : vector<16xi1>, vector<16xf32>
          %reduce_or3A_361 = arith.constant true
          %reduce_or3A_362 = vector.broadcast %reduce_or3A_361 : i1 to vector<16xi1>
          %reduce_or3A_363 = tpu.scan <max>, %reduce_or3A_360 masked %reduce_or3A_362 : vector<16xf32>, vector<16xi1> -> vector<16xf32>
          %reduce_or3A_364 = vector.extract %reduce_or3A_363[15] : f32 from vector<16xf32>
          %reduce_or3A_365 = arith.constant 0.000000e+00 : f32
          %reduce_or3A_366 = arith.cmpf ogt, %reduce_or3A_364, %reduce_or3A_365 : f32
          scf.condition(%reduce_or3A_366) %while3A_355 : vector<16xi1>
        } do {
        ^bb0(%while3A_355: vector<16xi1>):
          %gather3A = tpu.vector_load_idx %arg9[%select_n3A] masked %while3A_355 : memref<16384xi32, #tpu.memory_space<vmem>>[vector<16xi32>], vector<16xi32>, vector<16xi1>
          %and3A_356 = arith.andi %gather3A, %shift_left3A : vector<16xi32>
          %eq3A = arith.constant 0 : i32
          %eq3A_357 = vector.broadcast %eq3A : i32 to vector<16xi32>
          %eq3A_358 = arith.cmpi eq, %and3A_356, %eq3A_357 : vector<16xi32>
          %and3A_359 = arith.andi %while3A_355, %eq3A_358 : vector<16xi1>
          %or3A = arith.ori %gather3A, %shift_left3A : vector<16xi32>
          tpu.vector_store_idx %arg9[%select_n3A], %or3A masked %and3A_359 : memref<16384xi32, #tpu.memory_space<vmem>>[vector<16xi32>], vector<16xi32>, vector<16xi1>
          scf.yield %and3A_359 : vector<16xi1>
        }
      }
      %scan3A_331 = arith.constant 1024 : i32
    } else {
    }
    %dma_wait3A_172 = arith.constant 65536 : i32
    %dma_wait3A_173 = tpu.memref_slice %arg2[%dma_wait3A_172] : memref<131072xi32, #tpu.memory_space<hbm>> -> memref<16384xi32, #tpu.memory_space<hbm>>
    %dma_wait3A_174 = arith.constant 65536 : i32
    %dma_wait3A_175 = tpu.memref_slice %arg2[%dma_wait3A_174] : memref<131072xi32, #tpu.memory_space<hbm>> -> memref<16384xi32, #tpu.memory_space<hbm>>
    tpu.wait_dma2 semaphore(%arg10 : memref<!tpu.dma_semaphore, #tpu.memory_space<semaphore_mem>>) src(%dma_wait3A_175 : memref<16384xi32, #tpu.memory_space<hbm>>) dst(%arg5 : memref<16384xi32, #tpu.memory_space<vmem>>)
    %dma_wait3A_176 = arith.constant 65536 : i32
    %dma_wait3A_177 = tpu.memref_slice %arg3[%dma_wait3A_176] : memref<131072xi32, #tpu.memory_space<hbm>> -> memref<16384xi32, #tpu.memory_space<hbm>>
    %dma_wait3A_178 = arith.constant 65536 : i32
    %dma_wait3A_179 = tpu.memref_slice %arg3[%dma_wait3A_178] : memref<131072xi32, #tpu.memory_space<hbm>> -> memref<16384xi32, #tpu.memory_space<hbm>>
    tpu.wait_dma2 semaphore(%arg10 : memref<!tpu.dma_semaphore, #tpu.memory_space<semaphore_mem>>) src(%dma_wait3A_179 : memref<16384xi32, #tpu.memory_space<hbm>>) dst(%arg6 : memref<16384xi32, #tpu.memory_space<vmem>>)
    %dma_start3A_180 = arith.constant 81920 : i32
    %dma_start3A_181 = tpu.memref_slice %arg2[%dma_start3A_180] : memref<131072xi32, #tpu.memory_space<hbm>> -> memref<16384xi32, #tpu.memory_space<hbm>>
    %dma_start3A_182 = arith.constant 81920 : i32
    %dma_start3A_183 = tpu.memref_slice %arg2[%dma_start3A_182] : memref<131072xi32, #tpu.memory_space<hbm>> -> memref<16384xi32, #tpu.memory_space<hbm>>
    tpu.enqueue_dma source(%dma_start3A_183 : memref<16384xi32, #tpu.memory_space<hbm>>) target(%arg7 : memref<16384xi32, #tpu.memory_space<vmem>>) target_semaphore(%arg11 : memref<!tpu.dma_semaphore, #tpu.memory_space<semaphore_mem>>)
    %dma_start3A_184 = arith.constant 81920 : i32
    %dma_start3A_185 = tpu.memref_slice %arg3[%dma_start3A_184] : memref<131072xi32, #tpu.memory_space<hbm>> -> memref<16384xi32, #tpu.memory_space<hbm>>
    %dma_start3A_186 = arith.constant 81920 : i32
    %dma_start3A_187 = tpu.memref_slice %arg3[%dma_start3A_186] : memref<131072xi32, #tpu.memory_space<hbm>> -> memref<16384xi32, #tpu.memory_space<hbm>>
    tpu.enqueue_dma source(%dma_start3A_187 : memref<16384xi32, #tpu.memory_space<hbm>>) target(%arg8 : memref<16384xi32, #tpu.memory_space<vmem>>) target_semaphore(%arg11 : memref<!tpu.dma_semaphore, #tpu.memory_space<semaphore_mem>>)
    %broadcast_in_dim3A_188 = arith.constant 1 : i32
    %broadcast_in_dim3A_189 = vector.broadcast %broadcast_in_dim3A_188 : i32 to vector<16xi32>
    %broadcast_in_dim3A_190 = arith.constant false
    %broadcast_in_dim3A_191 = vector.broadcast %broadcast_in_dim3A_190 : i1 to vector<16xi1>
    %scan3A_192 = arith.constant 0 : i32
    %scan3A_193 = arith.constant 1024 : i32
    %scan3A_194 = arith.addi %scan3A_192, %scan3A_193 : i32
    %scan3A_195 = arith.constant 1 : i32
    %scan3A_196 = scf.for %scan3A_326 = %scan3A_192 to %scan3A_194 step %scan3A_195 iter_args(%scan3A_327 = %broadcast_in_dim3A_191) -> (vector<16xi1>)  : i32 {
      %mul3A_328 = arith.constant 16 : i32
      %mul3A_329 = arith.muli %scan3A_326, %mul3A_328 : i32
      %get3A = arith.index_cast %mul3A_329 : i32 to index
      %get3A_330 = tpu.vector_load %arg5[%get3A] {strides = array<i32>} : memref<16384xi32, #tpu.memory_space<vmem>>, vector<16xi32>,
      %mul3A_331 = arith.constant 16 : i32
      %mul3A_332 = arith.muli %scan3A_326, %mul3A_331 : i32
      %get3A_333 = arith.index_cast %mul3A_332 : i32 to index
      %get3A_334 = tpu.vector_load %arg6[%get3A_333] {strides = array<i32>} : memref<16384xi32, #tpu.memory_space<vmem>>, vector<16xi32>,
      %ge3A = vector.broadcast %mul3A_2 : i32 to vector<16xi32>
      %ge3A_335 = arith.cmpi sge, %get3A_330, %ge3A : vector<16xi32>
      %add3A_336 = arith.constant 128 : i32
      %add3A_337 = arith.addi %mul3A_2, %add3A_336 : i32
      %lt3A = vector.broadcast %add3A_337 : i32 to vector<16xi32>
      %lt3A_338 = arith.cmpi slt, %get3A_330, %lt3A : vector<16xi32>
      %and3A = arith.andi %ge3A_335, %lt3A_338 : vector<16xi1>
      %sub3A = vector.broadcast %mul3A_2 : i32 to vector<16xi32>
      %sub3A_339 = arith.subi %get3A_330, %sub3A : vector<16xi32>
      %mul3A_340 = arith.constant 128 : i32
      %mul3A_341 = vector.broadcast %mul3A_340 : i32 to vector<16xi32>
      %mul3A_342 = arith.muli %sub3A_339, %mul3A_341 : vector<16xi32>
      %and3A_343 = arith.constant 127 : i32
      %and3A_344 = vector.broadcast %and3A_343 : i32 to vector<16xi32>
      %and3A_345 = arith.andi %get3A_334, %and3A_344 : vector<16xi32>
      %add3A_346 = arith.addi %mul3A_342, %and3A_345 : vector<16xi32>
      %jit3A = arith.constant 0 : i32
      %broadcast_in_dim3A_347 = vector.broadcast %jit3A : i32 to vector<16xi32>
      %select_n3A = arith.select %and3A, %add3A_346, %broadcast_in_dim3A_347 : vector<16xi1>, vector<16xi32>
      %shift_right_logical3A = arith.constant 7 : i32
      %shift_right_logical3A_348 = vector.broadcast %shift_right_logical3A : i32 to vector<16xi32>
      %shift_right_logical3A_349 = arith.shrui %get3A_334, %shift_right_logical3A_348 : vector<16xi32>
      %shift_left3A = arith.shli %broadcast_in_dim3A_189, %shift_right_logical3A_349 : vector<16xi32>
      %gather3A = tpu.vector_load_idx %arg9[%select_n3A] masked %and3A : memref<16384xi32, #tpu.memory_space<vmem>>[vector<16xi32>], vector<16xi32>, vector<16xi1>
      %or3A = arith.ori %gather3A, %shift_left3A : vector<16xi32>
      tpu.vector_store_idx %arg9[%select_n3A], %or3A masked %and3A : memref<16384xi32, #tpu.memory_space<vmem>>[vector<16xi32>], vector<16xi32>, vector<16xi1>
      %gather3A_350 = tpu.vector_load_idx %arg9[%select_n3A] masked %and3A : memref<16384xi32, #tpu.memory_space<vmem>>[vector<16xi32>], vector<16xi32>, vector<16xi1>
      %and3A_351 = arith.andi %gather3A_350, %shift_left3A : vector<16xi32>
      %eq3A = arith.constant 0 : i32
      %eq3A_352 = vector.broadcast %eq3A : i32 to vector<16xi32>
      %eq3A_353 = arith.cmpi eq, %and3A_351, %eq3A_352 : vector<16xi32>
      %and3A_354 = arith.andi %and3A, %eq3A_353 : vector<16xi1>
      %or3A_355 = arith.ori %scan3A_327, %and3A_354 : vector<16xi1>
      scf.yield %or3A_355 : vector<16xi1>
    }
    %scan3A_197 = arith.constant 1024 : i32
    %reduce_or3A_198 = arith.constant 1.000000e+00 : f32
    %reduce_or3A_199 = arith.constant 0.000000e+00 : f32
    %reduce_or3A_200 = vector.broadcast %reduce_or3A_198 : f32 to vector<16xf32>
    %reduce_or3A_201 = vector.broadcast %reduce_or3A_199 : f32 to vector<16xf32>
    %reduce_or3A_202 = arith.select %scan3A_196, %reduce_or3A_200, %reduce_or3A_201 : vector<16xi1>, vector<16xf32>
    %reduce_or3A_203 = arith.constant true
    %reduce_or3A_204 = vector.broadcast %reduce_or3A_203 : i1 to vector<16xi1>
    %reduce_or3A_205 = tpu.scan <max>, %reduce_or3A_202 masked %reduce_or3A_204 : vector<16xf32>, vector<16xi1> -> vector<16xf32>
    %reduce_or3A_206 = vector.extract %reduce_or3A_205[15] : f32 from vector<16xf32>
    %reduce_or3A_207 = arith.constant 0.000000e+00 : f32
    %reduce_or3A_208 = arith.cmpf ogt, %reduce_or3A_206, %reduce_or3A_207 : f32
    %convert_element_type3A_209 = arith.extui %reduce_or3A_208 : i1 to i32
    %cond3A_210 = arith.constant 0 : i32
    %cond3A_211 = arith.cmpi ne, %convert_element_type3A_209, %cond3A_210 : i32
    scf.if %cond3A_211 {
      %scan3A_326 = arith.constant 0 : i32
      %scan3A_327 = arith.constant 0 : i32
      %scan3A_328 = arith.constant 1024 : i32
      %scan3A_329 = arith.addi %scan3A_327, %scan3A_328 : i32
      %scan3A_330 = arith.constant 1 : i32
      scf.for %scan3A_332 = %scan3A_327 to %scan3A_329 step %scan3A_330  : i32 {
        %mul3A_333 = arith.constant 16 : i32
        %mul3A_334 = arith.muli %scan3A_332, %mul3A_333 : i32
        %get3A = arith.index_cast %mul3A_334 : i32 to index
        %get3A_335 = tpu.vector_load %arg5[%get3A] {strides = array<i32>} : memref<16384xi32, #tpu.memory_space<vmem>>, vector<16xi32>,
        %mul3A_336 = arith.constant 16 : i32
        %mul3A_337 = arith.muli %scan3A_332, %mul3A_336 : i32
        %get3A_338 = arith.index_cast %mul3A_337 : i32 to index
        %get3A_339 = tpu.vector_load %arg6[%get3A_338] {strides = array<i32>} : memref<16384xi32, #tpu.memory_space<vmem>>, vector<16xi32>,
        %ge3A = vector.broadcast %mul3A_2 : i32 to vector<16xi32>
        %ge3A_340 = arith.cmpi sge, %get3A_335, %ge3A : vector<16xi32>
        %add3A_341 = arith.constant 128 : i32
        %add3A_342 = arith.addi %mul3A_2, %add3A_341 : i32
        %lt3A = vector.broadcast %add3A_342 : i32 to vector<16xi32>
        %lt3A_343 = arith.cmpi slt, %get3A_335, %lt3A : vector<16xi32>
        %and3A = arith.andi %ge3A_340, %lt3A_343 : vector<16xi1>
        %sub3A = vector.broadcast %mul3A_2 : i32 to vector<16xi32>
        %sub3A_344 = arith.subi %get3A_335, %sub3A : vector<16xi32>
        %mul3A_345 = arith.constant 128 : i32
        %mul3A_346 = vector.broadcast %mul3A_345 : i32 to vector<16xi32>
        %mul3A_347 = arith.muli %sub3A_344, %mul3A_346 : vector<16xi32>
        %and3A_348 = arith.constant 127 : i32
        %and3A_349 = vector.broadcast %and3A_348 : i32 to vector<16xi32>
        %and3A_350 = arith.andi %get3A_339, %and3A_349 : vector<16xi32>
        %add3A_351 = arith.addi %mul3A_347, %and3A_350 : vector<16xi32>
        %jit3A = arith.constant 0 : i32
        %broadcast_in_dim3A_352 = vector.broadcast %jit3A : i32 to vector<16xi32>
        %select_n3A = arith.select %and3A, %add3A_351, %broadcast_in_dim3A_352 : vector<16xi1>, vector<16xi32>
        %shift_right_logical3A = arith.constant 7 : i32
        %shift_right_logical3A_353 = vector.broadcast %shift_right_logical3A : i32 to vector<16xi32>
        %shift_right_logical3A_354 = arith.shrui %get3A_339, %shift_right_logical3A_353 : vector<16xi32>
        %shift_left3A = arith.shli %broadcast_in_dim3A_189, %shift_right_logical3A_354 : vector<16xi32>
        %while3A = scf.while (%while3A_355 = %and3A) : (vector<16xi1>) -> vector<16xi1> {
          %reduce_or3A_356 = arith.constant 1.000000e+00 : f32
          %reduce_or3A_357 = arith.constant 0.000000e+00 : f32
          %reduce_or3A_358 = vector.broadcast %reduce_or3A_356 : f32 to vector<16xf32>
          %reduce_or3A_359 = vector.broadcast %reduce_or3A_357 : f32 to vector<16xf32>
          %reduce_or3A_360 = arith.select %while3A_355, %reduce_or3A_358, %reduce_or3A_359 : vector<16xi1>, vector<16xf32>
          %reduce_or3A_361 = arith.constant true
          %reduce_or3A_362 = vector.broadcast %reduce_or3A_361 : i1 to vector<16xi1>
          %reduce_or3A_363 = tpu.scan <max>, %reduce_or3A_360 masked %reduce_or3A_362 : vector<16xf32>, vector<16xi1> -> vector<16xf32>
          %reduce_or3A_364 = vector.extract %reduce_or3A_363[15] : f32 from vector<16xf32>
          %reduce_or3A_365 = arith.constant 0.000000e+00 : f32
          %reduce_or3A_366 = arith.cmpf ogt, %reduce_or3A_364, %reduce_or3A_365 : f32
          scf.condition(%reduce_or3A_366) %while3A_355 : vector<16xi1>
        } do {
        ^bb0(%while3A_355: vector<16xi1>):
          %gather3A = tpu.vector_load_idx %arg9[%select_n3A] masked %while3A_355 : memref<16384xi32, #tpu.memory_space<vmem>>[vector<16xi32>], vector<16xi32>, vector<16xi1>
          %and3A_356 = arith.andi %gather3A, %shift_left3A : vector<16xi32>
          %eq3A = arith.constant 0 : i32
          %eq3A_357 = vector.broadcast %eq3A : i32 to vector<16xi32>
          %eq3A_358 = arith.cmpi eq, %and3A_356, %eq3A_357 : vector<16xi32>
          %and3A_359 = arith.andi %while3A_355, %eq3A_358 : vector<16xi1>
          %or3A = arith.ori %gather3A, %shift_left3A : vector<16xi32>
          tpu.vector_store_idx %arg9[%select_n3A], %or3A masked %and3A_359 : memref<16384xi32, #tpu.memory_space<vmem>>[vector<16xi32>], vector<16xi32>, vector<16xi1>
          scf.yield %and3A_359 : vector<16xi1>
        }
      }
      %scan3A_331 = arith.constant 1024 : i32
    } else {
    }
    %dma_wait3A_212 = arith.constant 81920 : i32
    %dma_wait3A_213 = tpu.memref_slice %arg2[%dma_wait3A_212] : memref<131072xi32, #tpu.memory_space<hbm>> -> memref<16384xi32, #tpu.memory_space<hbm>>
    %dma_wait3A_214 = arith.constant 81920 : i32
    %dma_wait3A_215 = tpu.memref_slice %arg2[%dma_wait3A_214] : memref<131072xi32, #tpu.memory_space<hbm>> -> memref<16384xi32, #tpu.memory_space<hbm>>
    tpu.wait_dma2 semaphore(%arg11 : memref<!tpu.dma_semaphore, #tpu.memory_space<semaphore_mem>>) src(%dma_wait3A_215 : memref<16384xi32, #tpu.memory_space<hbm>>) dst(%arg7 : memref<16384xi32, #tpu.memory_space<vmem>>)
    %dma_wait3A_216 = arith.constant 81920 : i32
    %dma_wait3A_217 = tpu.memref_slice %arg3[%dma_wait3A_216] : memref<131072xi32, #tpu.memory_space<hbm>> -> memref<16384xi32, #tpu.memory_space<hbm>>
    %dma_wait3A_218 = arith.constant 81920 : i32
    %dma_wait3A_219 = tpu.memref_slice %arg3[%dma_wait3A_218] : memref<131072xi32, #tpu.memory_space<hbm>> -> memref<16384xi32, #tpu.memory_space<hbm>>
    tpu.wait_dma2 semaphore(%arg11 : memref<!tpu.dma_semaphore, #tpu.memory_space<semaphore_mem>>) src(%dma_wait3A_219 : memref<16384xi32, #tpu.memory_space<hbm>>) dst(%arg8 : memref<16384xi32, #tpu.memory_space<vmem>>)
    %dma_start3A_220 = arith.constant 98304 : i32
    %dma_start3A_221 = tpu.memref_slice %arg2[%dma_start3A_220] : memref<131072xi32, #tpu.memory_space<hbm>> -> memref<16384xi32, #tpu.memory_space<hbm>>
    %dma_start3A_222 = arith.constant 98304 : i32
    %dma_start3A_223 = tpu.memref_slice %arg2[%dma_start3A_222] : memref<131072xi32, #tpu.memory_space<hbm>> -> memref<16384xi32, #tpu.memory_space<hbm>>
    tpu.enqueue_dma source(%dma_start3A_223 : memref<16384xi32, #tpu.memory_space<hbm>>) target(%arg5 : memref<16384xi32, #tpu.memory_space<vmem>>) target_semaphore(%arg10 : memref<!tpu.dma_semaphore, #tpu.memory_space<semaphore_mem>>)
    %dma_start3A_224 = arith.constant 98304 : i32
    %dma_start3A_225 = tpu.memref_slice %arg3[%dma_start3A_224] : memref<131072xi32, #tpu.memory_space<hbm>> -> memref<16384xi32, #tpu.memory_space<hbm>>
    %dma_start3A_226 = arith.constant 98304 : i32
    %dma_start3A_227 = tpu.memref_slice %arg3[%dma_start3A_226] : memref<131072xi32, #tpu.memory_space<hbm>> -> memref<16384xi32, #tpu.memory_space<hbm>>
    tpu.enqueue_dma source(%dma_start3A_227 : memref<16384xi32, #tpu.memory_space<hbm>>) target(%arg6 : memref<16384xi32, #tpu.memory_space<vmem>>) target_semaphore(%arg10 : memref<!tpu.dma_semaphore, #tpu.memory_space<semaphore_mem>>)
    %broadcast_in_dim3A_228 = arith.constant 1 : i32
    %broadcast_in_dim3A_229 = vector.broadcast %broadcast_in_dim3A_228 : i32 to vector<16xi32>
    %broadcast_in_dim3A_230 = arith.constant false
    %broadcast_in_dim3A_231 = vector.broadcast %broadcast_in_dim3A_230 : i1 to vector<16xi1>
    %scan3A_232 = arith.constant 0 : i32
    %scan3A_233 = arith.constant 1024 : i32
    %scan3A_234 = arith.addi %scan3A_232, %scan3A_233 : i32
    %scan3A_235 = arith.constant 1 : i32
    %scan3A_236 = scf.for %scan3A_326 = %scan3A_232 to %scan3A_234 step %scan3A_235 iter_args(%scan3A_327 = %broadcast_in_dim3A_231) -> (vector<16xi1>)  : i32 {
      %mul3A_328 = arith.constant 16 : i32
      %mul3A_329 = arith.muli %scan3A_326, %mul3A_328 : i32
      %get3A = arith.index_cast %mul3A_329 : i32 to index
      %get3A_330 = tpu.vector_load %arg7[%get3A] {strides = array<i32>} : memref<16384xi32, #tpu.memory_space<vmem>>, vector<16xi32>,
      %mul3A_331 = arith.constant 16 : i32
      %mul3A_332 = arith.muli %scan3A_326, %mul3A_331 : i32
      %get3A_333 = arith.index_cast %mul3A_332 : i32 to index
      %get3A_334 = tpu.vector_load %arg8[%get3A_333] {strides = array<i32>} : memref<16384xi32, #tpu.memory_space<vmem>>, vector<16xi32>,
      %ge3A = vector.broadcast %mul3A_2 : i32 to vector<16xi32>
      %ge3A_335 = arith.cmpi sge, %get3A_330, %ge3A : vector<16xi32>
      %add3A_336 = arith.constant 128 : i32
      %add3A_337 = arith.addi %mul3A_2, %add3A_336 : i32
      %lt3A = vector.broadcast %add3A_337 : i32 to vector<16xi32>
      %lt3A_338 = arith.cmpi slt, %get3A_330, %lt3A : vector<16xi32>
      %and3A = arith.andi %ge3A_335, %lt3A_338 : vector<16xi1>
      %sub3A = vector.broadcast %mul3A_2 : i32 to vector<16xi32>
      %sub3A_339 = arith.subi %get3A_330, %sub3A : vector<16xi32>
      %mul3A_340 = arith.constant 128 : i32
      %mul3A_341 = vector.broadcast %mul3A_340 : i32 to vector<16xi32>
      %mul3A_342 = arith.muli %sub3A_339, %mul3A_341 : vector<16xi32>
      %and3A_343 = arith.constant 127 : i32
      %and3A_344 = vector.broadcast %and3A_343 : i32 to vector<16xi32>
      %and3A_345 = arith.andi %get3A_334, %and3A_344 : vector<16xi32>
      %add3A_346 = arith.addi %mul3A_342, %and3A_345 : vector<16xi32>
      %jit3A = arith.constant 0 : i32
      %broadcast_in_dim3A_347 = vector.broadcast %jit3A : i32 to vector<16xi32>
      %select_n3A = arith.select %and3A, %add3A_346, %broadcast_in_dim3A_347 : vector<16xi1>, vector<16xi32>
      %shift_right_logical3A = arith.constant 7 : i32
      %shift_right_logical3A_348 = vector.broadcast %shift_right_logical3A : i32 to vector<16xi32>
      %shift_right_logical3A_349 = arith.shrui %get3A_334, %shift_right_logical3A_348 : vector<16xi32>
      %shift_left3A = arith.shli %broadcast_in_dim3A_229, %shift_right_logical3A_349 : vector<16xi32>
      %gather3A = tpu.vector_load_idx %arg9[%select_n3A] masked %and3A : memref<16384xi32, #tpu.memory_space<vmem>>[vector<16xi32>], vector<16xi32>, vector<16xi1>
      %or3A = arith.ori %gather3A, %shift_left3A : vector<16xi32>
      tpu.vector_store_idx %arg9[%select_n3A], %or3A masked %and3A : memref<16384xi32, #tpu.memory_space<vmem>>[vector<16xi32>], vector<16xi32>, vector<16xi1>
      %gather3A_350 = tpu.vector_load_idx %arg9[%select_n3A] masked %and3A : memref<16384xi32, #tpu.memory_space<vmem>>[vector<16xi32>], vector<16xi32>, vector<16xi1>
      %and3A_351 = arith.andi %gather3A_350, %shift_left3A : vector<16xi32>
      %eq3A = arith.constant 0 : i32
      %eq3A_352 = vector.broadcast %eq3A : i32 to vector<16xi32>
      %eq3A_353 = arith.cmpi eq, %and3A_351, %eq3A_352 : vector<16xi32>
      %and3A_354 = arith.andi %and3A, %eq3A_353 : vector<16xi1>
      %or3A_355 = arith.ori %scan3A_327, %and3A_354 : vector<16xi1>
      scf.yield %or3A_355 : vector<16xi1>
    }
    %scan3A_237 = arith.constant 1024 : i32
    %reduce_or3A_238 = arith.constant 1.000000e+00 : f32
    %reduce_or3A_239 = arith.constant 0.000000e+00 : f32
    %reduce_or3A_240 = vector.broadcast %reduce_or3A_238 : f32 to vector<16xf32>
    %reduce_or3A_241 = vector.broadcast %reduce_or3A_239 : f32 to vector<16xf32>
    %reduce_or3A_242 = arith.select %scan3A_236, %reduce_or3A_240, %reduce_or3A_241 : vector<16xi1>, vector<16xf32>
    %reduce_or3A_243 = arith.constant true
    %reduce_or3A_244 = vector.broadcast %reduce_or3A_243 : i1 to vector<16xi1>
    %reduce_or3A_245 = tpu.scan <max>, %reduce_or3A_242 masked %reduce_or3A_244 : vector<16xf32>, vector<16xi1> -> vector<16xf32>
    %reduce_or3A_246 = vector.extract %reduce_or3A_245[15] : f32 from vector<16xf32>
    %reduce_or3A_247 = arith.constant 0.000000e+00 : f32
    %reduce_or3A_248 = arith.cmpf ogt, %reduce_or3A_246, %reduce_or3A_247 : f32
    %convert_element_type3A_249 = arith.extui %reduce_or3A_248 : i1 to i32
    %cond3A_250 = arith.constant 0 : i32
    %cond3A_251 = arith.cmpi ne, %convert_element_type3A_249, %cond3A_250 : i32
    scf.if %cond3A_251 {
      %scan3A_326 = arith.constant 0 : i32
      %scan3A_327 = arith.constant 0 : i32
      %scan3A_328 = arith.constant 1024 : i32
      %scan3A_329 = arith.addi %scan3A_327, %scan3A_328 : i32
      %scan3A_330 = arith.constant 1 : i32
      scf.for %scan3A_332 = %scan3A_327 to %scan3A_329 step %scan3A_330  : i32 {
        %mul3A_333 = arith.constant 16 : i32
        %mul3A_334 = arith.muli %scan3A_332, %mul3A_333 : i32
        %get3A = arith.index_cast %mul3A_334 : i32 to index
        %get3A_335 = tpu.vector_load %arg7[%get3A] {strides = array<i32>} : memref<16384xi32, #tpu.memory_space<vmem>>, vector<16xi32>,
        %mul3A_336 = arith.constant 16 : i32
        %mul3A_337 = arith.muli %scan3A_332, %mul3A_336 : i32
        %get3A_338 = arith.index_cast %mul3A_337 : i32 to index
        %get3A_339 = tpu.vector_load %arg8[%get3A_338] {strides = array<i32>} : memref<16384xi32, #tpu.memory_space<vmem>>, vector<16xi32>,
        %ge3A = vector.broadcast %mul3A_2 : i32 to vector<16xi32>
        %ge3A_340 = arith.cmpi sge, %get3A_335, %ge3A : vector<16xi32>
        %add3A_341 = arith.constant 128 : i32
        %add3A_342 = arith.addi %mul3A_2, %add3A_341 : i32
        %lt3A = vector.broadcast %add3A_342 : i32 to vector<16xi32>
        %lt3A_343 = arith.cmpi slt, %get3A_335, %lt3A : vector<16xi32>
        %and3A = arith.andi %ge3A_340, %lt3A_343 : vector<16xi1>
        %sub3A = vector.broadcast %mul3A_2 : i32 to vector<16xi32>
        %sub3A_344 = arith.subi %get3A_335, %sub3A : vector<16xi32>
        %mul3A_345 = arith.constant 128 : i32
        %mul3A_346 = vector.broadcast %mul3A_345 : i32 to vector<16xi32>
        %mul3A_347 = arith.muli %sub3A_344, %mul3A_346 : vector<16xi32>
        %and3A_348 = arith.constant 127 : i32
        %and3A_349 = vector.broadcast %and3A_348 : i32 to vector<16xi32>
        %and3A_350 = arith.andi %get3A_339, %and3A_349 : vector<16xi32>
        %add3A_351 = arith.addi %mul3A_347, %and3A_350 : vector<16xi32>
        %jit3A = arith.constant 0 : i32
        %broadcast_in_dim3A_352 = vector.broadcast %jit3A : i32 to vector<16xi32>
        %select_n3A = arith.select %and3A, %add3A_351, %broadcast_in_dim3A_352 : vector<16xi1>, vector<16xi32>
        %shift_right_logical3A = arith.constant 7 : i32
        %shift_right_logical3A_353 = vector.broadcast %shift_right_logical3A : i32 to vector<16xi32>
        %shift_right_logical3A_354 = arith.shrui %get3A_339, %shift_right_logical3A_353 : vector<16xi32>
        %shift_left3A = arith.shli %broadcast_in_dim3A_229, %shift_right_logical3A_354 : vector<16xi32>
        %while3A = scf.while (%while3A_355 = %and3A) : (vector<16xi1>) -> vector<16xi1> {
          %reduce_or3A_356 = arith.constant 1.000000e+00 : f32
          %reduce_or3A_357 = arith.constant 0.000000e+00 : f32
          %reduce_or3A_358 = vector.broadcast %reduce_or3A_356 : f32 to vector<16xf32>
          %reduce_or3A_359 = vector.broadcast %reduce_or3A_357 : f32 to vector<16xf32>
          %reduce_or3A_360 = arith.select %while3A_355, %reduce_or3A_358, %reduce_or3A_359 : vector<16xi1>, vector<16xf32>
          %reduce_or3A_361 = arith.constant true
          %reduce_or3A_362 = vector.broadcast %reduce_or3A_361 : i1 to vector<16xi1>
          %reduce_or3A_363 = tpu.scan <max>, %reduce_or3A_360 masked %reduce_or3A_362 : vector<16xf32>, vector<16xi1> -> vector<16xf32>
          %reduce_or3A_364 = vector.extract %reduce_or3A_363[15] : f32 from vector<16xf32>
          %reduce_or3A_365 = arith.constant 0.000000e+00 : f32
          %reduce_or3A_366 = arith.cmpf ogt, %reduce_or3A_364, %reduce_or3A_365 : f32
          scf.condition(%reduce_or3A_366) %while3A_355 : vector<16xi1>
        } do {
        ^bb0(%while3A_355: vector<16xi1>):
          %gather3A = tpu.vector_load_idx %arg9[%select_n3A] masked %while3A_355 : memref<16384xi32, #tpu.memory_space<vmem>>[vector<16xi32>], vector<16xi32>, vector<16xi1>
          %and3A_356 = arith.andi %gather3A, %shift_left3A : vector<16xi32>
          %eq3A = arith.constant 0 : i32
          %eq3A_357 = vector.broadcast %eq3A : i32 to vector<16xi32>
          %eq3A_358 = arith.cmpi eq, %and3A_356, %eq3A_357 : vector<16xi32>
          %and3A_359 = arith.andi %while3A_355, %eq3A_358 : vector<16xi1>
          %or3A = arith.ori %gather3A, %shift_left3A : vector<16xi32>
          tpu.vector_store_idx %arg9[%select_n3A], %or3A masked %and3A_359 : memref<16384xi32, #tpu.memory_space<vmem>>[vector<16xi32>], vector<16xi32>, vector<16xi1>
          scf.yield %and3A_359 : vector<16xi1>
        }
      }
      %scan3A_331 = arith.constant 1024 : i32
    } else {
    }
    %dma_wait3A_252 = arith.constant 98304 : i32
    %dma_wait3A_253 = tpu.memref_slice %arg2[%dma_wait3A_252] : memref<131072xi32, #tpu.memory_space<hbm>> -> memref<16384xi32, #tpu.memory_space<hbm>>
    %dma_wait3A_254 = arith.constant 98304 : i32
    %dma_wait3A_255 = tpu.memref_slice %arg2[%dma_wait3A_254] : memref<131072xi32, #tpu.memory_space<hbm>> -> memref<16384xi32, #tpu.memory_space<hbm>>
    tpu.wait_dma2 semaphore(%arg10 : memref<!tpu.dma_semaphore, #tpu.memory_space<semaphore_mem>>) src(%dma_wait3A_255 : memref<16384xi32, #tpu.memory_space<hbm>>) dst(%arg5 : memref<16384xi32, #tpu.memory_space<vmem>>)
    %dma_wait3A_256 = arith.constant 98304 : i32
    %dma_wait3A_257 = tpu.memref_slice %arg3[%dma_wait3A_256] : memref<131072xi32, #tpu.memory_space<hbm>> -> memref<16384xi32, #tpu.memory_space<hbm>>
    %dma_wait3A_258 = arith.constant 98304 : i32
    %dma_wait3A_259 = tpu.memref_slice %arg3[%dma_wait3A_258] : memref<131072xi32, #tpu.memory_space<hbm>> -> memref<16384xi32, #tpu.memory_space<hbm>>
    tpu.wait_dma2 semaphore(%arg10 : memref<!tpu.dma_semaphore, #tpu.memory_space<semaphore_mem>>) src(%dma_wait3A_259 : memref<16384xi32, #tpu.memory_space<hbm>>) dst(%arg6 : memref<16384xi32, #tpu.memory_space<vmem>>)
    %dma_start3A_260 = arith.constant 114688 : i32
    %dma_start3A_261 = tpu.memref_slice %arg2[%dma_start3A_260] : memref<131072xi32, #tpu.memory_space<hbm>> -> memref<16384xi32, #tpu.memory_space<hbm>>
    %dma_start3A_262 = arith.constant 114688 : i32
    %dma_start3A_263 = tpu.memref_slice %arg2[%dma_start3A_262] : memref<131072xi32, #tpu.memory_space<hbm>> -> memref<16384xi32, #tpu.memory_space<hbm>>
    tpu.enqueue_dma source(%dma_start3A_263 : memref<16384xi32, #tpu.memory_space<hbm>>) target(%arg7 : memref<16384xi32, #tpu.memory_space<vmem>>) target_semaphore(%arg11 : memref<!tpu.dma_semaphore, #tpu.memory_space<semaphore_mem>>)
    %dma_start3A_264 = arith.constant 114688 : i32
    %dma_start3A_265 = tpu.memref_slice %arg3[%dma_start3A_264] : memref<131072xi32, #tpu.memory_space<hbm>> -> memref<16384xi32, #tpu.memory_space<hbm>>
    %dma_start3A_266 = arith.constant 114688 : i32
    %dma_start3A_267 = tpu.memref_slice %arg3[%dma_start3A_266] : memref<131072xi32, #tpu.memory_space<hbm>> -> memref<16384xi32, #tpu.memory_space<hbm>>
    tpu.enqueue_dma source(%dma_start3A_267 : memref<16384xi32, #tpu.memory_space<hbm>>) target(%arg8 : memref<16384xi32, #tpu.memory_space<vmem>>) target_semaphore(%arg11 : memref<!tpu.dma_semaphore, #tpu.memory_space<semaphore_mem>>)
    %broadcast_in_dim3A_268 = arith.constant 1 : i32
    %broadcast_in_dim3A_269 = vector.broadcast %broadcast_in_dim3A_268 : i32 to vector<16xi32>
    %broadcast_in_dim3A_270 = arith.constant false
    %broadcast_in_dim3A_271 = vector.broadcast %broadcast_in_dim3A_270 : i1 to vector<16xi1>
    %scan3A_272 = arith.constant 0 : i32
    %scan3A_273 = arith.constant 1024 : i32
    %scan3A_274 = arith.addi %scan3A_272, %scan3A_273 : i32
    %scan3A_275 = arith.constant 1 : i32
    %scan3A_276 = scf.for %scan3A_326 = %scan3A_272 to %scan3A_274 step %scan3A_275 iter_args(%scan3A_327 = %broadcast_in_dim3A_271) -> (vector<16xi1>)  : i32 {
      %mul3A_328 = arith.constant 16 : i32
      %mul3A_329 = arith.muli %scan3A_326, %mul3A_328 : i32
      %get3A = arith.index_cast %mul3A_329 : i32 to index
      %get3A_330 = tpu.vector_load %arg5[%get3A] {strides = array<i32>} : memref<16384xi32, #tpu.memory_space<vmem>>, vector<16xi32>,
      %mul3A_331 = arith.constant 16 : i32
      %mul3A_332 = arith.muli %scan3A_326, %mul3A_331 : i32
      %get3A_333 = arith.index_cast %mul3A_332 : i32 to index
      %get3A_334 = tpu.vector_load %arg6[%get3A_333] {strides = array<i32>} : memref<16384xi32, #tpu.memory_space<vmem>>, vector<16xi32>,
      %ge3A = vector.broadcast %mul3A_2 : i32 to vector<16xi32>
      %ge3A_335 = arith.cmpi sge, %get3A_330, %ge3A : vector<16xi32>
      %add3A_336 = arith.constant 128 : i32
      %add3A_337 = arith.addi %mul3A_2, %add3A_336 : i32
      %lt3A = vector.broadcast %add3A_337 : i32 to vector<16xi32>
      %lt3A_338 = arith.cmpi slt, %get3A_330, %lt3A : vector<16xi32>
      %and3A = arith.andi %ge3A_335, %lt3A_338 : vector<16xi1>
      %sub3A = vector.broadcast %mul3A_2 : i32 to vector<16xi32>
      %sub3A_339 = arith.subi %get3A_330, %sub3A : vector<16xi32>
      %mul3A_340 = arith.constant 128 : i32
      %mul3A_341 = vector.broadcast %mul3A_340 : i32 to vector<16xi32>
      %mul3A_342 = arith.muli %sub3A_339, %mul3A_341 : vector<16xi32>
      %and3A_343 = arith.constant 127 : i32
      %and3A_344 = vector.broadcast %and3A_343 : i32 to vector<16xi32>
      %and3A_345 = arith.andi %get3A_334, %and3A_344 : vector<16xi32>
      %add3A_346 = arith.addi %mul3A_342, %and3A_345 : vector<16xi32>
      %jit3A = arith.constant 0 : i32
      %broadcast_in_dim3A_347 = vector.broadcast %jit3A : i32 to vector<16xi32>
      %select_n3A = arith.select %and3A, %add3A_346, %broadcast_in_dim3A_347 : vector<16xi1>, vector<16xi32>
      %shift_right_logical3A = arith.constant 7 : i32
      %shift_right_logical3A_348 = vector.broadcast %shift_right_logical3A : i32 to vector<16xi32>
      %shift_right_logical3A_349 = arith.shrui %get3A_334, %shift_right_logical3A_348 : vector<16xi32>
      %shift_left3A = arith.shli %broadcast_in_dim3A_269, %shift_right_logical3A_349 : vector<16xi32>
      %gather3A = tpu.vector_load_idx %arg9[%select_n3A] masked %and3A : memref<16384xi32, #tpu.memory_space<vmem>>[vector<16xi32>], vector<16xi32>, vector<16xi1>
      %or3A = arith.ori %gather3A, %shift_left3A : vector<16xi32>
      tpu.vector_store_idx %arg9[%select_n3A], %or3A masked %and3A : memref<16384xi32, #tpu.memory_space<vmem>>[vector<16xi32>], vector<16xi32>, vector<16xi1>
      %gather3A_350 = tpu.vector_load_idx %arg9[%select_n3A] masked %and3A : memref<16384xi32, #tpu.memory_space<vmem>>[vector<16xi32>], vector<16xi32>, vector<16xi1>
      %and3A_351 = arith.andi %gather3A_350, %shift_left3A : vector<16xi32>
      %eq3A = arith.constant 0 : i32
      %eq3A_352 = vector.broadcast %eq3A : i32 to vector<16xi32>
      %eq3A_353 = arith.cmpi eq, %and3A_351, %eq3A_352 : vector<16xi32>
      %and3A_354 = arith.andi %and3A, %eq3A_353 : vector<16xi1>
      %or3A_355 = arith.ori %scan3A_327, %and3A_354 : vector<16xi1>
      scf.yield %or3A_355 : vector<16xi1>
    }
    %scan3A_277 = arith.constant 1024 : i32
    %reduce_or3A_278 = arith.constant 1.000000e+00 : f32
    %reduce_or3A_279 = arith.constant 0.000000e+00 : f32
    %reduce_or3A_280 = vector.broadcast %reduce_or3A_278 : f32 to vector<16xf32>
    %reduce_or3A_281 = vector.broadcast %reduce_or3A_279 : f32 to vector<16xf32>
    %reduce_or3A_282 = arith.select %scan3A_276, %reduce_or3A_280, %reduce_or3A_281 : vector<16xi1>, vector<16xf32>
    %reduce_or3A_283 = arith.constant true
    %reduce_or3A_284 = vector.broadcast %reduce_or3A_283 : i1 to vector<16xi1>
    %reduce_or3A_285 = tpu.scan <max>, %reduce_or3A_282 masked %reduce_or3A_284 : vector<16xf32>, vector<16xi1> -> vector<16xf32>
    %reduce_or3A_286 = vector.extract %reduce_or3A_285[15] : f32 from vector<16xf32>
    %reduce_or3A_287 = arith.constant 0.000000e+00 : f32
    %reduce_or3A_288 = arith.cmpf ogt, %reduce_or3A_286, %reduce_or3A_287 : f32
    %convert_element_type3A_289 = arith.extui %reduce_or3A_288 : i1 to i32
    %cond3A_290 = arith.constant 0 : i32
    %cond3A_291 = arith.cmpi ne, %convert_element_type3A_289, %cond3A_290 : i32
    scf.if %cond3A_291 {
      %scan3A_326 = arith.constant 0 : i32
      %scan3A_327 = arith.constant 0 : i32
      %scan3A_328 = arith.constant 1024 : i32
      %scan3A_329 = arith.addi %scan3A_327, %scan3A_328 : i32
      %scan3A_330 = arith.constant 1 : i32
      scf.for %scan3A_332 = %scan3A_327 to %scan3A_329 step %scan3A_330  : i32 {
        %mul3A_333 = arith.constant 16 : i32
        %mul3A_334 = arith.muli %scan3A_332, %mul3A_333 : i32
        %get3A = arith.index_cast %mul3A_334 : i32 to index
        %get3A_335 = tpu.vector_load %arg5[%get3A] {strides = array<i32>} : memref<16384xi32, #tpu.memory_space<vmem>>, vector<16xi32>,
        %mul3A_336 = arith.constant 16 : i32
        %mul3A_337 = arith.muli %scan3A_332, %mul3A_336 : i32
        %get3A_338 = arith.index_cast %mul3A_337 : i32 to index
        %get3A_339 = tpu.vector_load %arg6[%get3A_338] {strides = array<i32>} : memref<16384xi32, #tpu.memory_space<vmem>>, vector<16xi32>,
        %ge3A = vector.broadcast %mul3A_2 : i32 to vector<16xi32>
        %ge3A_340 = arith.cmpi sge, %get3A_335, %ge3A : vector<16xi32>
        %add3A_341 = arith.constant 128 : i32
        %add3A_342 = arith.addi %mul3A_2, %add3A_341 : i32
        %lt3A = vector.broadcast %add3A_342 : i32 to vector<16xi32>
        %lt3A_343 = arith.cmpi slt, %get3A_335, %lt3A : vector<16xi32>
        %and3A = arith.andi %ge3A_340, %lt3A_343 : vector<16xi1>
        %sub3A = vector.broadcast %mul3A_2 : i32 to vector<16xi32>
        %sub3A_344 = arith.subi %get3A_335, %sub3A : vector<16xi32>
        %mul3A_345 = arith.constant 128 : i32
        %mul3A_346 = vector.broadcast %mul3A_345 : i32 to vector<16xi32>
        %mul3A_347 = arith.muli %sub3A_344, %mul3A_346 : vector<16xi32>
        %and3A_348 = arith.constant 127 : i32
        %and3A_349 = vector.broadcast %and3A_348 : i32 to vector<16xi32>
        %and3A_350 = arith.andi %get3A_339, %and3A_349 : vector<16xi32>
        %add3A_351 = arith.addi %mul3A_347, %and3A_350 : vector<16xi32>
        %jit3A = arith.constant 0 : i32
        %broadcast_in_dim3A_352 = vector.broadcast %jit3A : i32 to vector<16xi32>
        %select_n3A = arith.select %and3A, %add3A_351, %broadcast_in_dim3A_352 : vector<16xi1>, vector<16xi32>
        %shift_right_logical3A = arith.constant 7 : i32
        %shift_right_logical3A_353 = vector.broadcast %shift_right_logical3A : i32 to vector<16xi32>
        %shift_right_logical3A_354 = arith.shrui %get3A_339, %shift_right_logical3A_353 : vector<16xi32>
        %shift_left3A = arith.shli %broadcast_in_dim3A_269, %shift_right_logical3A_354 : vector<16xi32>
        %while3A = scf.while (%while3A_355 = %and3A) : (vector<16xi1>) -> vector<16xi1> {
          %reduce_or3A_356 = arith.constant 1.000000e+00 : f32
          %reduce_or3A_357 = arith.constant 0.000000e+00 : f32
          %reduce_or3A_358 = vector.broadcast %reduce_or3A_356 : f32 to vector<16xf32>
          %reduce_or3A_359 = vector.broadcast %reduce_or3A_357 : f32 to vector<16xf32>
          %reduce_or3A_360 = arith.select %while3A_355, %reduce_or3A_358, %reduce_or3A_359 : vector<16xi1>, vector<16xf32>
          %reduce_or3A_361 = arith.constant true
          %reduce_or3A_362 = vector.broadcast %reduce_or3A_361 : i1 to vector<16xi1>
          %reduce_or3A_363 = tpu.scan <max>, %reduce_or3A_360 masked %reduce_or3A_362 : vector<16xf32>, vector<16xi1> -> vector<16xf32>
          %reduce_or3A_364 = vector.extract %reduce_or3A_363[15] : f32 from vector<16xf32>
          %reduce_or3A_365 = arith.constant 0.000000e+00 : f32
          %reduce_or3A_366 = arith.cmpf ogt, %reduce_or3A_364, %reduce_or3A_365 : f32
          scf.condition(%reduce_or3A_366) %while3A_355 : vector<16xi1>
        } do {
        ^bb0(%while3A_355: vector<16xi1>):
          %gather3A = tpu.vector_load_idx %arg9[%select_n3A] masked %while3A_355 : memref<16384xi32, #tpu.memory_space<vmem>>[vector<16xi32>], vector<16xi32>, vector<16xi1>
          %and3A_356 = arith.andi %gather3A, %shift_left3A : vector<16xi32>
          %eq3A = arith.constant 0 : i32
          %eq3A_357 = vector.broadcast %eq3A : i32 to vector<16xi32>
          %eq3A_358 = arith.cmpi eq, %and3A_356, %eq3A_357 : vector<16xi32>
          %and3A_359 = arith.andi %while3A_355, %eq3A_358 : vector<16xi1>
          %or3A = arith.ori %gather3A, %shift_left3A : vector<16xi32>
          tpu.vector_store_idx %arg9[%select_n3A], %or3A masked %and3A_359 : memref<16384xi32, #tpu.memory_space<vmem>>[vector<16xi32>], vector<16xi32>, vector<16xi1>
          scf.yield %and3A_359 : vector<16xi1>
        }
      }
      %scan3A_331 = arith.constant 1024 : i32
    } else {
    }
    %dma_wait3A_292 = arith.constant 114688 : i32
    %dma_wait3A_293 = tpu.memref_slice %arg2[%dma_wait3A_292] : memref<131072xi32, #tpu.memory_space<hbm>> -> memref<16384xi32, #tpu.memory_space<hbm>>
    %dma_wait3A_294 = arith.constant 114688 : i32
    %dma_wait3A_295 = tpu.memref_slice %arg2[%dma_wait3A_294] : memref<131072xi32, #tpu.memory_space<hbm>> -> memref<16384xi32, #tpu.memory_space<hbm>>
    tpu.wait_dma2 semaphore(%arg11 : memref<!tpu.dma_semaphore, #tpu.memory_space<semaphore_mem>>) src(%dma_wait3A_295 : memref<16384xi32, #tpu.memory_space<hbm>>) dst(%arg7 : memref<16384xi32, #tpu.memory_space<vmem>>)
    %dma_wait3A_296 = arith.constant 114688 : i32
    %dma_wait3A_297 = tpu.memref_slice %arg3[%dma_wait3A_296] : memref<131072xi32, #tpu.memory_space<hbm>> -> memref<16384xi32, #tpu.memory_space<hbm>>
    %dma_wait3A_298 = arith.constant 114688 : i32
    %dma_wait3A_299 = tpu.memref_slice %arg3[%dma_wait3A_298] : memref<131072xi32, #tpu.memory_space<hbm>> -> memref<16384xi32, #tpu.memory_space<hbm>>
    tpu.wait_dma2 semaphore(%arg11 : memref<!tpu.dma_semaphore, #tpu.memory_space<semaphore_mem>>) src(%dma_wait3A_299 : memref<16384xi32, #tpu.memory_space<hbm>>) dst(%arg8 : memref<16384xi32, #tpu.memory_space<vmem>>)
    %broadcast_in_dim3A_300 = arith.constant 1 : i32
    %broadcast_in_dim3A_301 = vector.broadcast %broadcast_in_dim3A_300 : i32 to vector<16xi32>
    %broadcast_in_dim3A_302 = arith.constant false
    %broadcast_in_dim3A_303 = vector.broadcast %broadcast_in_dim3A_302 : i1 to vector<16xi1>
    %scan3A_304 = arith.constant 0 : i32
    %scan3A_305 = arith.constant 1024 : i32
    %scan3A_306 = arith.addi %scan3A_304, %scan3A_305 : i32
    %scan3A_307 = arith.constant 1 : i32
    %scan3A_308 = scf.for %scan3A_326 = %scan3A_304 to %scan3A_306 step %scan3A_307 iter_args(%scan3A_327 = %broadcast_in_dim3A_303) -> (vector<16xi1>)  : i32 {
      %mul3A_328 = arith.constant 16 : i32
      %mul3A_329 = arith.muli %scan3A_326, %mul3A_328 : i32
      %get3A = arith.index_cast %mul3A_329 : i32 to index
      %get3A_330 = tpu.vector_load %arg7[%get3A] {strides = array<i32>} : memref<16384xi32, #tpu.memory_space<vmem>>, vector<16xi32>,
      %mul3A_331 = arith.constant 16 : i32
      %mul3A_332 = arith.muli %scan3A_326, %mul3A_331 : i32
      %get3A_333 = arith.index_cast %mul3A_332 : i32 to index
      %get3A_334 = tpu.vector_load %arg8[%get3A_333] {strides = array<i32>} : memref<16384xi32, #tpu.memory_space<vmem>>, vector<16xi32>,
      %ge3A = vector.broadcast %mul3A_2 : i32 to vector<16xi32>
      %ge3A_335 = arith.cmpi sge, %get3A_330, %ge3A : vector<16xi32>
      %add3A_336 = arith.constant 128 : i32
      %add3A_337 = arith.addi %mul3A_2, %add3A_336 : i32
      %lt3A = vector.broadcast %add3A_337 : i32 to vector<16xi32>
      %lt3A_338 = arith.cmpi slt, %get3A_330, %lt3A : vector<16xi32>
      %and3A = arith.andi %ge3A_335, %lt3A_338 : vector<16xi1>
      %sub3A = vector.broadcast %mul3A_2 : i32 to vector<16xi32>
      %sub3A_339 = arith.subi %get3A_330, %sub3A : vector<16xi32>
      %mul3A_340 = arith.constant 128 : i32
      %mul3A_341 = vector.broadcast %mul3A_340 : i32 to vector<16xi32>
      %mul3A_342 = arith.muli %sub3A_339, %mul3A_341 : vector<16xi32>
      %and3A_343 = arith.constant 127 : i32
      %and3A_344 = vector.broadcast %and3A_343 : i32 to vector<16xi32>
      %and3A_345 = arith.andi %get3A_334, %and3A_344 : vector<16xi32>
      %add3A_346 = arith.addi %mul3A_342, %and3A_345 : vector<16xi32>
      %jit3A = arith.constant 0 : i32
      %broadcast_in_dim3A_347 = vector.broadcast %jit3A : i32 to vector<16xi32>
      %select_n3A = arith.select %and3A, %add3A_346, %broadcast_in_dim3A_347 : vector<16xi1>, vector<16xi32>
      %shift_right_logical3A = arith.constant 7 : i32
      %shift_right_logical3A_348 = vector.broadcast %shift_right_logical3A : i32 to vector<16xi32>
      %shift_right_logical3A_349 = arith.shrui %get3A_334, %shift_right_logical3A_348 : vector<16xi32>
      %shift_left3A = arith.shli %broadcast_in_dim3A_301, %shift_right_logical3A_349 : vector<16xi32>
      %gather3A = tpu.vector_load_idx %arg9[%select_n3A] masked %and3A : memref<16384xi32, #tpu.memory_space<vmem>>[vector<16xi32>], vector<16xi32>, vector<16xi1>
      %or3A = arith.ori %gather3A, %shift_left3A : vector<16xi32>
      tpu.vector_store_idx %arg9[%select_n3A], %or3A masked %and3A : memref<16384xi32, #tpu.memory_space<vmem>>[vector<16xi32>], vector<16xi32>, vector<16xi1>
      %gather3A_350 = tpu.vector_load_idx %arg9[%select_n3A] masked %and3A : memref<16384xi32, #tpu.memory_space<vmem>>[vector<16xi32>], vector<16xi32>, vector<16xi1>
      %and3A_351 = arith.andi %gather3A_350, %shift_left3A : vector<16xi32>
      %eq3A = arith.constant 0 : i32
      %eq3A_352 = vector.broadcast %eq3A : i32 to vector<16xi32>
      %eq3A_353 = arith.cmpi eq, %and3A_351, %eq3A_352 : vector<16xi32>
      %and3A_354 = arith.andi %and3A, %eq3A_353 : vector<16xi1>
      %or3A_355 = arith.ori %scan3A_327, %and3A_354 : vector<16xi1>
      scf.yield %or3A_355 : vector<16xi1>
    }
    %scan3A_309 = arith.constant 1024 : i32
    %reduce_or3A_310 = arith.constant 1.000000e+00 : f32
    %reduce_or3A_311 = arith.constant 0.000000e+00 : f32
    %reduce_or3A_312 = vector.broadcast %reduce_or3A_310 : f32 to vector<16xf32>
    %reduce_or3A_313 = vector.broadcast %reduce_or3A_311 : f32 to vector<16xf32>
    %reduce_or3A_314 = arith.select %scan3A_308, %reduce_or3A_312, %reduce_or3A_313 : vector<16xi1>, vector<16xf32>
    %reduce_or3A_315 = arith.constant true
    %reduce_or3A_316 = vector.broadcast %reduce_or3A_315 : i1 to vector<16xi1>
    %reduce_or3A_317 = tpu.scan <max>, %reduce_or3A_314 masked %reduce_or3A_316 : vector<16xf32>, vector<16xi1> -> vector<16xf32>
    %reduce_or3A_318 = vector.extract %reduce_or3A_317[15] : f32 from vector<16xf32>
    %reduce_or3A_319 = arith.constant 0.000000e+00 : f32
    %reduce_or3A_320 = arith.cmpf ogt, %reduce_or3A_318, %reduce_or3A_319 : f32
    %convert_element_type3A_321 = arith.extui %reduce_or3A_320 : i1 to i32
    %cond3A_322 = arith.constant 0 : i32
    %cond3A_323 = arith.cmpi ne, %convert_element_type3A_321, %cond3A_322 : i32
    scf.if %cond3A_323 {
      %scan3A_326 = arith.constant 0 : i32
      %scan3A_327 = arith.constant 0 : i32
      %scan3A_328 = arith.constant 1024 : i32
      %scan3A_329 = arith.addi %scan3A_327, %scan3A_328 : i32
      %scan3A_330 = arith.constant 1 : i32
      scf.for %scan3A_332 = %scan3A_327 to %scan3A_329 step %scan3A_330  : i32 {
        %mul3A_333 = arith.constant 16 : i32
        %mul3A_334 = arith.muli %scan3A_332, %mul3A_333 : i32
        %get3A = arith.index_cast %mul3A_334 : i32 to index
        %get3A_335 = tpu.vector_load %arg7[%get3A] {strides = array<i32>} : memref<16384xi32, #tpu.memory_space<vmem>>, vector<16xi32>,
        %mul3A_336 = arith.constant 16 : i32
        %mul3A_337 = arith.muli %scan3A_332, %mul3A_336 : i32
        %get3A_338 = arith.index_cast %mul3A_337 : i32 to index
        %get3A_339 = tpu.vector_load %arg8[%get3A_338] {strides = array<i32>} : memref<16384xi32, #tpu.memory_space<vmem>>, vector<16xi32>,
        %ge3A = vector.broadcast %mul3A_2 : i32 to vector<16xi32>
        %ge3A_340 = arith.cmpi sge, %get3A_335, %ge3A : vector<16xi32>
        %add3A_341 = arith.constant 128 : i32
        %add3A_342 = arith.addi %mul3A_2, %add3A_341 : i32
        %lt3A = vector.broadcast %add3A_342 : i32 to vector<16xi32>
        %lt3A_343 = arith.cmpi slt, %get3A_335, %lt3A : vector<16xi32>
        %and3A = arith.andi %ge3A_340, %lt3A_343 : vector<16xi1>
        %sub3A = vector.broadcast %mul3A_2 : i32 to vector<16xi32>
        %sub3A_344 = arith.subi %get3A_335, %sub3A : vector<16xi32>
        %mul3A_345 = arith.constant 128 : i32
        %mul3A_346 = vector.broadcast %mul3A_345 : i32 to vector<16xi32>
        %mul3A_347 = arith.muli %sub3A_344, %mul3A_346 : vector<16xi32>
        %and3A_348 = arith.constant 127 : i32
        %and3A_349 = vector.broadcast %and3A_348 : i32 to vector<16xi32>
        %and3A_350 = arith.andi %get3A_339, %and3A_349 : vector<16xi32>
        %add3A_351 = arith.addi %mul3A_347, %and3A_350 : vector<16xi32>
        %jit3A = arith.constant 0 : i32
        %broadcast_in_dim3A_352 = vector.broadcast %jit3A : i32 to vector<16xi32>
        %select_n3A = arith.select %and3A, %add3A_351, %broadcast_in_dim3A_352 : vector<16xi1>, vector<16xi32>
        %shift_right_logical3A = arith.constant 7 : i32
        %shift_right_logical3A_353 = vector.broadcast %shift_right_logical3A : i32 to vector<16xi32>
        %shift_right_logical3A_354 = arith.shrui %get3A_339, %shift_right_logical3A_353 : vector<16xi32>
        %shift_left3A = arith.shli %broadcast_in_dim3A_301, %shift_right_logical3A_354 : vector<16xi32>
        %while3A = scf.while (%while3A_355 = %and3A) : (vector<16xi1>) -> vector<16xi1> {
          %reduce_or3A_356 = arith.constant 1.000000e+00 : f32
          %reduce_or3A_357 = arith.constant 0.000000e+00 : f32
          %reduce_or3A_358 = vector.broadcast %reduce_or3A_356 : f32 to vector<16xf32>
          %reduce_or3A_359 = vector.broadcast %reduce_or3A_357 : f32 to vector<16xf32>
          %reduce_or3A_360 = arith.select %while3A_355, %reduce_or3A_358, %reduce_or3A_359 : vector<16xi1>, vector<16xf32>
          %reduce_or3A_361 = arith.constant true
          %reduce_or3A_362 = vector.broadcast %reduce_or3A_361 : i1 to vector<16xi1>
          %reduce_or3A_363 = tpu.scan <max>, %reduce_or3A_360 masked %reduce_or3A_362 : vector<16xf32>, vector<16xi1> -> vector<16xf32>
          %reduce_or3A_364 = vector.extract %reduce_or3A_363[15] : f32 from vector<16xf32>
          %reduce_or3A_365 = arith.constant 0.000000e+00 : f32
          %reduce_or3A_366 = arith.cmpf ogt, %reduce_or3A_364, %reduce_or3A_365 : f32
          scf.condition(%reduce_or3A_366) %while3A_355 : vector<16xi1>
        } do {
        ^bb0(%while3A_355: vector<16xi1>):
          %gather3A = tpu.vector_load_idx %arg9[%select_n3A] masked %while3A_355 : memref<16384xi32, #tpu.memory_space<vmem>>[vector<16xi32>], vector<16xi32>, vector<16xi1>
          %and3A_356 = arith.andi %gather3A, %shift_left3A : vector<16xi32>
          %eq3A = arith.constant 0 : i32
          %eq3A_357 = vector.broadcast %eq3A : i32 to vector<16xi32>
          %eq3A_358 = arith.cmpi eq, %and3A_356, %eq3A_357 : vector<16xi32>
          %and3A_359 = arith.andi %while3A_355, %eq3A_358 : vector<16xi1>
          %or3A = arith.ori %gather3A, %shift_left3A : vector<16xi32>
          tpu.vector_store_idx %arg9[%select_n3A], %or3A masked %and3A_359 : memref<16384xi32, #tpu.memory_space<vmem>>[vector<16xi32>], vector<16xi32>, vector<16xi1>
          scf.yield %and3A_359 : vector<16xi1>
        }
      }
      %scan3A_331 = arith.constant 1024 : i32
    } else {
    }
    %mul3A_324 = arith.constant 16384 : i32
    %mul3A_325 = arith.muli %add3A, %mul3A_324 : i32
    "tpu.region"() ({
      %run_scoped3A = tpu.sem_alloc : memref<!tpu.dma_semaphore, #tpu.memory_space<semaphore_mem>>
      %dma_start3A_326 = tpu.memref_slice %arg4[%mul3A_325] : memref<524288xi32, #tpu.memory_space<hbm>> -> memref<16384xi32, #tpu.memory_space<hbm>>
      %dma_start3A_327 = tpu.memref_slice %arg4[%mul3A_325] : memref<524288xi32, #tpu.memory_space<hbm>> -> memref<16384xi32, #tpu.memory_space<hbm>>
      tpu.enqueue_dma source(%arg9 : memref<16384xi32, #tpu.memory_space<vmem>>) target(%dma_start3A_327 : memref<16384xi32, #tpu.memory_space<hbm>>) target_semaphore(%run_scoped3A : memref<!tpu.dma_semaphore, #tpu.memory_space<semaphore_mem>>)
      %dma_wait3A_328 = tpu.memref_slice %arg4[%mul3A_325] : memref<524288xi32, #tpu.memory_space<hbm>> -> memref<16384xi32, #tpu.memory_space<hbm>>
      %dma_wait3A_329 = tpu.memref_slice %arg4[%mul3A_325] : memref<524288xi32, #tpu.memory_space<hbm>> -> memref<16384xi32, #tpu.memory_space<hbm>>
      tpu.wait_dma2 semaphore(%run_scoped3A : memref<!tpu.dma_semaphore, #tpu.memory_space<semaphore_mem>>) src(%arg9 : memref<16384xi32, #tpu.memory_space<vmem>>) dst(%dma_wait3A_329 : memref<16384xi32, #tpu.memory_space<hbm>>)
      tpu.yield
    }) : () -> ()
    return
  }
}

module attributes {stable_mosaic.version = 14 : i64} {
  func.func @_gat_body(%arg0: i32, %arg1: memref<256x4xf32, #tpu.memory_space<vmem>>, %arg2: memref<4x4096xf32, #tpu.memory_space<vmem>>, %arg3: memref<4096x256xf32, #tpu.memory_space<vmem>>, %arg4: memref<256x128xi32, #tpu.memory_space<vmem>>, %arg5: memref<1x256xf32, #tpu.memory_space<vmem>>, %arg6: memref<1x4xf32, #tpu.memory_space<vmem>>, %arg7: memref<256x256xf32, #tpu.memory_space<vmem>>) attributes {dimension_semantics = [#tpu.dimension_semantics<arbitrary>], iteration_bounds = array<i64: 16>, scalar_prefetch = 0 : i64, scratch_operands = 0 : i64, tpu.core_type = #tpu.core_type<tc>, window_params = [{transform_indices = @transform_0, window_bounds = array<i64: 256, 4>}, {pipeline_mode = #tpu.pipeline_mode<synchronous>, transform_indices = @transform_1, window_bounds = array<i64: 4, 4096>}, {pipeline_mode = #tpu.pipeline_mode<synchronous>, transform_indices = @transform_2, window_bounds = array<i64: 4096, 256>}, {transform_indices = @transform_3, window_bounds = array<i64: 256, 128>}, {pipeline_mode = #tpu.pipeline_mode<synchronous>, transform_indices = @transform_4, window_bounds = array<i64: 1, 256>}, {pipeline_mode = #tpu.pipeline_mode<synchronous>, transform_indices = @transform_5, window_bounds = array<i64: 1, 4>}, {transform_indices = @transform_6, window_bounds = array<i64: 256, 256>}]} {
    %get3A = arith.constant 0 : index
    %get3A_0 = arith.constant 0 : index
    %get3A_1 = vector.load %arg1[%get3A, %get3A_0] : memref<256x4xf32, #tpu.memory_space<vmem>>, vector<256x4xf32>
    %get3A_2 = arith.constant 0 : index
    %get3A_3 = arith.constant 0 : index
    %get3A_4 = vector.load %arg4[%get3A_2, %get3A_3] : memref<256x128xi32, #tpu.memory_space<vmem>>, vector<256x128xi32>
    %concatenate3A = tpu.concatenate %get3A_4, %get3A_4, %get3A_4, %get3A_4, %get3A_4, %get3A_4, %get3A_4, %get3A_4, %get3A_4, %get3A_4, %get3A_4, %get3A_4, %get3A_4, %get3A_4, %get3A_4, %get3A_4, %get3A_4, %get3A_4, %get3A_4, %get3A_4, %get3A_4, %get3A_4, %get3A_4, %get3A_4, %get3A_4, %get3A_4, %get3A_4, %get3A_4, %get3A_4, %get3A_4, %get3A_4, %get3A_4 in 1 : vector<256x128xi32>, vector<256x128xi32>, vector<256x128xi32>, vector<256x128xi32>, vector<256x128xi32>, vector<256x128xi32>, vector<256x128xi32>, vector<256x128xi32>, vector<256x128xi32>, vector<256x128xi32>, vector<256x128xi32>, vector<256x128xi32>, vector<256x128xi32>, vector<256x128xi32>, vector<256x128xi32>, vector<256x128xi32>, vector<256x128xi32>, vector<256x128xi32>, vector<256x128xi32>, vector<256x128xi32>, vector<256x128xi32>, vector<256x128xi32>, vector<256x128xi32>, vector<256x128xi32>, vector<256x128xi32>, vector<256x128xi32>, vector<256x128xi32>, vector<256x128xi32>, vector<256x128xi32>, vector<256x128xi32>, vector<256x128xi32>, vector<256x128xi32> -> vector<256x4096xi32>
    %iota3A = tpu.iota {dimensions = array<i32: 1>} : vector<256x4096xi32>
    %shift_right_logical3A = arith.constant 7 : i32
    %shift_right_logical3A_5 = vector.broadcast %shift_right_logical3A : i32 to vector<256x4096xi32>
    %shift_right_logical3A_6 = arith.shrui %iota3A, %shift_right_logical3A_5 : vector<256x4096xi32>
    %shift_right_logical3A_7 = arith.shrui %concatenate3A, %shift_right_logical3A_6 : vector<256x4096xi32>
    %and3A = arith.constant 1 : i32
    %and3A_8 = vector.broadcast %and3A : i32 to vector<256x4096xi32>
    %and3A_9 = arith.andi %shift_right_logical3A_7, %and3A_8 : vector<256x4096xi32>
    %eq3A = arith.constant 1 : i32
    %eq3A_10 = vector.broadcast %eq3A : i32 to vector<256x4096xi32>
    %eq3A_11 = arith.cmpi eq, %and3A_9, %eq3A_10 : vector<256x4096xi32>
    %get3A_12 = arith.constant 0 : index
    %get3A_13 = arith.constant 0 : index
    %get3A_14 = vector.load %arg6[%get3A_12, %get3A_13] : memref<1x4xf32, #tpu.memory_space<vmem>>, vector<1x4xf32>
    %add3A = vector.broadcast %get3A_14 : vector<1x4xf32> to vector<256x4xf32>
    %add3A_15 = arith.addf %get3A_1, %add3A : vector<256x4xf32>
    %gt3A = arith.constant 0.000000e+00 : f32
    %gt3A_16 = vector.broadcast %gt3A : f32 to vector<256x4xf32>
    %gt3A_17 = arith.cmpf ogt, %add3A_15, %gt3A_16 : vector<256x4xf32>
    %mul3A = arith.constant 2.000000e-01 : f32
    %mul3A_18 = vector.broadcast %mul3A : f32 to vector<256x4xf32>
    %mul3A_19 = arith.mulf %mul3A_18, %add3A_15 : vector<256x4xf32>
    %select_n3A = arith.select %gt3A_17, %add3A_15, %mul3A_19 : vector<256x4xi1>, vector<256x4xf32>
    %slice3A = vector.extract_strided_slice %select_n3A {offsets = [0, 0], sizes = [256, 1], strides = [1, 1]} : vector<256x4xf32> to vector<256x1xf32>
    %mul3A_20 = arith.constant -8.000000e-01 : f32
    %mul3A_21 = vector.broadcast %mul3A_20 : f32 to vector<256x1xf32>
    %mul3A_22 = arith.mulf %mul3A_21, %slice3A : vector<256x1xf32>
    %slice3A_23 = vector.extract_strided_slice %get3A_1 {offsets = [0, 0], sizes = [256, 1], strides = [1, 1]} : vector<256x4xf32> to vector<256x1xf32>
    %sub3A = arith.subf %slice3A_23, %slice3A : vector<256x1xf32>
    %get3A_24 = arith.constant 0 : index
    %get3A_25 = arith.constant 0 : index
    %get3A_26 = vector.load %arg2[%get3A_24, %get3A_25] : memref<4x4096xf32, #tpu.memory_space<vmem>>, vector<1x4096xf32>
    %add3A_27 = vector.broadcast %sub3A : vector<256x1xf32> to vector<256x4096xf32>
    %add3A_28 = vector.broadcast %get3A_26 : vector<1x4096xf32> to vector<256x4096xf32>
    %add3A_29 = arith.addf %add3A_27, %add3A_28 : vector<256x4096xf32>
    %neg3A = arith.constant 0.000000e+00 : f32
    %neg3A_30 = vector.broadcast %neg3A : f32 to vector<256x1xf32>
    %neg3A_31 = arith.subf %neg3A_30, %slice3A : vector<256x1xf32>
    %gt3A_32 = vector.broadcast %neg3A_31 : vector<256x1xf32> to vector<256x4096xf32>
    %gt3A_33 = arith.cmpf ogt, %add3A_29, %gt3A_32 : vector<256x4096xf32>
    %mul3A_34 = arith.constant 2.000000e-01 : f32
    %mul3A_35 = vector.broadcast %mul3A_34 : f32 to vector<256x4096xf32>
    %mul3A_36 = arith.mulf %mul3A_35, %add3A_29 : vector<256x4096xf32>
    %add3A_37 = vector.broadcast %mul3A_22 : vector<256x1xf32> to vector<256x4096xf32>
    %add3A_38 = arith.addf %mul3A_36, %add3A_37 : vector<256x4096xf32>
    %select_n3A_39 = arith.select %gt3A_33, %add3A_29, %add3A_38 : vector<256x4096xi1>, vector<256x4096xf32>
    %jit3A = arith.constant -9.000000e+15 : f32
    %broadcast_in_dim3A = vector.broadcast %jit3A : f32 to vector<256x4096xf32>
    %select_n3A_40 = arith.select %eq3A_11, %select_n3A_39, %broadcast_in_dim3A : vector<256x4096xi1>, vector<256x4096xf32>
    %exp3A = math.exp %select_n3A_40 : vector<256x4096xf32>
    %reduce_sum3A = arith.constant dense<0.000000e+00> : vector<256xf32>
    %reduce_sum3A_41 = vector.multi_reduction <add>, %exp3A, %reduce_sum3A [1] : vector<256x4096xf32> to vector<256xf32>
    %broadcast_in_dim3A_42 = vector.shape_cast %reduce_sum3A_41 : vector<256xf32> to vector<256x1xf32>
    %get3A_43 = arith.constant 0 : index
    %get3A_44 = arith.constant 0 : index
    %get3A_45 = vector.load %arg3[%get3A_43, %get3A_44] : memref<4096x256xf32, #tpu.memory_space<vmem>>, vector<4096x64xf32>
    %dot_general3A = arith.constant dense<0.000000e+00> : vector<256x64xf32>
    %dot_general3A_46 = tpu.matmul %exp3A, %get3A_45, %dot_general3A {dimension_numbers = #tpu.dot_dimension_numbers<[1], [0], [0], [1], [0, 0, 1, 1], [], []>, transpose_lhs_hint = false} : vector<256x4096xf32>, vector<4096x64xf32>, vector<256x64xf32> -> vector<256x64xf32>
    %eq3A_47 = arith.constant 0.000000e+00 : f32
    %eq3A_48 = vector.broadcast %eq3A_47 : f32 to vector<256x1xf32>
    %eq3A_49 = arith.cmpf oeq, %broadcast_in_dim3A_42, %eq3A_48 : vector<256x1xf32>
    %get3A_50 = arith.constant 0 : index
    %get3A_51 = arith.constant 0 : index
    %get3A_52 = vector.load %arg5[%get3A_50, %get3A_51] : memref<1x256xf32, #tpu.memory_space<vmem>>, vector<1x64xf32>
    %div3A = vector.broadcast %broadcast_in_dim3A_42 : vector<256x1xf32> to vector<256x64xf32>
    %div3A_53 = arith.divf %dot_general3A_46, %div3A : vector<256x64xf32>
    %broadcast_in_dim3A_54 = vector.shape_cast %eq3A_49 : vector<256x1xi1> to vector<256x1xi1>
    %broadcast_in_dim3A_55 = vector.broadcast %broadcast_in_dim3A_54 : vector<256x1xi1> to vector<256x64xi1>
    %broadcast_in_dim3A_56 = vector.shape_cast %get3A_52 : vector<1x64xf32> to vector<1x64xf32>
    %broadcast_in_dim3A_57 = vector.broadcast %broadcast_in_dim3A_56 : vector<1x64xf32> to vector<256x64xf32>
    %select_n3A_58 = arith.select %broadcast_in_dim3A_55, %broadcast_in_dim3A_57, %div3A_53 : vector<256x64xi1>, vector<256x64xf32>
    %swap3A = arith.constant 0 : index
    %swap3A_59 = arith.constant 0 : index
    %swap3A_60 = vector.load %arg7[%swap3A, %swap3A_59] : memref<256x256xf32, #tpu.memory_space<vmem>>, vector<256x64xf32>
    tpu.vector_store %arg7[%swap3A, %swap3A_59], %select_n3A_58 {strides = array<i32>} : memref<256x256xf32, #tpu.memory_space<vmem>>, vector<256x64xf32>,
    %slice3A_61 = vector.extract_strided_slice %select_n3A {offsets = [0, 1], sizes = [256, 1], strides = [1, 1]} : vector<256x4xf32> to vector<256x1xf32>
    %mul3A_62 = arith.constant -8.000000e-01 : f32
    %mul3A_63 = vector.broadcast %mul3A_62 : f32 to vector<256x1xf32>
    %mul3A_64 = arith.mulf %mul3A_63, %slice3A_61 : vector<256x1xf32>
    %slice3A_65 = vector.extract_strided_slice %get3A_1 {offsets = [0, 1], sizes = [256, 1], strides = [1, 1]} : vector<256x4xf32> to vector<256x1xf32>
    %sub3A_66 = arith.subf %slice3A_65, %slice3A_61 : vector<256x1xf32>
    %get3A_67 = arith.constant 1 : index
    %get3A_68 = arith.constant 0 : index
    %get3A_69 = vector.load %arg2[%get3A_67, %get3A_68] : memref<4x4096xf32, #tpu.memory_space<vmem>>, vector<1x4096xf32>
    %add3A_70 = vector.broadcast %sub3A_66 : vector<256x1xf32> to vector<256x4096xf32>
    %add3A_71 = vector.broadcast %get3A_69 : vector<1x4096xf32> to vector<256x4096xf32>
    %add3A_72 = arith.addf %add3A_70, %add3A_71 : vector<256x4096xf32>
    %neg3A_73 = arith.constant 0.000000e+00 : f32
    %neg3A_74 = vector.broadcast %neg3A_73 : f32 to vector<256x1xf32>
    %neg3A_75 = arith.subf %neg3A_74, %slice3A_61 : vector<256x1xf32>
    %gt3A_76 = vector.broadcast %neg3A_75 : vector<256x1xf32> to vector<256x4096xf32>
    %gt3A_77 = arith.cmpf ogt, %add3A_72, %gt3A_76 : vector<256x4096xf32>
    %mul3A_78 = arith.constant 2.000000e-01 : f32
    %mul3A_79 = vector.broadcast %mul3A_78 : f32 to vector<256x4096xf32>
    %mul3A_80 = arith.mulf %mul3A_79, %add3A_72 : vector<256x4096xf32>
    %add3A_81 = vector.broadcast %mul3A_64 : vector<256x1xf32> to vector<256x4096xf32>
    %add3A_82 = arith.addf %mul3A_80, %add3A_81 : vector<256x4096xf32>
    %select_n3A_83 = arith.select %gt3A_77, %add3A_72, %add3A_82 : vector<256x4096xi1>, vector<256x4096xf32>
    %jit3A_84 = arith.constant -9.000000e+15 : f32
    %broadcast_in_dim3A_85 = vector.broadcast %jit3A_84 : f32 to vector<256x4096xf32>
    %select_n3A_86 = arith.select %eq3A_11, %select_n3A_83, %broadcast_in_dim3A_85 : vector<256x4096xi1>, vector<256x4096xf32>
    %exp3A_87 = math.exp %select_n3A_86 : vector<256x4096xf32>
    %reduce_sum3A_88 = arith.constant dense<0.000000e+00> : vector<256xf32>
    %reduce_sum3A_89 = vector.multi_reduction <add>, %exp3A_87, %reduce_sum3A_88 [1] : vector<256x4096xf32> to vector<256xf32>
    %broadcast_in_dim3A_90 = vector.shape_cast %reduce_sum3A_89 : vector<256xf32> to vector<256x1xf32>
    %get3A_91 = arith.constant 0 : index
    %get3A_92 = arith.constant 64 : index
    %get3A_93 = vector.load %arg3[%get3A_91, %get3A_92] : memref<4096x256xf32, #tpu.memory_space<vmem>>, vector<4096x64xf32>
    %dot_general3A_94 = arith.constant dense<0.000000e+00> : vector<256x64xf32>
    %dot_general3A_95 = tpu.matmul %exp3A_87, %get3A_93, %dot_general3A_94 {dimension_numbers = #tpu.dot_dimension_numbers<[1], [0], [0], [1], [0, 0, 1, 1], [], []>, transpose_lhs_hint = false} : vector<256x4096xf32>, vector<4096x64xf32>, vector<256x64xf32> -> vector<256x64xf32>
    %eq3A_96 = arith.constant 0.000000e+00 : f32
    %eq3A_97 = vector.broadcast %eq3A_96 : f32 to vector<256x1xf32>
    %eq3A_98 = arith.cmpf oeq, %broadcast_in_dim3A_90, %eq3A_97 : vector<256x1xf32>
    %get3A_99 = arith.constant 0 : index
    %get3A_100 = arith.constant 64 : index
    %get3A_101 = vector.load %arg5[%get3A_99, %get3A_100] : memref<1x256xf32, #tpu.memory_space<vmem>>, vector<1x64xf32>
    %div3A_102 = vector.broadcast %broadcast_in_dim3A_90 : vector<256x1xf32> to vector<256x64xf32>
    %div3A_103 = arith.divf %dot_general3A_95, %div3A_102 : vector<256x64xf32>
    %broadcast_in_dim3A_104 = vector.shape_cast %eq3A_98 : vector<256x1xi1> to vector<256x1xi1>
    %broadcast_in_dim3A_105 = vector.broadcast %broadcast_in_dim3A_104 : vector<256x1xi1> to vector<256x64xi1>
    %broadcast_in_dim3A_106 = vector.shape_cast %get3A_101 : vector<1x64xf32> to vector<1x64xf32>
    %broadcast_in_dim3A_107 = vector.broadcast %broadcast_in_dim3A_106 : vector<1x64xf32> to vector<256x64xf32>
    %select_n3A_108 = arith.select %broadcast_in_dim3A_105, %broadcast_in_dim3A_107, %div3A_103 : vector<256x64xi1>, vector<256x64xf32>
    %swap3A_109 = arith.constant 0 : index
    %swap3A_110 = arith.constant 64 : index
    %swap3A_111 = vector.load %arg7[%swap3A_109, %swap3A_110] : memref<256x256xf32, #tpu.memory_space<vmem>>, vector<256x64xf32>
    tpu.vector_store %arg7[%swap3A_109, %swap3A_110], %select_n3A_108 {strides = array<i32>} : memref<256x256xf32, #tpu.memory_space<vmem>>, vector<256x64xf32>,
    %slice3A_112 = vector.extract_strided_slice %select_n3A {offsets = [0, 2], sizes = [256, 1], strides = [1, 1]} : vector<256x4xf32> to vector<256x1xf32>
    %mul3A_113 = arith.constant -8.000000e-01 : f32
    %mul3A_114 = vector.broadcast %mul3A_113 : f32 to vector<256x1xf32>
    %mul3A_115 = arith.mulf %mul3A_114, %slice3A_112 : vector<256x1xf32>
    %slice3A_116 = vector.extract_strided_slice %get3A_1 {offsets = [0, 2], sizes = [256, 1], strides = [1, 1]} : vector<256x4xf32> to vector<256x1xf32>
    %sub3A_117 = arith.subf %slice3A_116, %slice3A_112 : vector<256x1xf32>
    %get3A_118 = arith.constant 2 : index
    %get3A_119 = arith.constant 0 : index
    %get3A_120 = vector.load %arg2[%get3A_118, %get3A_119] : memref<4x4096xf32, #tpu.memory_space<vmem>>, vector<1x4096xf32>
    %add3A_121 = vector.broadcast %sub3A_117 : vector<256x1xf32> to vector<256x4096xf32>
    %add3A_122 = vector.broadcast %get3A_120 : vector<1x4096xf32> to vector<256x4096xf32>
    %add3A_123 = arith.addf %add3A_121, %add3A_122 : vector<256x4096xf32>
    %neg3A_124 = arith.constant 0.000000e+00 : f32
    %neg3A_125 = vector.broadcast %neg3A_124 : f32 to vector<256x1xf32>
    %neg3A_126 = arith.subf %neg3A_125, %slice3A_112 : vector<256x1xf32>
    %gt3A_127 = vector.broadcast %neg3A_126 : vector<256x1xf32> to vector<256x4096xf32>
    %gt3A_128 = arith.cmpf ogt, %add3A_123, %gt3A_127 : vector<256x4096xf32>
    %mul3A_129 = arith.constant 2.000000e-01 : f32
    %mul3A_130 = vector.broadcast %mul3A_129 : f32 to vector<256x4096xf32>
    %mul3A_131 = arith.mulf %mul3A_130, %add3A_123 : vector<256x4096xf32>
    %add3A_132 = vector.broadcast %mul3A_115 : vector<256x1xf32> to vector<256x4096xf32>
    %add3A_133 = arith.addf %mul3A_131, %add3A_132 : vector<256x4096xf32>
    %select_n3A_134 = arith.select %gt3A_128, %add3A_123, %add3A_133 : vector<256x4096xi1>, vector<256x4096xf32>
    %jit3A_135 = arith.constant -9.000000e+15 : f32
    %broadcast_in_dim3A_136 = vector.broadcast %jit3A_135 : f32 to vector<256x4096xf32>
    %select_n3A_137 = arith.select %eq3A_11, %select_n3A_134, %broadcast_in_dim3A_136 : vector<256x4096xi1>, vector<256x4096xf32>
    %exp3A_138 = math.exp %select_n3A_137 : vector<256x4096xf32>
    %reduce_sum3A_139 = arith.constant dense<0.000000e+00> : vector<256xf32>
    %reduce_sum3A_140 = vector.multi_reduction <add>, %exp3A_138, %reduce_sum3A_139 [1] : vector<256x4096xf32> to vector<256xf32>
    %broadcast_in_dim3A_141 = vector.shape_cast %reduce_sum3A_140 : vector<256xf32> to vector<256x1xf32>
    %get3A_142 = arith.constant 0 : index
    %get3A_143 = arith.constant 128 : index
    %get3A_144 = vector.load %arg3[%get3A_142, %get3A_143] : memref<4096x256xf32, #tpu.memory_space<vmem>>, vector<4096x64xf32>
    %dot_general3A_145 = arith.constant dense<0.000000e+00> : vector<256x64xf32>
    %dot_general3A_146 = tpu.matmul %exp3A_138, %get3A_144, %dot_general3A_145 {dimension_numbers = #tpu.dot_dimension_numbers<[1], [0], [0], [1], [0, 0, 1, 1], [], []>, transpose_lhs_hint = false} : vector<256x4096xf32>, vector<4096x64xf32>, vector<256x64xf32> -> vector<256x64xf32>
    %eq3A_147 = arith.constant 0.000000e+00 : f32
    %eq3A_148 = vector.broadcast %eq3A_147 : f32 to vector<256x1xf32>
    %eq3A_149 = arith.cmpf oeq, %broadcast_in_dim3A_141, %eq3A_148 : vector<256x1xf32>
    %get3A_150 = arith.constant 0 : index
    %get3A_151 = arith.constant 128 : index
    %get3A_152 = vector.load %arg5[%get3A_150, %get3A_151] : memref<1x256xf32, #tpu.memory_space<vmem>>, vector<1x64xf32>
    %div3A_153 = vector.broadcast %broadcast_in_dim3A_141 : vector<256x1xf32> to vector<256x64xf32>
    %div3A_154 = arith.divf %dot_general3A_146, %div3A_153 : vector<256x64xf32>
    %broadcast_in_dim3A_155 = vector.shape_cast %eq3A_149 : vector<256x1xi1> to vector<256x1xi1>
    %broadcast_in_dim3A_156 = vector.broadcast %broadcast_in_dim3A_155 : vector<256x1xi1> to vector<256x64xi1>
    %broadcast_in_dim3A_157 = vector.shape_cast %get3A_152 : vector<1x64xf32> to vector<1x64xf32>
    %broadcast_in_dim3A_158 = vector.broadcast %broadcast_in_dim3A_157 : vector<1x64xf32> to vector<256x64xf32>
    %select_n3A_159 = arith.select %broadcast_in_dim3A_156, %broadcast_in_dim3A_158, %div3A_154 : vector<256x64xi1>, vector<256x64xf32>
    %swap3A_160 = arith.constant 0 : index
    %swap3A_161 = arith.constant 128 : index
    %swap3A_162 = vector.load %arg7[%swap3A_160, %swap3A_161] : memref<256x256xf32, #tpu.memory_space<vmem>>, vector<256x64xf32>
    tpu.vector_store %arg7[%swap3A_160, %swap3A_161], %select_n3A_159 {strides = array<i32>} : memref<256x256xf32, #tpu.memory_space<vmem>>, vector<256x64xf32>,
    %slice3A_163 = vector.extract_strided_slice %select_n3A {offsets = [0, 3], sizes = [256, 1], strides = [1, 1]} : vector<256x4xf32> to vector<256x1xf32>
    %mul3A_164 = arith.constant -8.000000e-01 : f32
    %mul3A_165 = vector.broadcast %mul3A_164 : f32 to vector<256x1xf32>
    %mul3A_166 = arith.mulf %mul3A_165, %slice3A_163 : vector<256x1xf32>
    %slice3A_167 = vector.extract_strided_slice %get3A_1 {offsets = [0, 3], sizes = [256, 1], strides = [1, 1]} : vector<256x4xf32> to vector<256x1xf32>
    %sub3A_168 = arith.subf %slice3A_167, %slice3A_163 : vector<256x1xf32>
    %get3A_169 = arith.constant 3 : index
    %get3A_170 = arith.constant 0 : index
    %get3A_171 = vector.load %arg2[%get3A_169, %get3A_170] : memref<4x4096xf32, #tpu.memory_space<vmem>>, vector<1x4096xf32>
    %add3A_172 = vector.broadcast %sub3A_168 : vector<256x1xf32> to vector<256x4096xf32>
    %add3A_173 = vector.broadcast %get3A_171 : vector<1x4096xf32> to vector<256x4096xf32>
    %add3A_174 = arith.addf %add3A_172, %add3A_173 : vector<256x4096xf32>
    %neg3A_175 = arith.constant 0.000000e+00 : f32
    %neg3A_176 = vector.broadcast %neg3A_175 : f32 to vector<256x1xf32>
    %neg3A_177 = arith.subf %neg3A_176, %slice3A_163 : vector<256x1xf32>
    %gt3A_178 = vector.broadcast %neg3A_177 : vector<256x1xf32> to vector<256x4096xf32>
    %gt3A_179 = arith.cmpf ogt, %add3A_174, %gt3A_178 : vector<256x4096xf32>
    %mul3A_180 = arith.constant 2.000000e-01 : f32
    %mul3A_181 = vector.broadcast %mul3A_180 : f32 to vector<256x4096xf32>
    %mul3A_182 = arith.mulf %mul3A_181, %add3A_174 : vector<256x4096xf32>
    %add3A_183 = vector.broadcast %mul3A_166 : vector<256x1xf32> to vector<256x4096xf32>
    %add3A_184 = arith.addf %mul3A_182, %add3A_183 : vector<256x4096xf32>
    %select_n3A_185 = arith.select %gt3A_179, %add3A_174, %add3A_184 : vector<256x4096xi1>, vector<256x4096xf32>
    %jit3A_186 = arith.constant -9.000000e+15 : f32
    %broadcast_in_dim3A_187 = vector.broadcast %jit3A_186 : f32 to vector<256x4096xf32>
    %select_n3A_188 = arith.select %eq3A_11, %select_n3A_185, %broadcast_in_dim3A_187 : vector<256x4096xi1>, vector<256x4096xf32>
    %exp3A_189 = math.exp %select_n3A_188 : vector<256x4096xf32>
    %reduce_sum3A_190 = arith.constant dense<0.000000e+00> : vector<256xf32>
    %reduce_sum3A_191 = vector.multi_reduction <add>, %exp3A_189, %reduce_sum3A_190 [1] : vector<256x4096xf32> to vector<256xf32>
    %broadcast_in_dim3A_192 = vector.shape_cast %reduce_sum3A_191 : vector<256xf32> to vector<256x1xf32>
    %get3A_193 = arith.constant 0 : index
    %get3A_194 = arith.constant 192 : index
    %get3A_195 = vector.load %arg3[%get3A_193, %get3A_194] : memref<4096x256xf32, #tpu.memory_space<vmem>>, vector<4096x64xf32>
    %dot_general3A_196 = arith.constant dense<0.000000e+00> : vector<256x64xf32>
    %dot_general3A_197 = tpu.matmul %exp3A_189, %get3A_195, %dot_general3A_196 {dimension_numbers = #tpu.dot_dimension_numbers<[1], [0], [0], [1], [0, 0, 1, 1], [], []>, transpose_lhs_hint = false} : vector<256x4096xf32>, vector<4096x64xf32>, vector<256x64xf32> -> vector<256x64xf32>
    %eq3A_198 = arith.constant 0.000000e+00 : f32
    %eq3A_199 = vector.broadcast %eq3A_198 : f32 to vector<256x1xf32>
    %eq3A_200 = arith.cmpf oeq, %broadcast_in_dim3A_192, %eq3A_199 : vector<256x1xf32>
    %get3A_201 = arith.constant 0 : index
    %get3A_202 = arith.constant 192 : index
    %get3A_203 = vector.load %arg5[%get3A_201, %get3A_202] : memref<1x256xf32, #tpu.memory_space<vmem>>, vector<1x64xf32>
    %div3A_204 = vector.broadcast %broadcast_in_dim3A_192 : vector<256x1xf32> to vector<256x64xf32>
    %div3A_205 = arith.divf %dot_general3A_197, %div3A_204 : vector<256x64xf32>
    %broadcast_in_dim3A_206 = vector.shape_cast %eq3A_200 : vector<256x1xi1> to vector<256x1xi1>
    %broadcast_in_dim3A_207 = vector.broadcast %broadcast_in_dim3A_206 : vector<256x1xi1> to vector<256x64xi1>
    %broadcast_in_dim3A_208 = vector.shape_cast %get3A_203 : vector<1x64xf32> to vector<1x64xf32>
    %broadcast_in_dim3A_209 = vector.broadcast %broadcast_in_dim3A_208 : vector<1x64xf32> to vector<256x64xf32>
    %select_n3A_210 = arith.select %broadcast_in_dim3A_207, %broadcast_in_dim3A_209, %div3A_205 : vector<256x64xi1>, vector<256x64xf32>
    %swap3A_211 = arith.constant 0 : index
    %swap3A_212 = arith.constant 192 : index
    %swap3A_213 = vector.load %arg7[%swap3A_211, %swap3A_212] : memref<256x256xf32, #tpu.memory_space<vmem>>, vector<256x64xf32>
    tpu.vector_store %arg7[%swap3A_211, %swap3A_212], %select_n3A_210 {strides = array<i32>} : memref<256x256xf32, #tpu.memory_space<vmem>>, vector<256x64xf32>,
    return
  }
  func.func @transform_0(%arg0: i32) -> (i32, i32) {
    %c0_i32 = arith.constant 0 : i32
    %c0_i32_0 = arith.constant 0 : i32
    return %arg0, %c0_i32 : i32, i32
  }
  func.func @transform_1(%arg0: i32) -> (i32, i32) {
    %c0_i32 = arith.constant 0 : i32
    %c0_i32_0 = arith.constant 0 : i32
    %c0_i32_1 = arith.constant 0 : i32
    return %c0_i32, %c0_i32_0 : i32, i32
  }
  func.func @transform_2(%arg0: i32) -> (i32, i32) {
    %c0_i32 = arith.constant 0 : i32
    %c0_i32_0 = arith.constant 0 : i32
    %c0_i32_1 = arith.constant 0 : i32
    return %c0_i32, %c0_i32_0 : i32, i32
  }
  func.func @transform_3(%arg0: i32) -> (i32, i32) {
    %c0_i32 = arith.constant 0 : i32
    %c0_i32_0 = arith.constant 0 : i32
    return %arg0, %c0_i32 : i32, i32
  }
  func.func @transform_4(%arg0: i32) -> (i32, i32) {
    %c0_i32 = arith.constant 0 : i32
    %c0_i32_0 = arith.constant 0 : i32
    %c0_i32_1 = arith.constant 0 : i32
    return %c0_i32, %c0_i32_0 : i32, i32
  }
  func.func @transform_5(%arg0: i32) -> (i32, i32) {
    %c0_i32 = arith.constant 0 : i32
    %c0_i32_0 = arith.constant 0 : i32
    %c0_i32_1 = arith.constant 0 : i32
    return %c0_i32, %c0_i32_0 : i32, i32
  }
  func.func @transform_6(%arg0: i32) -> (i32, i32) {
    %c0_i32 = arith.constant 0 : i32
    %c0_i32_0 = arith.constant 0 : i32
    return %arg0, %c0_i32 : i32, i32
  }
}

module attributes {stable_mosaic.version = 14 : i64} {
  func.func @_proj_body(%arg0: i32, %arg1: memref<512x256xf32, #tpu.memory_space<vmem>>, %arg2: memref<256x256xf32, #tpu.memory_space<vmem>>, %arg3: memref<1x256xf32, #tpu.memory_space<vmem>>, %arg4: memref<256x4xf32, #tpu.memory_space<vmem>>, %arg5: memref<256x4xf32, #tpu.memory_space<vmem>>, %arg6: memref<512x256xf32, #tpu.memory_space<vmem>>, %arg7: memref<512x4xf32, #tpu.memory_space<vmem>>, %arg8: memref<512x4xf32, #tpu.memory_space<vmem>>, %arg9: memref<1x256xf32, #tpu.memory_space<vmem>>, %arg10: memref<1x4xf32, #tpu.memory_space<vmem>>) attributes {dimension_semantics = [#tpu.dimension_semantics<arbitrary>], iteration_bounds = array<i64: 8>, scalar_prefetch = 0 : i64, scratch_operands = 0 : i64, tpu.core_type = #tpu.core_type<tc>, window_params = [{transform_indices = @transform_0, window_bounds = array<i64: 512, 256>}, {pipeline_mode = #tpu.pipeline_mode<synchronous>, transform_indices = @transform_1, window_bounds = array<i64: 256, 256>}, {pipeline_mode = #tpu.pipeline_mode<synchronous>, transform_indices = @transform_2, window_bounds = array<i64: 1, 256>}, {pipeline_mode = #tpu.pipeline_mode<synchronous>, transform_indices = @transform_3, window_bounds = array<i64: 256, 4>}, {pipeline_mode = #tpu.pipeline_mode<synchronous>, transform_indices = @transform_4, window_bounds = array<i64: 256, 4>}, {transform_indices = @transform_5, window_bounds = array<i64: 512, 256>}, {transform_indices = @transform_6, window_bounds = array<i64: 512, 4>}, {transform_indices = @transform_7, window_bounds = array<i64: 512, 4>}, {pipeline_mode = #tpu.pipeline_mode<synchronous>, transform_indices = @transform_8, window_bounds = array<i64: 1, 256>}, {pipeline_mode = #tpu.pipeline_mode<synchronous>, transform_indices = @transform_9, window_bounds = array<i64: 1, 4>}]} {
    %get3A = arith.constant 0 : index
    %get3A_0 = arith.constant 0 : index
    %get3A_1 = vector.load %arg1[%get3A, %get3A_0] : memref<512x256xf32, #tpu.memory_space<vmem>>, vector<512x256xf32>
    %get3A_2 = arith.constant 0 : index
    %get3A_3 = arith.constant 0 : index
    %get3A_4 = vector.load %arg2[%get3A_2, %get3A_3] : memref<256x256xf32, #tpu.memory_space<vmem>>, vector<256x256xf32>
    %dot_general3A = arith.constant dense<0.000000e+00> : vector<512x256xf32>
    %dot_general3A_5 = tpu.matmul %get3A_1, %get3A_4, %dot_general3A {dimension_numbers = #tpu.dot_dimension_numbers<[1], [0], [0], [1], [0, 0, 1, 1], [], []>, transpose_lhs_hint = false} : vector<512x256xf32>, vector<256x256xf32>, vector<512x256xf32> -> vector<512x256xf32>
    %get3A_6 = arith.constant 0 : index
    %get3A_7 = arith.constant 0 : index
    %get3A_8 = vector.load %arg3[%get3A_6, %get3A_7] : memref<1x256xf32, #tpu.memory_space<vmem>>, vector<1x256xf32>
    %add3A = vector.broadcast %get3A_8 : vector<1x256xf32> to vector<512x256xf32>
    %add3A_9 = arith.addf %dot_general3A_5, %add3A : vector<512x256xf32>
    %swap3A = arith.constant 0 : index
    %swap3A_10 = arith.constant 0 : index
    %swap3A_11 = vector.load %arg6[%swap3A, %swap3A_10] : memref<512x256xf32, #tpu.memory_space<vmem>>, vector<512x256xf32>
    tpu.vector_store %arg6[%swap3A, %swap3A_10], %add3A_9 {strides = array<i32>} : memref<512x256xf32, #tpu.memory_space<vmem>>, vector<512x256xf32>,
    %get3A_12 = arith.constant 0 : index
    %get3A_13 = arith.constant 0 : index
    %get3A_14 = vector.load %arg4[%get3A_12, %get3A_13] : memref<256x4xf32, #tpu.memory_space<vmem>>, vector<256x4xf32>
    %dot_general3A_15 = arith.constant dense<0.000000e+00> : vector<512x4xf32>
    %dot_general3A_16 = tpu.matmul %add3A_9, %get3A_14, %dot_general3A_15 {dimension_numbers = #tpu.dot_dimension_numbers<[1], [0], [0], [1], [0, 0, 1, 1], [], []>, transpose_lhs_hint = false} : vector<512x256xf32>, vector<256x4xf32>, vector<512x4xf32> -> vector<512x4xf32>
    %swap3A_17 = arith.constant 0 : index
    %swap3A_18 = arith.constant 0 : index
    %swap3A_19 = vector.load %arg7[%swap3A_17, %swap3A_18] : memref<512x4xf32, #tpu.memory_space<vmem>>, vector<512x4xf32>
    tpu.vector_store %arg7[%swap3A_17, %swap3A_18], %dot_general3A_16 {strides = array<i32>} : memref<512x4xf32, #tpu.memory_space<vmem>>, vector<512x4xf32>,
    %get3A_20 = arith.constant 0 : index
    %get3A_21 = arith.constant 0 : index
    %get3A_22 = vector.load %arg5[%get3A_20, %get3A_21] : memref<256x4xf32, #tpu.memory_space<vmem>>, vector<256x4xf32>
    %dot_general3A_23 = arith.constant dense<0.000000e+00> : vector<512x4xf32>
    %dot_general3A_24 = tpu.matmul %add3A_9, %get3A_22, %dot_general3A_23 {dimension_numbers = #tpu.dot_dimension_numbers<[1], [0], [0], [1], [0, 0, 1, 1], [], []>, transpose_lhs_hint = false} : vector<512x256xf32>, vector<256x4xf32>, vector<512x4xf32> -> vector<512x4xf32>
    %swap3A_25 = arith.constant 0 : index
    %swap3A_26 = arith.constant 0 : index
    %swap3A_27 = vector.load %arg8[%swap3A_25, %swap3A_26] : memref<512x4xf32, #tpu.memory_space<vmem>>, vector<512x4xf32>
    tpu.vector_store %arg8[%swap3A_25, %swap3A_26], %dot_general3A_24 {strides = array<i32>} : memref<512x4xf32, #tpu.memory_space<vmem>>, vector<512x4xf32>,
    %eq3A = arith.constant 0 : i32
    %eq3A_28 = arith.cmpi eq, %arg0, %eq3A : i32
    %convert_element_type3A = arith.extui %eq3A_28 : i1 to i32
    %cond3A = arith.constant 0 : i32
    %cond3A_29 = arith.cmpi ne, %convert_element_type3A, %cond3A : i32
    scf.if %cond3A_29 {
      %broadcast_in_dim3A_46 = arith.constant 0.000000e+00 : f32
      %broadcast_in_dim3A_47 = vector.broadcast %broadcast_in_dim3A_46 : f32 to vector<1x256xf32>
      %swap3A_48 = arith.constant 0 : index
      %swap3A_49 = arith.constant 0 : index
      %swap3A_50 = vector.load %arg9[%swap3A_48, %swap3A_49] : memref<1x256xf32, #tpu.memory_space<vmem>>, vector<1x256xf32>
      tpu.vector_store %arg9[%swap3A_48, %swap3A_49], %broadcast_in_dim3A_47 {strides = array<i32>} : memref<1x256xf32, #tpu.memory_space<vmem>>, vector<1x256xf32>,
      %broadcast_in_dim3A_51 = arith.constant 0xFF800000 : f32
      %broadcast_in_dim3A_52 = vector.broadcast %broadcast_in_dim3A_51 : f32 to vector<1x4xf32>
      %swap3A_53 = arith.constant 0 : index
      %swap3A_54 = arith.constant 0 : index
      %swap3A_55 = vector.load %arg10[%swap3A_53, %swap3A_54] : memref<1x4xf32, #tpu.memory_space<vmem>>, vector<1x4xf32>
      tpu.vector_store %arg10[%swap3A_53, %swap3A_54], %broadcast_in_dim3A_52 {strides = array<i32>} : memref<1x4xf32, #tpu.memory_space<vmem>>, vector<1x4xf32>,
    } else {
    }
    %get3A_30 = arith.constant 0 : index
    %get3A_31 = arith.constant 0 : index
    %get3A_32 = vector.load %arg9[%get3A_30, %get3A_31] : memref<1x256xf32, #tpu.memory_space<vmem>>, vector<1x256xf32>
    %reduce_sum3A = arith.constant dense<0.000000e+00> : vector<256xf32>
    %reduce_sum3A_33 = vector.multi_reduction <add>, %add3A_9, %reduce_sum3A [0] : vector<512x256xf32> to vector<256xf32>
    %broadcast_in_dim3A = vector.shape_cast %reduce_sum3A_33 : vector<256xf32> to vector<1x256xf32>
    %add3A_34 = arith.addf %get3A_32, %broadcast_in_dim3A : vector<1x256xf32>
    %swap3A_35 = arith.constant 0 : index
    %swap3A_36 = arith.constant 0 : index
    %swap3A_37 = vector.load %arg9[%swap3A_35, %swap3A_36] : memref<1x256xf32, #tpu.memory_space<vmem>>, vector<1x256xf32>
    tpu.vector_store %arg9[%swap3A_35, %swap3A_36], %add3A_34 {strides = array<i32>} : memref<1x256xf32, #tpu.memory_space<vmem>>, vector<1x256xf32>,
    %get3A_38 = arith.constant 0 : index
    %get3A_39 = arith.constant 0 : index
    %get3A_40 = vector.load %arg10[%get3A_38, %get3A_39] : memref<1x4xf32, #tpu.memory_space<vmem>>, vector<1x4xf32>
    %reduce_max3A = arith.constant dense<0xFF800000> : vector<4xf32>
    %reduce_max3A_41 = vector.multi_reduction <maximumf>, %dot_general3A_24, %reduce_max3A [0] : vector<512x4xf32> to vector<4xf32>
    %broadcast_in_dim3A_42 = vector.shape_cast %reduce_max3A_41 : vector<4xf32> to vector<1x4xf32>
    %max3A = arith.maximumf %get3A_40, %broadcast_in_dim3A_42 : vector<1x4xf32>
    %swap3A_43 = arith.constant 0 : index
    %swap3A_44 = arith.constant 0 : index
    %swap3A_45 = vector.load %arg10[%swap3A_43, %swap3A_44] : memref<1x4xf32, #tpu.memory_space<vmem>>, vector<1x4xf32>
    tpu.vector_store %arg10[%swap3A_43, %swap3A_44], %max3A {strides = array<i32>} : memref<1x4xf32, #tpu.memory_space<vmem>>, vector<1x4xf32>,
    return
  }
  func.func @transform_0(%arg0: i32) -> (i32, i32) {
    %c0_i32 = arith.constant 0 : i32
    %c0_i32_0 = arith.constant 0 : i32
    return %arg0, %c0_i32 : i32, i32
  }
  func.func @transform_1(%arg0: i32) -> (i32, i32) {
    %c0_i32 = arith.constant 0 : i32
    %c0_i32_0 = arith.constant 0 : i32
    %c0_i32_1 = arith.constant 0 : i32
    return %c0_i32, %c0_i32_0 : i32, i32
  }
  func.func @transform_2(%arg0: i32) -> (i32, i32) {
    %c0_i32 = arith.constant 0 : i32
    %c0_i32_0 = arith.constant 0 : i32
    %c0_i32_1 = arith.constant 0 : i32
    return %c0_i32, %c0_i32_0 : i32, i32
  }
  func.func @transform_3(%arg0: i32) -> (i32, i32) {
    %c0_i32 = arith.constant 0 : i32
    %c0_i32_0 = arith.constant 0 : i32
    %c0_i32_1 = arith.constant 0 : i32
    return %c0_i32, %c0_i32_0 : i32, i32
  }
  func.func @transform_4(%arg0: i32) -> (i32, i32) {
    %c0_i32 = arith.constant 0 : i32
    %c0_i32_0 = arith.constant 0 : i32
    %c0_i32_1 = arith.constant 0 : i32
    return %c0_i32, %c0_i32_0 : i32, i32
  }
  func.func @transform_5(%arg0: i32) -> (i32, i32) {
    %c0_i32 = arith.constant 0 : i32
    %c0_i32_0 = arith.constant 0 : i32
    return %arg0, %c0_i32 : i32, i32
  }
  func.func @transform_6(%arg0: i32) -> (i32, i32) {
    %c0_i32 = arith.constant 0 : i32
    %c0_i32_0 = arith.constant 0 : i32
    return %arg0, %c0_i32 : i32, i32
  }
  func.func @transform_7(%arg0: i32) -> (i32, i32) {
    %c0_i32 = arith.constant 0 : i32
    %c0_i32_0 = arith.constant 0 : i32
    return %arg0, %c0_i32 : i32, i32
  }
  func.func @transform_8(%arg0: i32) -> (i32, i32) {
    %c0_i32 = arith.constant 0 : i32
    %c0_i32_0 = arith.constant 0 : i32
    %c0_i32_1 = arith.constant 0 : i32
    return %c0_i32, %c0_i32_0 : i32, i32
  }
  func.func @transform_9(%arg0: i32) -> (i32, i32) {
    %c0_i32 = arith.constant 0 : i32
    %c0_i32_0 = arith.constant 0 : i32
    %c0_i32_1 = arith.constant 0 : i32
    return %c0_i32, %c0_i32_0 : i32, i32
  }
}

</mosaic_0001>

<sc_bundles>
// kernel: kernel.5.cloned.1.call-start
scs
__scs_entry_jumppad:
0x0: {  	(pc) =	sbr.rel $0x88, $3  }
0x1: {  	(tag) =	ssettag $0x0;
	lr =	simm.s32 $0x1  }
0x2: {  	[smem:$0x3F9C] =	sst lr;
	_ =	strace $0xD0000000  }
0x3: {  	_ = 	snop  }
0x4: {  	_ = 	snop  }
0x5: {  	_ = 	snop  }
0x6: {  	_ = 	snop  }
0x7: {  	_ = 	snop  }
__scs_overlays_trampoline_lowered:
0x8: {  	[smem:$0x3FAB] =	sst s0  }
0x9: {  	[smem:$0x3FAC] =	sst s1  }
0xa: {  	[smem:$0x3FAD] =	sst s2  }
0xb: {  	[smem:$0x3FAE] =	sst s3  }
0xc: {  	[smem:$0x3FAF] =	sst s4  }
0xd: {  	[smem:$0x3FB0] =	sst s5  }
0xe: {  	[smem:$0x3FB1] =	sst s6  }
0xf: {  	[smem:$0x3FB2] =	sst s7  }
0x10: {  	[smem:$0x3FB3] =	sst s8  }
0x11: {  	[smem:$0x3FB4] =	sst s9;
	s0 =	simm.s32 @!p0 $0x0  }
0x12: {  	s1 =	sld [smem:$0x3F9A];
	s0 =	simm.s32 @p0 $0x1  }
0x13: {  	[smem:$0x3FB5] =	sst s0;
	s0 =	simm.s32 @!p1 $0x0  }
0x14: {  	s2 =	sld [smem:$0x3F99];
	s0 =	simm.s32 @p1 $0x1  }
0x15: {  	[smem:$0x3FB6] =	sst s0;
	s0 =	simm.s32 @!p2 $0x0  }
0x16: {  	s3 =	sld [smem:$0x3FDB];
	s0 =	simm.s32 @p2 $0x1  }
0x17: {  	s4 =	simm.s32 $0x1BF5;
	[smem:$0x3FB8] =	sst s0  }
0x18: {  	s0 =	sld [smem:$0x3F9B];
	_ =	swait.ge [sflag:s4], $0x0  }
0x19: {  	s7 =	sld [smem:$0x3F9C]  }
0x1a: {  	s8 =	sadd.s32 $0xFFFFE003, lr  }
0x1b: {  	s9 =	sadd.s32 $0xFFFFFEF7, lr;
	s5 =	simm.s32 $0xFFFFFFFF;
	p2 =	slt.u32 s8, $0xFFFFF086  }
0x1c: {  	p1 =	slt.u32 s9, $0xF7A;
	s5 =	simm.s32 @!p2 $0x0  }
0x1d: {  	s5 =	simm.s32 @p1 $0x1;
	p0 =	seq.s32 s7, s2  }
0x1e: {  	s7 =	smul.u32 @!p0 $0xF7A, s2;
	p2 =	seq.s32 @!p0 s5, $0x0  }
0x1f: {  	s9 =	smul.u32 $0xF7A, s1;
	s8 =	simm.s32 @!p0 $0x1BF5;
	p2 =	por !p2, p0  }
0x20: {  	[sflag:s8] =	ssyncset.s32 @!p0 $0xFFFFF086;
	s6 =	sadd.s32 @!p0 s3, s7;
	s7 =	simm.s32 @!p0 $0x108  }
0x21: {  	s3 =	sadd.s32 s3, s9;
	s6 =	sadd.s32 @!p0 $0x88, s6;
	s7 =	simm.s32 @p2 $0x1082  }
0x22: {  	[simem:s7], [sflag:s8] =	dma.local @!p0 [hbm:s6], $0xF7A  }
0x23: {  	s9 =	sor.u32 $0xD0000000, s2;
	s6 =	simm.s32 $0x108;
	_ =	swait.ge @!p0 [sflag:s8], $0x0  }
0x24: {  	s3 =	sadd.s32 $0x88, s3;
	s6 =	simm.s32 @!p1 $0x1082;
	[sflag:s4] =	ssyncset.s32 $0xFFFFF086  }
0x25: {  	[simem:s6], [sflag:s4] =	dma.local [hbm:s3], $0xF7A  }
0x26: {  	[smem:$0x3F9C] =	sst s1;
	(tag) =	ssettag s2;
	_ =	strace s9  }
0x27: {  	s1 =	sld [smem:$0x3FAC]  }
0x28: {  	s2 =	sld [smem:$0x3FAD]  }
0x29: {  	s4 =	sld [smem:$0x3FAF]  }
0x2a: {  	p0 =	seq.s32 s5, $0x0;
	s5 =	sld [smem:$0x3FB0]  }
0x2b: {  	s6 =	sld [smem:$0x3FB1]  }
0x2c: {  	s7 =	sld [smem:$0x3FB2]  }
0x2d: {  	s3 =	simm.s32 $0x108;
	s8 =	sld [smem:$0x3FB3]  }
0x2e: {  	s3 =	simm.s32 @!p0 $0x1082;
	s9 =	sld [smem:$0x3FB4]  }
0x2f: {  	lr =	sadd.s32 s0, s3;
	s0 =	sld [smem:$0x3FAB]  }
0x30: {  	s3 =	sld [smem:$0x3FAE]  }
0x31: {  	[smem:$0x3FB7] =	sst s10  }
0x32: {  	s10 =	sld [smem:$0x3FB5];
	_ =	sdelay $0x3  }
0x33: {  	p0 =	seq.s32 s10, $0x1;
	s10 =	sld [smem:$0x3FB7];
	_ =	sdelay $0x3  }
0x34: {  	[smem:$0x3FB7] =	sst s10  }
0x35: {  	s10 =	sld [smem:$0x3FB6];
	_ =	sdelay $0x3  }
0x36: {  	p1 =	seq.s32 s10, $0x1;
	s10 =	sld [smem:$0x3FB7];
	_ =	sdelay $0x3  }
0x37: {  	[smem:$0x3FB7] =	sst s10  }
0x38: {  	s10 =	sld [smem:$0x3FB8]  }
0x39: {  	_ = 	snop;
	(pc) =	sbr.ind lr, $3  }
0x3a: {  	_ = 	snop  }
0x3b: {  	_ = 	snop  }
0x3c: {  	p2 =	seq.s32 s10, $0x1;
	s10 =	sld [smem:$0x3FB7]  }
0x3d: {  	_ =	shalt  }
0x3e: {  	_ =	shalt  }
0x3f: {  	_ =	shalt  }
0x40: {  	_ =	shalt  }
0x41: {  	_ =	shalt  }
0x42: {  	_ =	shalt  }
0x43: {  	_ =	shalt  }
0x44: {  	_ =	shalt  }
0x45: {  	_ =	shalt  }
0x46: {  	_ =	shalt  }
0x47: {  	_ =	shalt  }
0x48: {  	_ =	shalt  }
0x49: {  	_ =	shalt  }
0x4a: {  	_ =	shalt  }
0x4b: {  	_ =	shalt  }
0x4c: {  	_ =	shalt  }
0x4d: {  	_ =	shalt  }
0x4e: {  	_ =	shalt  }
0x4f: {  	_ =	shalt  }
0x50: {  	_ =	shalt  }
0x51: {  	_ =	shalt  }
0x52: {  	_ =	shalt  }
0x53: {  	_ =	shalt  }
0x54: {  	_ =	shalt  }
0x55: {  	_ =	shalt  }
0x56: {  	_ =	shalt  }
0x57: {  	_ =	shalt  }
0x58: {  	_ =	shalt  }
0x59: {  	_ =	shalt  }
0x5a: {  	_ =	shalt  }
0x5b: {  	_ =	shalt  }
0x5c: {  	_ =	shalt  }
0x5d: {  	_ =	shalt  }
0x5e: {  	_ =	shalt  }
0x5f: {  	_ =	shalt  }
0x60: {  	_ =	shalt  }
0x61: {  	_ =	shalt  }
0x62: {  	_ =	shalt  }
0x63: {  	_ =	shalt  }
0x64: {  	_ =	shalt  }
0x65: {  	_ =	shalt  }
0x66: {  	_ =	shalt  }
0x67: {  	_ =	shalt  }
0x68: {  	_ =	shalt  }
0x69: {  	_ =	shalt  }
0x6a: {  	_ =	shalt  }
0x6b: {  	_ =	shalt  }
0x6c: {  	_ =	shalt  }
0x6d: {  	_ =	shalt  }
0x6e: {  	_ =	shalt  }
0x6f: {  	_ =	shalt  }
0x70: {  	_ =	shalt  }
0x71: {  	_ =	shalt  }
0x72: {  	_ =	shalt  }
0x73: {  	_ =	shalt  }
0x74: {  	_ =	shalt  }
0x75: {  	_ =	shalt  }
0x76: {  	_ =	shalt  }
0x77: {  	_ =	shalt  }
0x78: {  	_ =	shalt  }
0x79: {  	_ =	shalt  }
0x7a: {  	_ =	shalt  }
0x7b: {  	_ =	shalt  }
0x7c: {  	_ =	shalt  }
0x7d: {  	_ =	shalt  }
0x7e: {  	_ =	shalt  }
0x7f: {  	_ =	shalt  }
0x80: {  	_ =	shalt  }
0x81: {  	_ =	shalt  }
0x82: {  	_ =	shalt  }
0x83: {  	_ =	shalt  }
0x84: {  	_ =	shalt  }
0x85: {  	_ =	shalt  }
0x86: {  	_ =	shalt  }
0x87: {  	_ =	shalt  }
.Lfunc_end0:
.L_simem_size_0:
called_computation_lowered:
.L_overlay_start_0:
0x88: {  	s2 =	sld [smem:$0x3FD9]  }
0x89: {  	s3 =	sld [smem:$0x3FFE];
	_ =	sdelay $0x1  }
0x8a: {  	s1 =	srdreg.scid  }
0x8b: {  	s0 =	sand.u32 $0x1, s1  }
0x8c: {  	s17 =	sshll.u32 s0, $0xA;
	s2 =	sadd.s32 s3, s2  }
0x8d: {  	s2 =	sadd.s32 s2, s17  }
0x8e: {  	[smem:$0x3FC3] =	sst s2  }
0x8f: {  	_ = 	snop  }
0x90: {  	s2 =	sld [smem:$0x3FD0];
	(tm) =	ssettm $0x1  }
0x91: {  	s18 =	sld [smem:$0x3FFB];
	_ =	sdelay $0x3  }
0x92: {  	_ =	strace s18  }
0x93: {  	s3 =	sld [smem:$0x3FFC];
	_ =	sdelay $0x3  }
0x94: {  	_ =	strace s3  }
0x95: {  	s3 =	sld [smem:$0x3FFD];
	_ =	sdelay $0x3  }
0x96: {  	_ =	strace s3  }
0x97: {  	_ =	strace $0x8FFFFFFF  }
0x98: {  	s19 =	sld [smem:$0x3FDB];
	_ =	sdelay $0x1  }
0x99: {  	s4 =	simm.s32 $_scs_section_size  }
0x9a: {  	s5 =	simm.s32 $_size__tile_overlayer_lowered;
	s6 =	simm.s32 $_tile_overlayer_lowered  }
0x9b: {  	s22 =	simm.s32 $0x1BFF;
	s21 =	sshll.u32 s6, $0x1;
	s3 =	sadd.s32 s4, s19  }
0x9c: {  	s7 =	simm.s32 $0x0;
	s20 =	sshll.u32 s5, $0x1;
	s5 =	sadd.s32 s21, s3  }
0x9d: {  	[timem:s7], [sflag:s22] =	dma.local [hbm:s5], s20  }
0x9e: {  	_ =	swait.ge [sflag:s22], s20  }
0x9f: {  	s4 =	ssub.s32 $0x0, s20;
	[sflag:s22] =	ssyncset.done $0x0  }
0xa0: {  	[sflag:s22] =	ssyncadd.s32 s4;
	_ =	sdelay $0x1  }
0xa1: {  	s23 =	simm.s32 $0x1B8B  }
0xa2: {  	_ =	swait.ge [sflag:s23], $0x1  }
0xa3: {  	[sflag:s23] =	ssyncset.done $0x0  }
0xa4: {  	s25 =	simm.s32 $0x1B8E;
	s24 =	sld [smem:$0x3FFE];
	[sflag:s23] =	ssyncadd.s32 $0xFFFFFFFF  }
0xa5: {  	s26 =	simm.s32 $execute0_lowered;
	[smem:$0x3FD2] =	sst s25  }
0xa6: {  	s5 =	sshll.u32 s26, $0x1;
	_ =	strace $0x80000046;
	[dreg:$0x1] =	wrdreg $0xFFFFFFFF  }
0xa7: {  	s28 =	simm.s32 $_size_execute0_lowered;
	s3 =	sadd.s32 s3, s5;
	[dreg:$0x0] =	wrdreg $0x0  }
0xa8: {  	s5 =	sshll.u32 s28, $0x1;
	[dreg:$0x2] =	wrdreg s3  }
0xa9: {  	[dreg:$0x3] =	wrdreg s5  }
0xaa: {  	[dreg:$0x4] =	wrdreg $0xC0  }
0xab: {  	_ =	task [dreg:s7], $0x5FFFF  }
0xac: {  	[dreg:$0x1] =	wrdreg $0xFFFFFFFF  }
0xad: {  	[dreg:$0x0] =	wrdreg $0x60  }
0xae: {  	[dreg:$0x2] =	wrdreg s24  }
0xaf: {  	[dreg:$0x3] =	wrdreg s2  }
0xb0: {  	[dreg:$0x4] =	wrdreg $0x9  }
0xb1: {  	_ =	task.clear_ibuf [dreg:s7], $0x5FFFF;
	_ =	strace $0x90000046  }
0xb2: {  	s29 =	simm.s32 $0x9;
	_ =	strace $0x80000048  }
0xb3: {  	_ =	swait.ge [sflag:s29], $0x1  }
0xb4: {  	[sflag:s29] =	ssyncadd.s32 $0xFFFFFFFF  }
0xb5: {  	_ =	strace $0x90000048  }
0xb6: {  	_ =	sfence  }
0xb7: {  	s30 =	sld [smem:$0x0];
	_ =	sdelay $0x2  }
0xb8: {  	s31 =	sshll.u32 s1, $0xD;
	s1 =	sshrl.u32 s1, $0x2  }
0xb9: {  	s3 =	sand.u32 $0x4000, s31;
	s1 =	sadd.s32 s1, s30  }
0xba: {  	s0 =	sor.u32 s3, s0;
	s1 =	sshll.u32 s1, $0x11  }
0xbb: {  	s0 =	sor.u32 s1, s0  }
0xbc: {  	s0 =	sadd.s32 $0x8F2B, s0  }
0xbd: {  	[sflag:s0] =	ssyncadd.remote.s32 $0x1  }
0xbe: {  	_ =	sfence.sel $0xFFFF  }
0xbf: {  	[dreg:$0x0] =	wrdreg $0xFFFFFFFF;
	(pc) =	sbr.abs _section_cstart, $3  }
0xc0: {  	[dreg:$0x1] =	wrdreg $0xFFFFFFFF  }
0xc1: {  	_ =	task.clear_ibuf [dreg:s7], $0x2FFFF;
	_ =	strace $0x9FFFFFFF  }
0xc2: {  	(tm) =	ssettm $0x7FFFFFFF  }
0xc3: {  	_ =	shalt  }
tec
execute0_lowered:
.L_overlay_start_1:
0x0: {  	(tag) =	ssettag $0x1  }
0x1: {  	s17 =	rddreg [dreg:$0x0]  }
0x2: {  	s1 =	rddreg [dreg:$0x1];
	s2 =	srdreg.scid;
	s3 =	simm.s32 $0x0  }
0x3: {  	s21 =	simm.s32 $0x4000;
	s22 =	simm.s32 $0x1;
	s25 =	simm.s32 $0x10000  }
0x4: {  	s26 =	simm.s32 $0x2;
	s28 =	simm.s32 $0x3;
	s29 =	simm.s32 $0x0  }
0x5: {  	s4 =	sand.u32 $0x1, s2;
	s2 =	stileid.u32;
	[smem:$0x7FF] =	sst s3  }
0x6: {  	s8 =	sadd.s32 $0x1000, s1;
	s9 =	sadd.s32 $0x3200, s17;
	s10 =	sadd.s32 $0x1800, s1  }
0x7: {  	s11 =	sadd.s32 $0x3A00, s17;
	s12 =	sadd.s32 $0x2000, s1;
	s13 =	sadd.s32 $0x4200, s17  }
0x8: {  	s14 =	sadd.s32 $0x2800, s1;
	s15 =	sadd.s32 $0x4A00, s17;
	s16 =	sadd.s32 $0x3000, s1  }
0x9: {  	s18 =	sadd.s32 $0x3800, s1;
	s5 =	sshll.u32 s4, $0x4;
	_ =	strace $0x80000047  }
0xa: {  	s7 =	ssub.s32 $0x2, s4;
	s4 =	sadd.s32 $0x1A00, s17;
	s5 =	sor.u32 s2, s5  }
.Ltmp0:
0xb: {  	s31 =	sshrl.u32 s7, $0x1;
	s6 =	sshll.u32 s5, $0xB;
	(pc) =	sbr.rel .LBB2_1-.Ltmp0, $4  }
0xc: {  	s20 =	ssub.s32 s7, s31;
	s23 =	sshll.u32 s5, $0x7;
	s5 =	sadd.s32 $0x2200, s17  }
0xd: {  	s7 =	sadd.s32 $0x2A00, s17;
	s19 =	sadd.s32 s6, s17;
	s6 =	sadd.s32 $0x800, s1  }
0xe: {  	v2 =	vimm.s32 $0x0;
	vm0 =	vmxor vm0, vm0;
	v3 =	vimm.s32 $0x1;
	s24 =	sadd.s32 $0x80, s23;
	s17 =	sadd.s32 $0x5200, s17;
	s20 =	smax.u32 s20, $0x1  }
0xf: {  	v4 =	vimm.f32 $0.0e+00;
	v0 =	vmov s23;
	s23 =	simm.s32 $0x8000;
	s19 =	sadd.s32 $0x5A00, s19;
	v1 =	vmov s24;
	s24 =	simm.s32 $0xC000  }
.LBB2_59:
0x10: {  	s29 =	sadd.s32 $0x1, s29  }
0x11: {  	p0 =	sne.s32 s29, s20  }
.Ltmp1:
0x12: {  	_ = 	snop;
	(pc) =	sbr.rel @!p0 .LBB2_60-.Ltmp1, $4  }
0x13: {  	[hbm4b:s19+s3] =	stream.linear.scatter [tilespmem:s25], [sflag:$0x3], $0x4000, $0x38;
	[tilespmem:$0x14000] =	vst v63  }
0x14: {  	_ =	swait.ge [sflag:s28], $0x4000  }
0x15: {  	[sflag:s28] =	ssyncset.done $0x0  }
0x16: {  	[sflag:s28] =	ssyncadd.s32 $0xFFFFC000  }
.LBB2_1:
0x17: {  	s30 =	simm.s32 $0x40;
	s31 =	simm.s32 $0x0  }
.LBB2_2:
0x18: {  	p0 =	sne.s32 s30, $0xFFC0;
	[tilespmem:s31+$0x10000] =	vst v2;
	s31 =	smov.u32 s30;
	s30 =	sadd.s32 $0x40, s30  }
.Ltmp2:
0x19: {  	(pc) =	sbr.rel @p0 .LBB2_2-.Ltmp2, $2  }
0x1a: {  	_ =	sdelay $0x2  }
0x1b: {  	s31 =	sshra.s32 s31, $0x2  }
0x1c: {  	[tilespmem:s31+$0x10000] =	vst v2;
	s30 =	simm.s32 $0x0  }
0x1d: {  	[tilespmem:s30], [sflag:$0x1] =	stream.linear.gather [hbm4b:s4+s30], $0x4000, $0x38;
	[tilespmem:$0x14000] =	vst v63  }
0x1e: {  	_ = 	snop  }
0x1f: {  	[tilespmem:s21], [sflag:$0x1] =	stream.linear.gather [hbm4b:s1+s30], $0x4000, $0x38;
	[tilespmem:$0x14000] =	vst v63  }
0x20: {  	_ =	swait.ge [sflag:s22], $0x4000  }
0x21: {  	[sflag:s22] =	ssyncset.done $0x0  }
0x22: {  	[sflag:s22] =	ssyncadd.s32 $0xFFFFC000  }
0x23: {  	_ =	swait.ge [sflag:s22], $0x4000  }
0x24: {  	[sflag:s22] =	ssyncset.done $0x0  }
0x25: {  	[sflag:s22] =	ssyncadd.s32 $0xFFFFC000  }
0x26: {  	[tilespmem:s23], [sflag:$0x2] =	stream.linear.gather [hbm4b:s5+s30], $0x4000, $0x38;
	[tilespmem:$0x14000] =	vst v63  }
0x27: {  	_ = 	snop  }
0x28: {  	[tilespmem:s24], [sflag:$0x2] =	stream.linear.gather [hbm4b:s6+s30], $0x4000, $0x38;
	[tilespmem:$0x14000] =	vst v63  }
0x29: {  	s30 =	simm.s32 $0x0  }
0x2a: {  	v6 =	vld [tilespmem:s30+$0x4000]  }
0x2b: {  	v5 =	vld [tilespmem:s30+$0x0];
	_ =	sdelay $0x4  }
0x2c: {  	v7 =	vsub.s32 v5, v0;
	v8 =	vand.u32 $0x7F, v6  }
0x2d: {  	vm1 =	vge.s32 v5, v0;
	vm2 =	vlt.s32 v5, v1;
	v5 =	vshll.u32 v7, $0x7  }
0x2e: {  	vm2 =	vmand vm1, vm2;
	v5 =	vor.u32 v8, v5  }
0x2f: {  	v5 =	vnsel vm2, $0x0, v5;
	_ =	sdelay $0x4  }
0x30: {  	v8 =	vld.idx.msk [tilespmem:v5+s25+$0x0], vm2;
	_ =	sdelay $0x2  }
0x31: {  	v6 =	vshrl.u32 v6, $0x7;
	vm1 =	vmmov vm2  }
0x32: {  	v7 =	vshll.u32 v3, v6  }
0x33: {  	v6 =	vor.u32 v8, v7  }
0x34: {  	s31 =	simm.s32 $0x10;
	[tilespmem:v5+s25+$0x0] =	vst.idx.msk vm2, v6  }
0x35: {  	s30 =	simm.s32 $0x80;
	vm2 =	vmmov vm0;
	v6 =	vld [tilespmem:s31+$0x4000]  }
.LBB2_4:
0x36: {  	p0 =	sne.s32 s30, $0xFFC0;
	v8 =	vld [tilespmem:s31+$0x0]  }
0x37: {  	v5 =	vld.idx.msk [tilespmem:v5+s25+$0x0], vm1;
	_ =	sdelay $0x3  }
0x38: {  	v10 =	vand.u32 $0x7F, v6;
	v9 =	vsub.s32 v8, v0  }
0x39: {  	vm3 =	vge.s32 v8, v0;
	vm4 =	vlt.s32 v8, v1;
	v8 =	vshll.u32 v9, $0x7  }
0x3a: {  	vm3 =	vmand vm3, vm4;
	v7 =	vand.u32 v7, v5;
	v8 =	vor.u32 v10, v8  }
0x3b: {  	vm4 =	veq.s32 v7, $0x0;
	v5 =	vnsel vm3, $0x0, v8  }
0x3c: {  	vm4 =	vmand vm1, vm4;
	vm1 =	vmmov vm3  }
0x3d: {  	vm2 =	vmor vm2, vm4;
	_ =	sdelay $0x2  }
0x3e: {  	v8 =	vld.idx.msk [tilespmem:v5+s25+$0x0], vm3;
	_ =	sdelay $0x3  }
.Ltmp3:
0x3f: {  	v6 =	vshrl.u32 v6, $0x7;
	(pc) =	sbr.rel @p0 .LBB2_4-.Ltmp3, $4  }
0x40: {  	v7 =	vshll.u32 v3, v6  }
0x41: {  	v6 =	vor.u32 v8, v7  }
0x42: {  	s31 =	sshra.s32 s30, $0x2;
	[tilespmem:v5+s25+$0x0] =	vst.idx.msk vm3, v6  }
0x43: {  	s30 =	sadd.s32 $0x40, s30;
	v6 =	vld [tilespmem:s31+$0x4000]  }
0x44: {  	v8 =	vld [tilespmem:s31+$0x0];
	_ =	sdelay $0x4  }
0x45: {  	v10 =	vand.u32 $0x7F, v6;
	v9 =	vsub.s32 v8, v0  }
0x46: {  	vm3 =	vge.s32 v8, v0;
	vm4 =	vlt.s32 v8, v1;
	v62 =	vshll.u32 v9, $0x7  }
0x47: {  	vm3 =	vmand vm3, vm4;
	v8 =	vor.u32 v10, v62  }
0x48: {  	v8 =	vnsel vm3, $0x0, v8;
	_ =	sdelay $0x4  }
0x49: {  	v63 =	vld.idx.msk [tilespmem:v8+s25+$0x0], vm3;
	_ =	sdelay $0x2  }
0x4a: {  	v6 =	vshrl.u32 v6, $0x7  }
0x4b: {  	v6 =	vshll.u32 v3, v6  }
0x4c: {  	v9 =	vor.u32 v63, v6  }
0x4d: {  	v5 =	vld.idx.msk [tilespmem:v5+s25+$0x0], vm1;
	[tilespmem:v8+s25+$0x0] =	vst.idx.msk vm3, v9  }
0x4e: {  	v8 =	vld.idx.msk [tilespmem:v8+s25+$0x0], vm3;
	_ =	sdelay $0x3  }
0x4f: {  	v5 =	vand.u32 v7, v5  }
0x50: {  	vm4 =	vmmov vm3;
	vm3 =	veq.s32 v5, $0x0;
	v5 =	vand.u32 v6, v8  }
0x51: {  	vm1 =	vmand vm1, vm3;
	vm3 =	veq.s32 v5, $0x0  }
0x52: {  	vm1 =	vmor vm2, vm1;
	vm2 =	vmand vm4, vm3  }
0x53: {  	vm1 =	vmor vm1, vm2  }
0x54: {  	v5 =	vsel vm1, $0x3F800000, v4  }
0x55: {  	(xrf0) =	vmax.scan.msk.f32 $0xffff, v5;
	_ =	sdelay $0x5  }
0x56: {  	v5, _, _ =	vpop (xrf0)  }
0x57: {  	(v2sf) =	vpush v5, $0xF;
	_ =	sdelay $0xe  }
0x58: {  	s30 =	spop (v2sf)  }
0x59: {  	p0 =	sgt.f32 s30, $0.0e+00  }
.Ltmp4:
0x5a: {  	_ = 	snop;
	(pc) =	sbr.rel @p0 .LBB2_6-.Ltmp4, $2  }
0x5b: {  	_ =	sdelay $0x2  }
0x5c: {  	s30 =	simm.s32 $0x0  }
.LBB2_10:
0x5d: {  	_ =	swait.ge [sflag:s26], $0x4000  }
0x5e: {  	[sflag:s26] =	ssyncset.done $0x0  }
0x5f: {  	[sflag:s26] =	ssyncadd.s32 $0xFFFFC000  }
0x60: {  	_ =	swait.ge [sflag:s26], $0x4000  }
0x61: {  	[sflag:s26] =	ssyncset.done $0x0  }
0x62: {  	s0 =	simm.s32 $0x0;
	[sflag:s26] =	ssyncadd.s32 $0xFFFFC000  }
0x63: {  	[tilespmem:s0], [sflag:$0x1] =	stream.linear.gather [hbm4b:s7+s0], $0x4000, $0x38;
	[tilespmem:$0x14000] =	vst v63  }
0x64: {  	_ = 	snop  }
0x65: {  	[tilespmem:s21], [sflag:$0x1] =	stream.linear.gather [hbm4b:s8+s0], $0x4000, $0x38;
	[tilespmem:$0x14000] =	vst v63  }
0x66: {  	s0 =	simm.s32 $0x0  }
0x67: {  	v6 =	vld [tilespmem:s0+$0xC000]  }
0x68: {  	v5 =	vld [tilespmem:s0+$0x8000];
	_ =	sdelay $0x4  }
0x69: {  	v7 =	vsub.s32 v5, v0;
	v8 =	vand.u32 $0x7F, v6  }
0x6a: {  	vm1 =	vge.s32 v5, v0;
	vm2 =	vlt.s32 v5, v1;
	v5 =	vshll.u32 v7, $0x7  }
0x6b: {  	vm2 =	vmand vm1, vm2;
	v5 =	vor.u32 v8, v5  }
0x6c: {  	v5 =	vnsel vm2, $0x0, v5;
	_ =	sdelay $0x4  }
0x6d: {  	v8 =	vld.idx.msk [tilespmem:v5+s25+$0x0], vm2;
	_ =	sdelay $0x2  }
0x6e: {  	v6 =	vshrl.u32 v6, $0x7;
	vm1 =	vmmov vm2  }
0x6f: {  	v7 =	vshll.u32 v3, v6  }
0x70: {  	v6 =	vor.u32 v8, v7  }
0x71: {  	s31 =	simm.s32 $0x10;
	[tilespmem:v5+s25+$0x0] =	vst.idx.msk vm2, v6  }
0x72: {  	s30 =	simm.s32 $0x80;
	vm2 =	vmmov vm0;
	v6 =	vld [tilespmem:s31+$0xC000]  }
.LBB2_11:
0x73: {  	p0 =	sne.s32 s30, $0xFFC0;
	v8 =	vld [tilespmem:s31+$0x8000]  }
0x74: {  	v5 =	vld.idx.msk [tilespmem:v5+s25+$0x0], vm1;
	_ =	sdelay $0x3  }
0x75: {  	v10 =	vand.u32 $0x7F, v6;
	v9 =	vsub.s32 v8, v0  }
0x76: {  	vm3 =	vge.s32 v8, v0;
	vm4 =	vlt.s32 v8, v1;
	v8 =	vshll.u32 v9, $0x7  }
0x77: {  	vm3 =	vmand vm3, vm4;
	v7 =	vand.u32 v7, v5;
	v8 =	vor.u32 v10, v8  }
0x78: {  	vm4 =	veq.s32 v7, $0x0;
	v5 =	vnsel vm3, $0x0, v8  }
0x79: {  	vm4 =	vmand vm1, vm4;
	vm1 =	vmmov vm3  }
0x7a: {  	vm2 =	vmor vm2, vm4;
	_ =	sdelay $0x2  }
0x7b: {  	v8 =	vld.idx.msk [tilespmem:v5+s25+$0x0], vm3;
	_ =	sdelay $0x3  }
.Ltmp5:
0x7c: {  	v6 =	vshrl.u32 v6, $0x7;
	(pc) =	sbr.rel @p0 .LBB2_11-.Ltmp5, $4  }
0x7d: {  	v7 =	vshll.u32 v3, v6  }
0x7e: {  	v6 =	vor.u32 v8, v7  }
0x7f: {  	s31 =	sshra.s32 s30, $0x2;
	[tilespmem:v5+s25+$0x0] =	vst.idx.msk vm3, v6  }
0x80: {  	s30 =	sadd.s32 $0x40, s30;
	v6 =	vld [tilespmem:s31+$0xC000]  }
0x81: {  	v8 =	vld [tilespmem:s31+$0x8000];
	_ =	sdelay $0x4  }
0x82: {  	v10 =	vand.u32 $0x7F, v6;
	v9 =	vsub.s32 v8, v0  }
0x83: {  	vm3 =	vge.s32 v8, v0;
	vm4 =	vlt.s32 v8, v1;
	v62 =	vshll.u32 v9, $0x7  }
0x84: {  	vm3 =	vmand vm3, vm4;
	v8 =	vor.u32 v10, v62  }
0x85: {  	v8 =	vnsel vm3, $0x0, v8;
	_ =	sdelay $0x4  }
0x86: {  	v63 =	vld.idx.msk [tilespmem:v8+s25+$0x0], vm3;
	_ =	sdelay $0x2  }
0x87: {  	v6 =	vshrl.u32 v6, $0x7  }
0x88: {  	v6 =	vshll.u32 v3, v6  }
0x89: {  	v9 =	vor.u32 v63, v6  }
0x8a: {  	v5 =	vld.idx.msk [tilespmem:v5+s25+$0x0], vm1;
	[tilespmem:v8+s25+$0x0] =	vst.idx.msk vm3, v9  }
0x8b: {  	v8 =	vld.idx.msk [tilespmem:v8+s25+$0x0], vm3;
	_ =	sdelay $0x3  }
0x8c: {  	v5 =	vand.u32 v7, v5  }
0x8d: {  	vm4 =	vmmov vm3;
	vm3 =	veq.s32 v5, $0x0;
	v5 =	vand.u32 v6, v8  }
0x8e: {  	vm1 =	vmand vm1, vm3;
	vm3 =	veq.s32 v5, $0x0  }
0x8f: {  	vm1 =	vmor vm2, vm1;
	vm2 =	vmand vm4, vm3  }
0x90: {  	vm1 =	vmor vm1, vm2  }
0x91: {  	v5 =	vsel vm1, $0x3F800000, v4  }
0x92: {  	(xrf0) =	vmax.scan.msk.f32 $0xffff, v5;
	_ =	sdelay $0x5  }
0x93: {  	v5, _, _ =	vpop (xrf0)  }
0x94: {  	(v2sf) =	vpush v5, $0xF;
	_ =	sdelay $0xe  }
0x95: {  	s0 =	spop (v2sf)  }
0x96: {  	p0 =	sgt.f32 s0, $0.0e+00  }
.Ltmp6:
0x97: {  	_ = 	snop;
	(pc) =	sbr.rel @p0 .LBB2_13-.Ltmp6, $2  }
0x98: {  	_ =	sdelay $0x2  }
0x99: {  	s30 =	simm.s32 $0x0  }
.LBB2_17:
0x9a: {  	_ =	swait.ge [sflag:s22], $0x4000  }
0x9b: {  	[sflag:s22] =	ssyncset.done $0x0  }
0x9c: {  	[sflag:s22] =	ssyncadd.s32 $0xFFFFC000  }
0x9d: {  	_ =	swait.ge [sflag:s22], $0x4000  }
0x9e: {  	[sflag:s22] =	ssyncset.done $0x0  }
0x9f: {  	s0 =	simm.s32 $0x0;
	[sflag:s22] =	ssyncadd.s32 $0xFFFFC000  }
0xa0: {  	[tilespmem:s23], [sflag:$0x2] =	stream.linear.gather [hbm4b:s9+s0], $0x4000, $0x38;
	[tilespmem:$0x14000] =	vst v63  }
0xa1: {  	_ = 	snop  }
0xa2: {  	[tilespmem:s24], [sflag:$0x2] =	stream.linear.gather [hbm4b:s10+s0], $0x4000, $0x38;
	[tilespmem:$0x14000] =	vst v63  }
0xa3: {  	s0 =	simm.s32 $0x0  }
0xa4: {  	v6 =	vld [tilespmem:s0+$0x4000]  }
0xa5: {  	v5 =	vld [tilespmem:s0+$0x0];
	_ =	sdelay $0x4  }
0xa6: {  	v7 =	vsub.s32 v5, v0;
	v8 =	vand.u32 $0x7F, v6  }
0xa7: {  	vm1 =	vge.s32 v5, v0;
	vm2 =	vlt.s32 v5, v1;
	v5 =	vshll.u32 v7, $0x7  }
0xa8: {  	vm2 =	vmand vm1, vm2;
	v5 =	vor.u32 v8, v5  }
0xa9: {  	v5 =	vnsel vm2, $0x0, v5;
	_ =	sdelay $0x4  }
0xaa: {  	v8 =	vld.idx.msk [tilespmem:v5+s25+$0x0], vm2;
	_ =	sdelay $0x2  }
0xab: {  	v6 =	vshrl.u32 v6, $0x7;
	vm1 =	vmmov vm2  }
0xac: {  	v7 =	vshll.u32 v3, v6  }
0xad: {  	v6 =	vor.u32 v8, v7  }
0xae: {  	s31 =	simm.s32 $0x10;
	[tilespmem:v5+s25+$0x0] =	vst.idx.msk vm2, v6  }
0xaf: {  	s30 =	simm.s32 $0x80;
	vm2 =	vmmov vm0;
	v6 =	vld [tilespmem:s31+$0x4000]  }
.LBB2_18:
0xb0: {  	p0 =	sne.s32 s30, $0xFFC0;
	v8 =	vld [tilespmem:s31+$0x0]  }
0xb1: {  	v5 =	vld.idx.msk [tilespmem:v5+s25+$0x0], vm1;
	_ =	sdelay $0x3  }
0xb2: {  	v10 =	vand.u32 $0x7F, v6;
	v9 =	vsub.s32 v8, v0  }
0xb3: {  	vm3 =	vge.s32 v8, v0;
	vm4 =	vlt.s32 v8, v1;
	v8 =	vshll.u32 v9, $0x7  }
0xb4: {  	vm3 =	vmand vm3, vm4;
	v7 =	vand.u32 v7, v5;
	v8 =	vor.u32 v10, v8  }
0xb5: {  	vm4 =	veq.s32 v7, $0x0;
	v5 =	vnsel vm3, $0x0, v8  }
0xb6: {  	vm4 =	vmand vm1, vm4;
	vm1 =	vmmov vm3  }
0xb7: {  	vm2 =	vmor vm2, vm4;
	_ =	sdelay $0x2  }
0xb8: {  	v8 =	vld.idx.msk [tilespmem:v5+s25+$0x0], vm3;
	_ =	sdelay $0x3  }
.Ltmp7:
0xb9: {  	v6 =	vshrl.u32 v6, $0x7;
	(pc) =	sbr.rel @p0 .LBB2_18-.Ltmp7, $4  }
0xba: {  	v7 =	vshll.u32 v3, v6  }
0xbb: {  	v6 =	vor.u32 v8, v7  }
0xbc: {  	s31 =	sshra.s32 s30, $0x2;
	[tilespmem:v5+s25+$0x0] =	vst.idx.msk vm3, v6  }
0xbd: {  	s30 =	sadd.s32 $0x40, s30;
	v6 =	vld [tilespmem:s31+$0x4000]  }
0xbe: {  	v8 =	vld [tilespmem:s31+$0x0];
	_ =	sdelay $0x4  }
0xbf: {  	v10 =	vand.u32 $0x7F, v6;
	v9 =	vsub.s32 v8, v0  }
0xc0: {  	vm3 =	vge.s32 v8, v0;
	vm4 =	vlt.s32 v8, v1;
	v62 =	vshll.u32 v9, $0x7  }
0xc1: {  	vm3 =	vmand vm3, vm4;
	v8 =	vor.u32 v10, v62  }
0xc2: {  	v8 =	vnsel vm3, $0x0, v8;
	_ =	sdelay $0x4  }
0xc3: {  	v63 =	vld.idx.msk [tilespmem:v8+s25+$0x0], vm3;
	_ =	sdelay $0x2  }
0xc4: {  	v6 =	vshrl.u32 v6, $0x7  }
0xc5: {  	v6 =	vshll.u32 v3, v6  }
0xc6: {  	v9 =	vor.u32 v63, v6  }
0xc7: {  	v5 =	vld.idx.msk [tilespmem:v5+s25+$0x0], vm1;
	[tilespmem:v8+s25+$0x0] =	vst.idx.msk vm3, v9  }
0xc8: {  	v8 =	vld.idx.msk [tilespmem:v8+s25+$0x0], vm3;
	_ =	sdelay $0x3  }
0xc9: {  	v5 =	vand.u32 v7, v5  }
0xca: {  	vm4 =	vmmov vm3;
	vm3 =	veq.s32 v5, $0x0;
	v5 =	vand.u32 v6, v8  }
0xcb: {  	vm1 =	vmand vm1, vm3;
	vm3 =	veq.s32 v5, $0x0  }
0xcc: {  	vm1 =	vmor vm2, vm1;
	vm2 =	vmand vm4, vm3  }
0xcd: {  	vm1 =	vmor vm1, vm2  }
0xce: {  	v5 =	vsel vm1, $0x3F800000, v4  }
0xcf: {  	(xrf0) =	vmax.scan.msk.f32 $0xffff, v5;
	_ =	sdelay $0x5  }
0xd0: {  	v5, _, _ =	vpop (xrf0)  }
0xd1: {  	(v2sf) =	vpush v5, $0xF;
	_ =	sdelay $0xe  }
0xd2: {  	s0 =	spop (v2sf)  }
0xd3: {  	p0 =	sgt.f32 s0, $0.0e+00  }
.Ltmp8:
0xd4: {  	_ = 	snop;
	(pc) =	sbr.rel @p0 .LBB2_20-.Ltmp8, $2  }
0xd5: {  	_ =	sdelay $0x2  }
0xd6: {  	s30 =	simm.s32 $0x0  }
.LBB2_24:
0xd7: {  	_ =	swait.ge [sflag:s26], $0x4000  }
0xd8: {  	[sflag:s26] =	ssyncset.done $0x0  }
0xd9: {  	[sflag:s26] =	ssyncadd.s32 $0xFFFFC000  }
0xda: {  	_ =	swait.ge [sflag:s26], $0x4000  }
0xdb: {  	[sflag:s26] =	ssyncset.done $0x0  }
0xdc: {  	s0 =	simm.s32 $0x0;
	[sflag:s26] =	ssyncadd.s32 $0xFFFFC000  }
0xdd: {  	[tilespmem:s0], [sflag:$0x1] =	stream.linear.gather [hbm4b:s11+s0], $0x4000, $0x38;
	[tilespmem:$0x14000] =	vst v63  }
0xde: {  	_ = 	snop  }
0xdf: {  	[tilespmem:s21], [sflag:$0x1] =	stream.linear.gather [hbm4b:s12+s0], $0x4000, $0x38;
	[tilespmem:$0x14000] =	vst v63  }
0xe0: {  	s0 =	simm.s32 $0x0  }
0xe1: {  	v6 =	vld [tilespmem:s0+$0xC000]  }
0xe2: {  	v5 =	vld [tilespmem:s0+$0x8000];
	_ =	sdelay $0x4  }
0xe3: {  	v7 =	vsub.s32 v5, v0;
	v8 =	vand.u32 $0x7F, v6  }
0xe4: {  	vm1 =	vge.s32 v5, v0;
	vm2 =	vlt.s32 v5, v1;
	v5 =	vshll.u32 v7, $0x7  }
0xe5: {  	vm2 =	vmand vm1, vm2;
	v5 =	vor.u32 v8, v5  }
0xe6: {  	v5 =	vnsel vm2, $0x0, v5;
	_ =	sdelay $0x4  }
0xe7: {  	v8 =	vld.idx.msk [tilespmem:v5+s25+$0x0], vm2;
	_ =	sdelay $0x2  }
0xe8: {  	v6 =	vshrl.u32 v6, $0x7;
	vm1 =	vmmov vm2  }
0xe9: {  	v7 =	vshll.u32 v3, v6  }
0xea: {  	v6 =	vor.u32 v8, v7  }
0xeb: {  	s31 =	simm.s32 $0x10;
	[tilespmem:v5+s25+$0x0] =	vst.idx.msk vm2, v6  }
0xec: {  	s30 =	simm.s32 $0x80;
	vm2 =	vmmov vm0;
	v6 =	vld [tilespmem:s31+$0xC000]  }
.LBB2_25:
0xed: {  	p0 =	sne.s32 s30, $0xFFC0;
	v8 =	vld [tilespmem:s31+$0x8000]  }
0xee: {  	v5 =	vld.idx.msk [tilespmem:v5+s25+$0x0], vm1;
	_ =	sdelay $0x3  }
0xef: {  	v10 =	vand.u32 $0x7F, v6;
	v9 =	vsub.s32 v8, v0  }
0xf0: {  	vm3 =	vge.s32 v8, v0;
	vm4 =	vlt.s32 v8, v1;
	v8 =	vshll.u32 v9, $0x7  }
0xf1: {  	vm3 =	vmand vm3, vm4;
	v7 =	vand.u32 v7, v5;
	v8 =	vor.u32 v10, v8  }
0xf2: {  	vm4 =	veq.s32 v7, $0x0;
	v5 =	vnsel vm3, $0x0, v8  }
0xf3: {  	vm4 =	vmand vm1, vm4;
	vm1 =	vmmov vm3  }
0xf4: {  	vm2 =	vmor vm2, vm4;
	_ =	sdelay $0x2  }
0xf5: {  	v8 =	vld.idx.msk [tilespmem:v5+s25+$0x0], vm3;
	_ =	sdelay $0x3  }
.Ltmp9:
0xf6: {  	v6 =	vshrl.u32 v6, $0x7;
	(pc) =	sbr.rel @p0 .LBB2_25-.Ltmp9, $4  }
0xf7: {  	v7 =	vshll.u32 v3, v6  }
0xf8: {  	v6 =	vor.u32 v8, v7  }
0xf9: {  	s31 =	sshra.s32 s30, $0x2;
	[tilespmem:v5+s25+$0x0] =	vst.idx.msk vm3, v6  }
0xfa: {  	s30 =	sadd.s32 $0x40, s30;
	v6 =	vld [tilespmem:s31+$0xC000]  }
0xfb: {  	v8 =	vld [tilespmem:s31+$0x8000];
	_ =	sdelay $0x4  }
0xfc: {  	v10 =	vand.u32 $0x7F, v6;
	v9 =	vsub.s32 v8, v0  }
0xfd: {  	vm3 =	vge.s32 v8, v0;
	vm4 =	vlt.s32 v8, v1;
	v62 =	vshll.u32 v9, $0x7  }
0xfe: {  	vm3 =	vmand vm3, vm4;
	v8 =	vor.u32 v10, v62  }
0xff: {  	v8 =	vnsel vm3, $0x0, v8;
	_ =	sdelay $0x4  }
0x100: {  	v63 =	vld.idx.msk [tilespmem:v8+s25+$0x0], vm3;
	_ =	sdelay $0x2  }
0x101: {  	v6 =	vshrl.u32 v6, $0x7  }
0x102: {  	v6 =	vshll.u32 v3, v6  }
0x103: {  	v9 =	vor.u32 v63, v6  }
0x104: {  	v5 =	vld.idx.msk [tilespmem:v5+s25+$0x0], vm1;
	[tilespmem:v8+s25+$0x0] =	vst.idx.msk vm3, v9  }
0x105: {  	v8 =	vld.idx.msk [tilespmem:v8+s25+$0x0], vm3;
	_ =	sdelay $0x3  }
0x106: {  	v5 =	vand.u32 v7, v5  }
0x107: {  	vm4 =	vmmov vm3;
	vm3 =	veq.s32 v5, $0x0;
	v5 =	vand.u32 v6, v8  }
0x108: {  	vm1 =	vmand vm1, vm3;
	vm3 =	veq.s32 v5, $0x0  }
0x109: {  	vm1 =	vmor vm2, vm1;
	vm2 =	vmand vm4, vm3  }
0x10a: {  	vm1 =	vmor vm1, vm2  }
0x10b: {  	v5 =	vsel vm1, $0x3F800000, v4  }
0x10c: {  	(xrf0) =	vmax.scan.msk.f32 $0xffff, v5;
	_ =	sdelay $0x5  }
0x10d: {  	v5, _, _ =	vpop (xrf0)  }
0x10e: {  	(v2sf) =	vpush v5, $0xF;
	_ =	sdelay $0xe  }
0x10f: {  	s0 =	spop (v2sf)  }
0x110: {  	p0 =	sgt.f32 s0, $0.0e+00  }
.Ltmp10:
0x111: {  	_ = 	snop;
	(pc) =	sbr.rel @p0 .LBB2_27-.Ltmp10, $2  }
0x112: {  	_ =	sdelay $0x2  }
0x113: {  	s30 =	simm.s32 $0x0  }
.LBB2_31:
0x114: {  	_ =	swait.ge [sflag:s22], $0x4000  }
0x115: {  	[sflag:s22] =	ssyncset.done $0x0  }
0x116: {  	[sflag:s22] =	ssyncadd.s32 $0xFFFFC000  }
0x117: {  	_ =	swait.ge [sflag:s22], $0x4000  }
0x118: {  	[sflag:s22] =	ssyncset.done $0x0  }
0x119: {  	s0 =	simm.s32 $0x0;
	[sflag:s22] =	ssyncadd.s32 $0xFFFFC000  }
0x11a: {  	[tilespmem:s23], [sflag:$0x2] =	stream.linear.gather [hbm4b:s13+s0], $0x4000, $0x38;
	[tilespmem:$0x14000] =	vst v63  }
0x11b: {  	_ = 	snop  }
0x11c: {  	[tilespmem:s24], [sflag:$0x2] =	stream.linear.gather [hbm4b:s14+s0], $0x4000, $0x38;
	[tilespmem:$0x14000] =	vst v63  }
0x11d: {  	s0 =	simm.s32 $0x0  }
0x11e: {  	v6 =	vld [tilespmem:s0+$0x4000]  }
0x11f: {  	v5 =	vld [tilespmem:s0+$0x0];
	_ =	sdelay $0x4  }
0x120: {  	v7 =	vsub.s32 v5, v0;
	v8 =	vand.u32 $0x7F, v6  }
0x121: {  	vm1 =	vge.s32 v5, v0;
	vm2 =	vlt.s32 v5, v1;
	v5 =	vshll.u32 v7, $0x7  }
0x122: {  	vm2 =	vmand vm1, vm2;
	v5 =	vor.u32 v8, v5  }
0x123: {  	v5 =	vnsel vm2, $0x0, v5;
	_ =	sdelay $0x4  }
0x124: {  	v8 =	vld.idx.msk [tilespmem:v5+s25+$0x0], vm2;
	_ =	sdelay $0x2  }
0x125: {  	v6 =	vshrl.u32 v6, $0x7;
	vm1 =	vmmov vm2  }
0x126: {  	v7 =	vshll.u32 v3, v6  }
0x127: {  	v6 =	vor.u32 v8, v7  }
0x128: {  	s31 =	simm.s32 $0x10;
	[tilespmem:v5+s25+$0x0] =	vst.idx.msk vm2, v6  }
0x129: {  	s30 =	simm.s32 $0x80;
	vm2 =	vmmov vm0;
	v6 =	vld [tilespmem:s31+$0x4000]  }
.LBB2_32:
0x12a: {  	p0 =	sne.s32 s30, $0xFFC0;
	v8 =	vld [tilespmem:s31+$0x0]  }
0x12b: {  	v5 =	vld.idx.msk [tilespmem:v5+s25+$0x0], vm1;
	_ =	sdelay $0x3  }
0x12c: {  	v10 =	vand.u32 $0x7F, v6;
	v9 =	vsub.s32 v8, v0  }
0x12d: {  	vm3 =	vge.s32 v8, v0;
	vm4 =	vlt.s32 v8, v1;
	v8 =	vshll.u32 v9, $0x7  }
0x12e: {  	vm3 =	vmand vm3, vm4;
	v7 =	vand.u32 v7, v5;
	v8 =	vor.u32 v10, v8  }
0x12f: {  	vm4 =	veq.s32 v7, $0x0;
	v5 =	vnsel vm3, $0x0, v8  }
0x130: {  	vm4 =	vmand vm1, vm4;
	vm1 =	vmmov vm3  }
0x131: {  	vm2 =	vmor vm2, vm4;
	_ =	sdelay $0x2  }
0x132: {  	v8 =	vld.idx.msk [tilespmem:v5+s25+$0x0], vm3;
	_ =	sdelay $0x3  }
.Ltmp11:
0x133: {  	v6 =	vshrl.u32 v6, $0x7;
	(pc) =	sbr.rel @p0 .LBB2_32-.Ltmp11, $4  }
0x134: {  	v7 =	vshll.u32 v3, v6  }
0x135: {  	v6 =	vor.u32 v8, v7  }
0x136: {  	s31 =	sshra.s32 s30, $0x2;
	[tilespmem:v5+s25+$0x0] =	vst.idx.msk vm3, v6  }
0x137: {  	s30 =	sadd.s32 $0x40, s30;
	v6 =	vld [tilespmem:s31+$0x4000]  }
0x138: {  	v8 =	vld [tilespmem:s31+$0x0];
	_ =	sdelay $0x4  }
0x139: {  	v10 =	vand.u32 $0x7F, v6;
	v9 =	vsub.s32 v8, v0  }
0x13a: {  	vm3 =	vge.s32 v8, v0;
	vm4 =	vlt.s32 v8, v1;
	v62 =	vshll.u32 v9, $0x7  }
0x13b: {  	vm3 =	vmand vm3, vm4;
	v8 =	vor.u32 v10, v62  }
0x13c: {  	v8 =	vnsel vm3, $0x0, v8;
	_ =	sdelay $0x4  }
0x13d: {  	v63 =	vld.idx.msk [tilespmem:v8+s25+$0x0], vm3;
	_ =	sdelay $0x2  }
0x13e: {  	v6 =	vshrl.u32 v6, $0x7  }
0x13f: {  	v6 =	vshll.u32 v3, v6  }
0x140: {  	v9 =	vor.u32 v63, v6  }
0x141: {  	v5 =	vld.idx.msk [tilespmem:v5+s25+$0x0], vm1;
	[tilespmem:v8+s25+$0x0] =	vst.idx.msk vm3, v9  }
0x142: {  	v8 =	vld.idx.msk [tilespmem:v8+s25+$0x0], vm3;
	_ =	sdelay $0x3  }
0x143: {  	v5 =	vand.u32 v7, v5  }
0x144: {  	vm4 =	vmmov vm3;
	vm3 =	veq.s32 v5, $0x0;
	v5 =	vand.u32 v6, v8  }
0x145: {  	vm1 =	vmand vm1, vm3;
	vm3 =	veq.s32 v5, $0x0  }
0x146: {  	vm1 =	vmor vm2, vm1;
	vm2 =	vmand vm4, vm3  }
0x147: {  	vm1 =	vmor vm1, vm2  }
0x148: {  	v5 =	vsel vm1, $0x3F800000, v4  }
0x149: {  	(xrf0) =	vmax.scan.msk.f32 $0xffff, v5;
	_ =	sdelay $0x5  }
0x14a: {  	v5, _, _ =	vpop (xrf0)  }
0x14b: {  	(v2sf) =	vpush v5, $0xF;
	_ =	sdelay $0xe  }
0x14c: {  	s0 =	spop (v2sf)  }
0x14d: {  	p0 =	sgt.f32 s0, $0.0e+00  }
.Ltmp12:
0x14e: {  	_ = 	snop;
	(pc) =	sbr.rel @p0 .LBB2_34-.Ltmp12, $2  }
0x14f: {  	_ =	sdelay $0x2  }
0x150: {  	s30 =	simm.s32 $0x0  }
.LBB2_38:
0x151: {  	_ =	swait.ge [sflag:s26], $0x4000  }
0x152: {  	[sflag:s26] =	ssyncset.done $0x0  }
0x153: {  	[sflag:s26] =	ssyncadd.s32 $0xFFFFC000  }
0x154: {  	_ =	swait.ge [sflag:s26], $0x4000  }
0x155: {  	[sflag:s26] =	ssyncset.done $0x0  }
0x156: {  	s0 =	simm.s32 $0x0;
	[sflag:s26] =	ssyncadd.s32 $0xFFFFC000  }
0x157: {  	[tilespmem:s0], [sflag:$0x1] =	stream.linear.gather [hbm4b:s15+s0], $0x4000, $0x38;
	[tilespmem:$0x14000] =	vst v63  }
0x158: {  	_ = 	snop  }
0x159: {  	[tilespmem:s21], [sflag:$0x1] =	stream.linear.gather [hbm4b:s16+s0], $0x4000, $0x38;
	[tilespmem:$0x14000] =	vst v63  }
0x15a: {  	s0 =	simm.s32 $0x0  }
0x15b: {  	v6 =	vld [tilespmem:s0+$0xC000]  }
0x15c: {  	v5 =	vld [tilespmem:s0+$0x8000];
	_ =	sdelay $0x4  }
0x15d: {  	v7 =	vsub.s32 v5, v0;
	v8 =	vand.u32 $0x7F, v6  }
0x15e: {  	vm1 =	vge.s32 v5, v0;
	vm2 =	vlt.s32 v5, v1;
	v5 =	vshll.u32 v7, $0x7  }
0x15f: {  	vm2 =	vmand vm1, vm2;
	v5 =	vor.u32 v8, v5  }
0x160: {  	v5 =	vnsel vm2, $0x0, v5;
	_ =	sdelay $0x4  }
0x161: {  	v8 =	vld.idx.msk [tilespmem:v5+s25+$0x0], vm2;
	_ =	sdelay $0x2  }
0x162: {  	v6 =	vshrl.u32 v6, $0x7;
	vm1 =	vmmov vm2  }
0x163: {  	v7 =	vshll.u32 v3, v6  }
0x164: {  	v6 =	vor.u32 v8, v7  }
0x165: {  	s31 =	simm.s32 $0x10;
	[tilespmem:v5+s25+$0x0] =	vst.idx.msk vm2, v6  }
0x166: {  	s30 =	simm.s32 $0x80;
	vm2 =	vmmov vm0;
	v6 =	vld [tilespmem:s31+$0xC000]  }
.LBB2_39:
0x167: {  	p0 =	sne.s32 s30, $0xFFC0;
	v8 =	vld [tilespmem:s31+$0x8000]  }
0x168: {  	v5 =	vld.idx.msk [tilespmem:v5+s25+$0x0], vm1;
	_ =	sdelay $0x3  }
0x169: {  	v10 =	vand.u32 $0x7F, v6;
	v9 =	vsub.s32 v8, v0  }
0x16a: {  	vm3 =	vge.s32 v8, v0;
	vm4 =	vlt.s32 v8, v1;
	v8 =	vshll.u32 v9, $0x7  }
0x16b: {  	vm3 =	vmand vm3, vm4;
	v7 =	vand.u32 v7, v5;
	v8 =	vor.u32 v10, v8  }
0x16c: {  	vm4 =	veq.s32 v7, $0x0;
	v5 =	vnsel vm3, $0x0, v8  }
0x16d: {  	vm4 =	vmand vm1, vm4;
	vm1 =	vmmov vm3  }
0x16e: {  	vm2 =	vmor vm2, vm4;
	_ =	sdelay $0x2  }
0x16f: {  	v8 =	vld.idx.msk [tilespmem:v5+s25+$0x0], vm3;
	_ =	sdelay $0x3  }
.Ltmp13:
0x170: {  	v6 =	vshrl.u32 v6, $0x7;
	(pc) =	sbr.rel @p0 .LBB2_39-.Ltmp13, $4  }
0x171: {  	v7 =	vshll.u32 v3, v6  }
0x172: {  	v6 =	vor.u32 v8, v7  }
0x173: {  	s31 =	sshra.s32 s30, $0x2;
	[tilespmem:v5+s25+$0x0] =	vst.idx.msk vm3, v6  }
0x174: {  	s30 =	sadd.s32 $0x40, s30;
	v6 =	vld [tilespmem:s31+$0xC000]  }
0x175: {  	v8 =	vld [tilespmem:s31+$0x8000];
	_ =	sdelay $0x4  }
0x176: {  	v10 =	vand.u32 $0x7F, v6;
	v9 =	vsub.s32 v8, v0  }
0x177: {  	vm3 =	vge.s32 v8, v0;
	vm4 =	vlt.s32 v8, v1;
	v62 =	vshll.u32 v9, $0x7  }
0x178: {  	vm3 =	vmand vm3, vm4;
	v8 =	vor.u32 v10, v62  }
0x179: {  	v8 =	vnsel vm3, $0x0, v8;
	_ =	sdelay $0x4  }
0x17a: {  	v63 =	vld.idx.msk [tilespmem:v8+s25+$0x0], vm3;
	_ =	sdelay $0x2  }
0x17b: {  	v6 =	vshrl.u32 v6, $0x7  }
0x17c: {  	v6 =	vshll.u32 v3, v6  }
0x17d: {  	v9 =	vor.u32 v63, v6  }
0x17e: {  	v5 =	vld.idx.msk [tilespmem:v5+s25+$0x0], vm1;
	[tilespmem:v8+s25+$0x0] =	vst.idx.msk vm3, v9  }
0x17f: {  	v8 =	vld.idx.msk [tilespmem:v8+s25+$0x0], vm3;
	_ =	sdelay $0x3  }
0x180: {  	v5 =	vand.u32 v7, v5  }
0x181: {  	vm4 =	vmmov vm3;
	vm3 =	veq.s32 v5, $0x0;
	v5 =	vand.u32 v6, v8  }
0x182: {  	vm1 =	vmand vm1, vm3;
	vm3 =	veq.s32 v5, $0x0  }
0x183: {  	vm1 =	vmor vm2, vm1;
	vm2 =	vmand vm4, vm3  }
0x184: {  	vm1 =	vmor vm1, vm2  }
0x185: {  	v5 =	vsel vm1, $0x3F800000, v4  }
0x186: {  	(xrf0) =	vmax.scan.msk.f32 $0xffff, v5;
	_ =	sdelay $0x5  }
0x187: {  	v5, _, _ =	vpop (xrf0)  }
0x188: {  	(v2sf) =	vpush v5, $0xF;
	_ =	sdelay $0xe  }
0x189: {  	s0 =	spop (v2sf)  }
0x18a: {  	p0 =	sgt.f32 s0, $0.0e+00  }
.Ltmp14:
0x18b: {  	_ = 	snop;
	(pc) =	sbr.rel @p0 .LBB2_41-.Ltmp14, $2  }
0x18c: {  	_ =	sdelay $0x2  }
0x18d: {  	s30 =	simm.s32 $0x0  }
.LBB2_45:
0x18e: {  	_ =	swait.ge [sflag:s22], $0x4000  }
0x18f: {  	[sflag:s22] =	ssyncset.done $0x0  }
0x190: {  	[sflag:s22] =	ssyncadd.s32 $0xFFFFC000  }
0x191: {  	_ =	swait.ge [sflag:s22], $0x4000  }
0x192: {  	[sflag:s22] =	ssyncset.done $0x0  }
0x193: {  	s0 =	simm.s32 $0x0;
	[sflag:s22] =	ssyncadd.s32 $0xFFFFC000  }
0x194: {  	[tilespmem:s23], [sflag:$0x2] =	stream.linear.gather [hbm4b:s17+s0], $0x4000, $0x38;
	[tilespmem:$0x14000] =	vst v63  }
0x195: {  	_ = 	snop  }
0x196: {  	[tilespmem:s24], [sflag:$0x2] =	stream.linear.gather [hbm4b:s18+s0], $0x4000, $0x38;
	[tilespmem:$0x14000] =	vst v63  }
0x197: {  	s0 =	simm.s32 $0x0  }
0x198: {  	v6 =	vld [tilespmem:s0+$0x4000]  }
0x199: {  	v5 =	vld [tilespmem:s0+$0x0];
	_ =	sdelay $0x4  }
0x19a: {  	v7 =	vsub.s32 v5, v0;
	v8 =	vand.u32 $0x7F, v6  }
0x19b: {  	vm1 =	vge.s32 v5, v0;
	vm2 =	vlt.s32 v5, v1;
	v5 =	vshll.u32 v7, $0x7  }
0x19c: {  	vm2 =	vmand vm1, vm2;
	v5 =	vor.u32 v8, v5  }
0x19d: {  	v5 =	vnsel vm2, $0x0, v5;
	_ =	sdelay $0x4  }
0x19e: {  	v8 =	vld.idx.msk [tilespmem:v5+s25+$0x0], vm2;
	_ =	sdelay $0x2  }
0x19f: {  	v6 =	vshrl.u32 v6, $0x7;
	vm1 =	vmmov vm2  }
0x1a0: {  	v7 =	vshll.u32 v3, v6  }
0x1a1: {  	v6 =	vor.u32 v8, v7  }
0x1a2: {  	s31 =	simm.s32 $0x10;
	[tilespmem:v5+s25+$0x0] =	vst.idx.msk vm2, v6  }
0x1a3: {  	s30 =	simm.s32 $0x80;
	vm2 =	vmmov vm0;
	v6 =	vld [tilespmem:s31+$0x4000]  }
.LBB2_46:
0x1a4: {  	p0 =	sne.s32 s30, $0xFFC0;
	v8 =	vld [tilespmem:s31+$0x0]  }
0x1a5: {  	v5 =	vld.idx.msk [tilespmem:v5+s25+$0x0], vm1;
	_ =	sdelay $0x3  }
0x1a6: {  	v10 =	vand.u32 $0x7F, v6;
	v9 =	vsub.s32 v8, v0  }
0x1a7: {  	vm3 =	vge.s32 v8, v0;
	vm4 =	vlt.s32 v8, v1;
	v8 =	vshll.u32 v9, $0x7  }
0x1a8: {  	vm3 =	vmand vm3, vm4;
	v7 =	vand.u32 v7, v5;
	v8 =	vor.u32 v10, v8  }
0x1a9: {  	vm4 =	veq.s32 v7, $0x0;
	v5 =	vnsel vm3, $0x0, v8  }
0x1aa: {  	vm4 =	vmand vm1, vm4;
	vm1 =	vmmov vm3  }
0x1ab: {  	vm2 =	vmor vm2, vm4;
	_ =	sdelay $0x2  }
0x1ac: {  	v8 =	vld.idx.msk [tilespmem:v5+s25+$0x0], vm3;
	_ =	sdelay $0x3  }
.Ltmp15:
0x1ad: {  	v6 =	vshrl.u32 v6, $0x7;
	(pc) =	sbr.rel @p0 .LBB2_46-.Ltmp15, $4  }
0x1ae: {  	v7 =	vshll.u32 v3, v6  }
0x1af: {  	v6 =	vor.u32 v8, v7  }
0x1b0: {  	s31 =	sshra.s32 s30, $0x2;
	[tilespmem:v5+s25+$0x0] =	vst.idx.msk vm3, v6  }
0x1b1: {  	s30 =	sadd.s32 $0x40, s30;
	v6 =	vld [tilespmem:s31+$0x4000]  }
0x1b2: {  	v8 =	vld [tilespmem:s31+$0x0];
	_ =	sdelay $0x4  }
0x1b3: {  	v10 =	vand.u32 $0x7F, v6;
	v9 =	vsub.s32 v8, v0  }
0x1b4: {  	vm3 =	vge.s32 v8, v0;
	vm4 =	vlt.s32 v8, v1;
	v62 =	vshll.u32 v9, $0x7  }
0x1b5: {  	vm3 =	vmand vm3, vm4;
	v8 =	vor.u32 v10, v62  }
0x1b6: {  	v8 =	vnsel vm3, $0x0, v8;
	_ =	sdelay $0x4  }
0x1b7: {  	v63 =	vld.idx.msk [tilespmem:v8+s25+$0x0], vm3;
	_ =	sdelay $0x2  }
0x1b8: {  	v6 =	vshrl.u32 v6, $0x7  }
0x1b9: {  	v6 =	vshll.u32 v3, v6  }
0x1ba: {  	v9 =	vor.u32 v63, v6  }
0x1bb: {  	v5 =	vld.idx.msk [tilespmem:v5+s25+$0x0], vm1;
	[tilespmem:v8+s25+$0x0] =	vst.idx.msk vm3, v9  }
0x1bc: {  	v8 =	vld.idx.msk [tilespmem:v8+s25+$0x0], vm3;
	_ =	sdelay $0x3  }
0x1bd: {  	v5 =	vand.u32 v7, v5  }
0x1be: {  	vm4 =	vmmov vm3;
	vm3 =	veq.s32 v5, $0x0;
	v5 =	vand.u32 v6, v8  }
0x1bf: {  	vm1 =	vmand vm1, vm3;
	vm3 =	veq.s32 v5, $0x0  }
0x1c0: {  	vm1 =	vmor vm2, vm1;
	vm2 =	vmand vm4, vm3  }
0x1c1: {  	vm1 =	vmor vm1, vm2  }
0x1c2: {  	v5 =	vsel vm1, $0x3F800000, v4  }
0x1c3: {  	(xrf0) =	vmax.scan.msk.f32 $0xffff, v5;
	_ =	sdelay $0x5  }
0x1c4: {  	v5, _, _ =	vpop (xrf0)  }
0x1c5: {  	(v2sf) =	vpush v5, $0xF;
	_ =	sdelay $0xe  }
0x1c6: {  	s0 =	spop (v2sf)  }
0x1c7: {  	p0 =	sgt.f32 s0, $0.0e+00  }
.Ltmp16:
0x1c8: {  	_ = 	snop;
	(pc) =	sbr.rel @p0 .LBB2_48-.Ltmp16, $2  }
0x1c9: {  	_ =	sdelay $0x2  }
0x1ca: {  	s30 =	simm.s32 $0x0  }
.LBB2_52:
0x1cb: {  	_ =	swait.ge [sflag:s26], $0x4000  }
0x1cc: {  	[sflag:s26] =	ssyncset.done $0x0  }
0x1cd: {  	[sflag:s26] =	ssyncadd.s32 $0xFFFFC000  }
0x1ce: {  	_ =	swait.ge [sflag:s26], $0x4000  }
0x1cf: {  	[sflag:s26] =	ssyncset.done $0x0  }
0x1d0: {  	s0 =	simm.s32 $0x0;
	[sflag:s26] =	ssyncadd.s32 $0xFFFFC000  }
0x1d1: {  	v6 =	vld [tilespmem:s0+$0xC000]  }
0x1d2: {  	v5 =	vld [tilespmem:s0+$0x8000];
	_ =	sdelay $0x4  }
0x1d3: {  	v7 =	vsub.s32 v5, v0;
	v8 =	vand.u32 $0x7F, v6  }
0x1d4: {  	vm1 =	vge.s32 v5, v0;
	vm2 =	vlt.s32 v5, v1;
	v5 =	vshll.u32 v7, $0x7  }
0x1d5: {  	vm2 =	vmand vm1, vm2;
	v5 =	vor.u32 v8, v5  }
0x1d6: {  	v5 =	vnsel vm2, $0x0, v5;
	_ =	sdelay $0x4  }
0x1d7: {  	v8 =	vld.idx.msk [tilespmem:v5+s25+$0x0], vm2;
	_ =	sdelay $0x2  }
0x1d8: {  	v6 =	vshrl.u32 v6, $0x7;
	vm1 =	vmmov vm2  }
0x1d9: {  	v7 =	vshll.u32 v3, v6  }
0x1da: {  	v6 =	vor.u32 v8, v7  }
0x1db: {  	s31 =	simm.s32 $0x10;
	[tilespmem:v5+s25+$0x0] =	vst.idx.msk vm2, v6  }
0x1dc: {  	s30 =	simm.s32 $0x80;
	vm2 =	vmmov vm0;
	v6 =	vld [tilespmem:s31+$0xC000]  }
.LBB2_53:
0x1dd: {  	p0 =	sne.s32 s30, $0xFFC0;
	v8 =	vld [tilespmem:s31+$0x8000]  }
0x1de: {  	v5 =	vld.idx.msk [tilespmem:v5+s25+$0x0], vm1;
	_ =	sdelay $0x3  }
0x1df: {  	v10 =	vand.u32 $0x7F, v6;
	v9 =	vsub.s32 v8, v0  }
0x1e0: {  	vm3 =	vge.s32 v8, v0;
	vm4 =	vlt.s32 v8, v1;
	v8 =	vshll.u32 v9, $0x7  }
0x1e1: {  	vm3 =	vmand vm3, vm4;
	v7 =	vand.u32 v7, v5;
	v8 =	vor.u32 v10, v8  }
0x1e2: {  	vm4 =	veq.s32 v7, $0x0;
	v5 =	vnsel vm3, $0x0, v8  }
0x1e3: {  	vm4 =	vmand vm1, vm4;
	vm1 =	vmmov vm3  }
0x1e4: {  	vm2 =	vmor vm2, vm4;
	_ =	sdelay $0x2  }
0x1e5: {  	v8 =	vld.idx.msk [tilespmem:v5+s25+$0x0], vm3;
	_ =	sdelay $0x3  }
.Ltmp17:
0x1e6: {  	v6 =	vshrl.u32 v6, $0x7;
	(pc) =	sbr.rel @p0 .LBB2_53-.Ltmp17, $4  }
0x1e7: {  	v7 =	vshll.u32 v3, v6  }
0x1e8: {  	v6 =	vor.u32 v8, v7  }
0x1e9: {  	s31 =	sshra.s32 s30, $0x2;
	[tilespmem:v5+s25+$0x0] =	vst.idx.msk vm3, v6  }
0x1ea: {  	s30 =	sadd.s32 $0x40, s30;
	v6 =	vld [tilespmem:s31+$0xC000]  }
0x1eb: {  	v8 =	vld [tilespmem:s31+$0x8000];
	_ =	sdelay $0x4  }
0x1ec: {  	v10 =	vand.u32 $0x7F, v6;
	v9 =	vsub.s32 v8, v0  }
0x1ed: {  	vm3 =	vge.s32 v8, v0;
	vm4 =	vlt.s32 v8, v1;
	v62 =	vshll.u32 v9, $0x7  }
0x1ee: {  	vm3 =	vmand vm3, vm4;
	v8 =	vor.u32 v10, v62  }
0x1ef: {  	v8 =	vnsel vm3, $0x0, v8;
	_ =	sdelay $0x4  }
0x1f0: {  	v63 =	vld.idx.msk [tilespmem:v8+s25+$0x0], vm3;
	_ =	sdelay $0x2  }
0x1f1: {  	v6 =	vshrl.u32 v6, $0x7  }
0x1f2: {  	v6 =	vshll.u32 v3, v6  }
0x1f3: {  	v9 =	vor.u32 v63, v6  }
0x1f4: {  	v5 =	vld.idx.msk [tilespmem:v5+s25+$0x0], vm1;
	[tilespmem:v8+s25+$0x0] =	vst.idx.msk vm3, v9  }
0x1f5: {  	v8 =	vld.idx.msk [tilespmem:v8+s25+$0x0], vm3;
	_ =	sdelay $0x3  }
0x1f6: {  	v5 =	vand.u32 v7, v5  }
0x1f7: {  	vm4 =	vmmov vm3;
	vm3 =	veq.s32 v5, $0x0;
	v5 =	vand.u32 v6, v8  }
0x1f8: {  	vm1 =	vmand vm1, vm3;
	vm3 =	veq.s32 v5, $0x0  }
0x1f9: {  	vm1 =	vmor vm2, vm1;
	vm2 =	vmand vm4, vm3  }
0x1fa: {  	vm1 =	vmor vm1, vm2  }
0x1fb: {  	v5 =	vsel vm1, $0x3F800000, v4  }
0x1fc: {  	(xrf0) =	vmax.scan.msk.f32 $0xffff, v5;
	_ =	sdelay $0x5  }
0x1fd: {  	v5, _, _ =	vpop (xrf0)  }
0x1fe: {  	(v2sf) =	vpush v5, $0xF;
	_ =	sdelay $0xe  }
0x1ff: {  	s0 =	spop (v2sf)  }
0x200: {  	p0 =	sgt.f32 s0, $0.0e+00  }
.Ltmp18:
0x201: {  	_ = 	snop;
	(pc) =	sbr.rel @!p0 .LBB2_59-.Ltmp18, $4  }
.Ltmp19:
0x202: {  	_ = 	snop;
	(pc) =	sbr.rel @p0 .LBB2_55-.Ltmp19, $4  }
0x203: {  	_ = 	snop  }
0x204: {  	_ = 	snop  }
0x205: {  	s30 =	simm.s32 $0x0  }
0x206: {  	_ = 	snop  }
.LBB2_9:
0x207: {  	s30 =	sadd.s32 $0x1, s30  }
0x208: {  	p0 =	sne.s32 s30, $0x400  }
.Ltmp20:
0x209: {  	_ = 	snop;
	(pc) =	sbr.rel @!p0 .LBB2_10-.Ltmp20, $1  }
0x20a: {  	_ =	sdelay $0x3  }
.LBB2_6:
0x20b: {  	s31 =	sshll.u32 s30, $0x4  }
0x20c: {  	v5 =	vld [tilespmem:s31+$0x0];
	_ =	sdelay $0x4  }
0x20d: {  	vm1 =	vge.s32 v5, v0;
	vm2 =	vlt.s32 v5, v1  }
0x20e: {  	vm1 =	vmand vm1, vm2  }
0x20f: {  	v6 =	vsel vm1, $0x3F800000, v4  }
0x210: {  	(xrf0) =	vmax.scan.msk.f32 $0xffff, v6;
	_ =	sdelay $0x5  }
0x211: {  	v6, _, _ =	vpop (xrf0)  }
0x212: {  	(v2sf) =	vpush v6, $0xF;
	_ =	sdelay $0xe  }
0x213: {  	s0 =	spop (v2sf)  }
0x214: {  	p0 =	sgt.f32 s0, $0.0e+00  }
.Ltmp21:
0x215: {  	_ = 	snop;
	(pc) =	sbr.rel @!p0 .LBB2_9-.Ltmp21, $2  }
0x216: {  	_ =	sdelay $0x2  }
0x217: {  	v6 =	vld [tilespmem:s31+$0x4000]  }
0x218: {  	_ =	sdelay $0x2  }
0x219: {  	v5 =	vsub.s32 v5, v0  }
0x21a: {  	v5 =	vshll.u32 v5, $0x7;
	v7 =	vand.u32 $0x7F, v6  }
0x21b: {  	v5 =	vor.u32 v7, v5  }
0x21c: {  	v5 =	vnsel vm1, $0x0, v5;
	_ =	sdelay $0x2  }
0x21d: {  	v6 =	vshrl.u32 v6, $0x7  }
0x21e: {  	v6 =	vshll.u32 v3, v6  }
.LBB2_8:
0x21f: {  	v7 =	vld.idx.msk [tilespmem:v5+s25+$0x0], vm1;
	_ =	sdelay $0x4  }
0x220: {  	v8 =	vand.u32 v6, v7  }
0x221: {  	vm2 =	veq.s32 v8, $0x0  }
0x222: {  	vm1 =	vmand vm1, vm2  }
0x223: {  	v8 =	vsel vm1, $0x3F800000, v4  }
0x224: {  	(xrf0) =	vmax.scan.msk.f32 $0xffff, v8;
	_ =	sdelay $0x5  }
0x225: {  	v8, _, _ =	vpop (xrf0)  }
0x226: {  	(v2sf) =	vpush v8, $0xF;
	_ =	sdelay $0xe  }
0x227: {  	s0 =	spop (v2sf)  }
0x228: {  	p0 =	sgt.f32 s0, $0.0e+00  }
.Ltmp22:
0x229: {  	_ = 	snop;
	(pc) =	sbr.rel @p0 .LBB2_8-.Ltmp22, $3  }
0x22a: {  	_ =	sdelay $0x1  }
0x22b: {  	v7 =	vor.u32 v6, v7  }
0x22c: {  	[tilespmem:v5+s25+$0x0] =	vst.idx.msk vm1, v7  }
.Ltmp23:
0x22d: {  	_ = 	snop;
	(pc) =	sbr.rel .LBB2_9-.Ltmp23, $1  }
0x22e: {  	_ =	sdelay $0x3  }
.LBB2_16:
0x22f: {  	s30 =	sadd.s32 $0x1, s30  }
0x230: {  	p0 =	sne.s32 s30, $0x400  }
.Ltmp24:
0x231: {  	_ = 	snop;
	(pc) =	sbr.rel @!p0 .LBB2_17-.Ltmp24, $1  }
0x232: {  	_ =	sdelay $0x3  }
.LBB2_13:
0x233: {  	s0 =	sshll.u32 s30, $0x4  }
0x234: {  	v5 =	vld [tilespmem:s0+$0x8000];
	_ =	sdelay $0x4  }
0x235: {  	vm1 =	vge.s32 v5, v0;
	vm2 =	vlt.s32 v5, v1  }
0x236: {  	vm1 =	vmand vm1, vm2  }
0x237: {  	v6 =	vsel vm1, $0x3F800000, v4  }
0x238: {  	(xrf0) =	vmax.scan.msk.f32 $0xffff, v6;
	_ =	sdelay $0x5  }
0x239: {  	v6, _, _ =	vpop (xrf0)  }
0x23a: {  	(v2sf) =	vpush v6, $0xF;
	_ =	sdelay $0xe  }
0x23b: {  	s31 =	spop (v2sf)  }
0x23c: {  	p0 =	sgt.f32 s31, $0.0e+00  }
.Ltmp25:
0x23d: {  	_ = 	snop;
	(pc) =	sbr.rel @!p0 .LBB2_16-.Ltmp25, $2  }
0x23e: {  	_ =	sdelay $0x2  }
0x23f: {  	v6 =	vld [tilespmem:s0+$0xC000]  }
0x240: {  	_ =	sdelay $0x2  }
0x241: {  	v5 =	vsub.s32 v5, v0  }
0x242: {  	v5 =	vshll.u32 v5, $0x7;
	v7 =	vand.u32 $0x7F, v6  }
0x243: {  	v5 =	vor.u32 v7, v5  }
0x244: {  	v5 =	vnsel vm1, $0x0, v5;
	_ =	sdelay $0x2  }
0x245: {  	v6 =	vshrl.u32 v6, $0x7  }
0x246: {  	v6 =	vshll.u32 v3, v6  }
.LBB2_15:
0x247: {  	v7 =	vld.idx.msk [tilespmem:v5+s25+$0x0], vm1;
	_ =	sdelay $0x4  }
0x248: {  	v8 =	vand.u32 v6, v7  }
0x249: {  	vm2 =	veq.s32 v8, $0x0  }
0x24a: {  	vm1 =	vmand vm1, vm2  }
0x24b: {  	v8 =	vsel vm1, $0x3F800000, v4  }
0x24c: {  	(xrf0) =	vmax.scan.msk.f32 $0xffff, v8;
	_ =	sdelay $0x5  }
0x24d: {  	v8, _, _ =	vpop (xrf0)  }
0x24e: {  	(v2sf) =	vpush v8, $0xF;
	_ =	sdelay $0xe  }
0x24f: {  	s0 =	spop (v2sf)  }
0x250: {  	p0 =	sgt.f32 s0, $0.0e+00  }
.Ltmp26:
0x251: {  	_ = 	snop;
	(pc) =	sbr.rel @p0 .LBB2_15-.Ltmp26, $3  }
0x252: {  	_ =	sdelay $0x1  }
0x253: {  	v7 =	vor.u32 v6, v7  }
0x254: {  	[tilespmem:v5+s25+$0x0] =	vst.idx.msk vm1, v7  }
.Ltmp27:
0x255: {  	_ = 	snop;
	(pc) =	sbr.rel .LBB2_16-.Ltmp27, $1  }
0x256: {  	_ =	sdelay $0x3  }
.LBB2_23:
0x257: {  	s30 =	sadd.s32 $0x1, s30  }
0x258: {  	p0 =	sne.s32 s30, $0x400  }
.Ltmp28:
0x259: {  	_ = 	snop;
	(pc) =	sbr.rel @!p0 .LBB2_24-.Ltmp28, $1  }
0x25a: {  	_ =	sdelay $0x3  }
.LBB2_20:
0x25b: {  	s0 =	sshll.u32 s30, $0x4  }
0x25c: {  	v5 =	vld [tilespmem:s0+$0x0];
	_ =	sdelay $0x4  }
0x25d: {  	vm1 =	vge.s32 v5, v0;
	vm2 =	vlt.s32 v5, v1  }
0x25e: {  	vm1 =	vmand vm1, vm2  }
0x25f: {  	v6 =	vsel vm1, $0x3F800000, v4  }
0x260: {  	(xrf0) =	vmax.scan.msk.f32 $0xffff, v6;
	_ =	sdelay $0x5  }
0x261: {  	v6, _, _ =	vpop (xrf0)  }
0x262: {  	(v2sf) =	vpush v6, $0xF;
	_ =	sdelay $0xe  }
0x263: {  	s31 =	spop (v2sf)  }
0x264: {  	p0 =	sgt.f32 s31, $0.0e+00  }
.Ltmp29:
0x265: {  	_ = 	snop;
	(pc) =	sbr.rel @!p0 .LBB2_23-.Ltmp29, $2  }
0x266: {  	_ =	sdelay $0x2  }
0x267: {  	v6 =	vld [tilespmem:s0+$0x4000]  }
0x268: {  	_ =	sdelay $0x2  }
0x269: {  	v5 =	vsub.s32 v5, v0  }
0x26a: {  	v5 =	vshll.u32 v5, $0x7;
	v7 =	vand.u32 $0x7F, v6  }
0x26b: {  	v5 =	vor.u32 v7, v5  }
0x26c: {  	v5 =	vnsel vm1, $0x0, v5;
	_ =	sdelay $0x2  }
0x26d: {  	v6 =	vshrl.u32 v6, $0x7  }
0x26e: {  	v6 =	vshll.u32 v3, v6  }
.LBB2_22:
0x26f: {  	v7 =	vld.idx.msk [tilespmem:v5+s25+$0x0], vm1;
	_ =	sdelay $0x4  }
0x270: {  	v8 =	vand.u32 v6, v7  }
0x271: {  	vm2 =	veq.s32 v8, $0x0  }
0x272: {  	vm1 =	vmand vm1, vm2  }
0x273: {  	v8 =	vsel vm1, $0x3F800000, v4  }
0x274: {  	(xrf0) =	vmax.scan.msk.f32 $0xffff, v8;
	_ =	sdelay $0x5  }
0x275: {  	v8, _, _ =	vpop (xrf0)  }
0x276: {  	(v2sf) =	vpush v8, $0xF;
	_ =	sdelay $0xe  }
0x277: {  	s0 =	spop (v2sf)  }
0x278: {  	p0 =	sgt.f32 s0, $0.0e+00  }
.Ltmp30:
0x279: {  	_ = 	snop;
	(pc) =	sbr.rel @p0 .LBB2_22-.Ltmp30, $3  }
0x27a: {  	_ =	sdelay $0x1  }
0x27b: {  	v7 =	vor.u32 v6, v7  }
0x27c: {  	[tilespmem:v5+s25+$0x0] =	vst.idx.msk vm1, v7  }
.Ltmp31:
0x27d: {  	_ = 	snop;
	(pc) =	sbr.rel .LBB2_23-.Ltmp31, $1  }
0x27e: {  	_ =	sdelay $0x3  }
.LBB2_30:
0x27f: {  	s30 =	sadd.s32 $0x1, s30  }
0x280: {  	p0 =	sne.s32 s30, $0x400  }
.Ltmp32:
0x281: {  	_ = 	snop;
	(pc) =	sbr.rel @!p0 .LBB2_31-.Ltmp32, $1  }
0x282: {  	_ =	sdelay $0x3  }
.LBB2_27:
0x283: {  	s0 =	sshll.u32 s30, $0x4  }
0x284: {  	v5 =	vld [tilespmem:s0+$0x8000];
	_ =	sdelay $0x4  }
0x285: {  	vm1 =	vge.s32 v5, v0;
	vm2 =	vlt.s32 v5, v1  }
0x286: {  	vm1 =	vmand vm1, vm2  }
0x287: {  	v6 =	vsel vm1, $0x3F800000, v4  }
0x288: {  	(xrf0) =	vmax.scan.msk.f32 $0xffff, v6;
	_ =	sdelay $0x5  }
0x289: {  	v6, _, _ =	vpop (xrf0)  }
0x28a: {  	(v2sf) =	vpush v6, $0xF;
	_ =	sdelay $0xe  }
0x28b: {  	s31 =	spop (v2sf)  }
0x28c: {  	p0 =	sgt.f32 s31, $0.0e+00  }
.Ltmp33:
0x28d: {  	_ = 	snop;
	(pc) =	sbr.rel @!p0 .LBB2_30-.Ltmp33, $2  }
0x28e: {  	_ =	sdelay $0x2  }
0x28f: {  	v6 =	vld [tilespmem:s0+$0xC000]  }
0x290: {  	_ =	sdelay $0x2  }
0x291: {  	v5 =	vsub.s32 v5, v0  }
0x292: {  	v5 =	vshll.u32 v5, $0x7;
	v7 =	vand.u32 $0x7F, v6  }
0x293: {  	v5 =	vor.u32 v7, v5  }
0x294: {  	v5 =	vnsel vm1, $0x0, v5;
	_ =	sdelay $0x2  }
0x295: {  	v6 =	vshrl.u32 v6, $0x7  }
0x296: {  	v6 =	vshll.u32 v3, v6  }
.LBB2_29:
0x297: {  	v7 =	vld.idx.msk [tilespmem:v5+s25+$0x0], vm1;
	_ =	sdelay $0x4  }
0x298: {  	v8 =	vand.u32 v6, v7  }
0x299: {  	vm2 =	veq.s32 v8, $0x0  }
0x29a: {  	vm1 =	vmand vm1, vm2  }
0x29b: {  	v8 =	vsel vm1, $0x3F800000, v4  }
0x29c: {  	(xrf0) =	vmax.scan.msk.f32 $0xffff, v8;
	_ =	sdelay $0x5  }
0x29d: {  	v8, _, _ =	vpop (xrf0)  }
0x29e: {  	(v2sf) =	vpush v8, $0xF;
	_ =	sdelay $0xe  }
0x29f: {  	s0 =	spop (v2sf)  }
0x2a0: {  	p0 =	sgt.f32 s0, $0.0e+00  }
.Ltmp34:
0x2a1: {  	_ = 	snop;
	(pc) =	sbr.rel @p0 .LBB2_29-.Ltmp34, $3  }
0x2a2: {  	_ =	sdelay $0x1  }
0x2a3: {  	v7 =	vor.u32 v6, v7  }
0x2a4: {  	[tilespmem:v5+s25+$0x0] =	vst.idx.msk vm1, v7  }
.Ltmp35:
0x2a5: {  	_ = 	snop;
	(pc) =	sbr.rel .LBB2_30-.Ltmp35, $1  }
0x2a6: {  	_ =	sdelay $0x3  }
.LBB2_37:
0x2a7: {  	s30 =	sadd.s32 $0x1, s30  }
0x2a8: {  	p0 =	sne.s32 s30, $0x400  }
.Ltmp36:
0x2a9: {  	_ = 	snop;
	(pc) =	sbr.rel @!p0 .LBB2_38-.Ltmp36, $1  }
0x2aa: {  	_ =	sdelay $0x3  }
.LBB2_34:
0x2ab: {  	s0 =	sshll.u32 s30, $0x4  }
0x2ac: {  	v5 =	vld [tilespmem:s0+$0x0];
	_ =	sdelay $0x4  }
0x2ad: {  	vm1 =	vge.s32 v5, v0;
	vm2 =	vlt.s32 v5, v1  }
0x2ae: {  	vm1 =	vmand vm1, vm2  }
0x2af: {  	v6 =	vsel vm1, $0x3F800000, v4  }
0x2b0: {  	(xrf0) =	vmax.scan.msk.f32 $0xffff, v6;
	_ =	sdelay $0x5  }
0x2b1: {  	v6, _, _ =	vpop (xrf0)  }
0x2b2: {  	(v2sf) =	vpush v6, $0xF;
	_ =	sdelay $0xe  }
0x2b3: {  	s31 =	spop (v2sf)  }
0x2b4: {  	p0 =	sgt.f32 s31, $0.0e+00  }
.Ltmp37:
0x2b5: {  	_ = 	snop;
	(pc) =	sbr.rel @!p0 .LBB2_37-.Ltmp37, $2  }
0x2b6: {  	_ =	sdelay $0x2  }
0x2b7: {  	v6 =	vld [tilespmem:s0+$0x4000]  }
0x2b8: {  	_ =	sdelay $0x2  }
0x2b9: {  	v5 =	vsub.s32 v5, v0  }
0x2ba: {  	v5 =	vshll.u32 v5, $0x7;
	v7 =	vand.u32 $0x7F, v6  }
0x2bb: {  	v5 =	vor.u32 v7, v5  }
0x2bc: {  	v5 =	vnsel vm1, $0x0, v5;
	_ =	sdelay $0x2  }
0x2bd: {  	v6 =	vshrl.u32 v6, $0x7  }
0x2be: {  	v6 =	vshll.u32 v3, v6  }
.LBB2_36:
0x2bf: {  	v7 =	vld.idx.msk [tilespmem:v5+s25+$0x0], vm1;
	_ =	sdelay $0x4  }
0x2c0: {  	v8 =	vand.u32 v6, v7  }
0x2c1: {  	vm2 =	veq.s32 v8, $0x0  }
0x2c2: {  	vm1 =	vmand vm1, vm2  }
0x2c3: {  	v8 =	vsel vm1, $0x3F800000, v4  }
0x2c4: {  	(xrf0) =	vmax.scan.msk.f32 $0xffff, v8;
	_ =	sdelay $0x5  }
0x2c5: {  	v8, _, _ =	vpop (xrf0)  }
0x2c6: {  	(v2sf) =	vpush v8, $0xF;
	_ =	sdelay $0xe  }
0x2c7: {  	s0 =	spop (v2sf)  }
0x2c8: {  	p0 =	sgt.f32 s0, $0.0e+00  }
.Ltmp38:
0x2c9: {  	_ = 	snop;
	(pc) =	sbr.rel @p0 .LBB2_36-.Ltmp38, $3  }
0x2ca: {  	_ =	sdelay $0x1  }
0x2cb: {  	v7 =	vor.u32 v6, v7  }
0x2cc: {  	[tilespmem:v5+s25+$0x0] =	vst.idx.msk vm1, v7  }
.Ltmp39:
0x2cd: {  	_ = 	snop;
	(pc) =	sbr.rel .LBB2_37-.Ltmp39, $1  }
0x2ce: {  	_ =	sdelay $0x3  }
.LBB2_44:
0x2cf: {  	s30 =	sadd.s32 $0x1, s30  }
0x2d0: {  	p0 =	sne.s32 s30, $0x400  }
.Ltmp40:
0x2d1: {  	_ = 	snop;
	(pc) =	sbr.rel @!p0 .LBB2_45-.Ltmp40, $1  }
0x2d2: {  	_ =	sdelay $0x3  }
.LBB2_41:
0x2d3: {  	s0 =	sshll.u32 s30, $0x4  }
0x2d4: {  	v5 =	vld [tilespmem:s0+$0x8000];
	_ =	sdelay $0x4  }
0x2d5: {  	vm1 =	vge.s32 v5, v0;
	vm2 =	vlt.s32 v5, v1  }
0x2d6: {  	vm1 =	vmand vm1, vm2  }
0x2d7: {  	v6 =	vsel vm1, $0x3F800000, v4  }
0x2d8: {  	(xrf0) =	vmax.scan.msk.f32 $0xffff, v6;
	_ =	sdelay $0x5  }
0x2d9: {  	v6, _, _ =	vpop (xrf0)  }
0x2da: {  	(v2sf) =	vpush v6, $0xF;
	_ =	sdelay $0xe  }
0x2db: {  	s31 =	spop (v2sf)  }
0x2dc: {  	p0 =	sgt.f32 s31, $0.0e+00  }
.Ltmp41:
0x2dd: {  	_ = 	snop;
	(pc) =	sbr.rel @!p0 .LBB2_44-.Ltmp41, $2  }
0x2de: {  	_ =	sdelay $0x2  }
0x2df: {  	v6 =	vld [tilespmem:s0+$0xC000]  }
0x2e0: {  	_ =	sdelay $0x2  }
0x2e1: {  	v5 =	vsub.s32 v5, v0  }
0x2e2: {  	v5 =	vshll.u32 v5, $0x7;
	v7 =	vand.u32 $0x7F, v6  }
0x2e3: {  	v5 =	vor.u32 v7, v5  }
0x2e4: {  	v5 =	vnsel vm1, $0x0, v5;
	_ =	sdelay $0x2  }
0x2e5: {  	v6 =	vshrl.u32 v6, $0x7  }
0x2e6: {  	v6 =	vshll.u32 v3, v6  }
.LBB2_43:
0x2e7: {  	v7 =	vld.idx.msk [tilespmem:v5+s25+$0x0], vm1;
	_ =	sdelay $0x4  }
0x2e8: {  	v8 =	vand.u32 v6, v7  }
0x2e9: {  	vm2 =	veq.s32 v8, $0x0  }
0x2ea: {  	vm1 =	vmand vm1, vm2  }
0x2eb: {  	v8 =	vsel vm1, $0x3F800000, v4  }
0x2ec: {  	(xrf0) =	vmax.scan.msk.f32 $0xffff, v8;
	_ =	sdelay $0x5  }
0x2ed: {  	v8, _, _ =	vpop (xrf0)  }
0x2ee: {  	(v2sf) =	vpush v8, $0xF;
	_ =	sdelay $0xe  }
0x2ef: {  	s0 =	spop (v2sf)  }
0x2f0: {  	p0 =	sgt.f32 s0, $0.0e+00  }
.Ltmp42:
0x2f1: {  	_ = 	snop;
	(pc) =	sbr.rel @p0 .LBB2_43-.Ltmp42, $3  }
0x2f2: {  	_ =	sdelay $0x1  }
0x2f3: {  	v7 =	vor.u32 v6, v7  }
0x2f4: {  	[tilespmem:v5+s25+$0x0] =	vst.idx.msk vm1, v7  }
.Ltmp43:
0x2f5: {  	_ = 	snop;
	(pc) =	sbr.rel .LBB2_44-.Ltmp43, $1  }
0x2f6: {  	_ =	sdelay $0x3  }
.LBB2_51:
0x2f7: {  	s30 =	sadd.s32 $0x1, s30  }
0x2f8: {  	p0 =	sne.s32 s30, $0x400  }
.Ltmp44:
0x2f9: {  	_ = 	snop;
	(pc) =	sbr.rel @!p0 .LBB2_52-.Ltmp44, $1  }
0x2fa: {  	_ =	sdelay $0x3  }
.LBB2_48:
0x2fb: {  	s0 =	sshll.u32 s30, $0x4  }
0x2fc: {  	v5 =	vld [tilespmem:s0+$0x0];
	_ =	sdelay $0x4  }
0x2fd: {  	vm1 =	vge.s32 v5, v0;
	vm2 =	vlt.s32 v5, v1  }
0x2fe: {  	vm1 =	vmand vm1, vm2  }
0x2ff: {  	v6 =	vsel vm1, $0x3F800000, v4  }
0x300: {  	(xrf0) =	vmax.scan.msk.f32 $0xffff, v6;
	_ =	sdelay $0x5  }
0x301: {  	v6, _, _ =	vpop (xrf0)  }
0x302: {  	(v2sf) =	vpush v6, $0xF;
	_ =	sdelay $0xe  }
0x303: {  	s31 =	spop (v2sf)  }
0x304: {  	p0 =	sgt.f32 s31, $0.0e+00  }
.Ltmp45:
0x305: {  	_ = 	snop;
	(pc) =	sbr.rel @!p0 .LBB2_51-.Ltmp45, $2  }
0x306: {  	_ =	sdelay $0x2  }
0x307: {  	v6 =	vld [tilespmem:s0+$0x4000]  }
0x308: {  	_ =	sdelay $0x2  }
0x309: {  	v5 =	vsub.s32 v5, v0  }
0x30a: {  	v5 =	vshll.u32 v5, $0x7;
	v7 =	vand.u32 $0x7F, v6  }
0x30b: {  	v5 =	vor.u32 v7, v5  }
0x30c: {  	v5 =	vnsel vm1, $0x0, v5;
	_ =	sdelay $0x2  }
0x30d: {  	v6 =	vshrl.u32 v6, $0x7  }
0x30e: {  	v6 =	vshll.u32 v3, v6  }
.LBB2_50:
0x30f: {  	v7 =	vld.idx.msk [tilespmem:v5+s25+$0x0], vm1;
	_ =	sdelay $0x4  }
0x310: {  	v8 =	vand.u32 v6, v7  }
0x311: {  	vm2 =	veq.s32 v8, $0x0  }
0x312: {  	vm1 =	vmand vm1, vm2  }
0x313: {  	v8 =	vsel vm1, $0x3F800000, v4  }
0x314: {  	(xrf0) =	vmax.scan.msk.f32 $0xffff, v8;
	_ =	sdelay $0x5  }
0x315: {  	v8, _, _ =	vpop (xrf0)  }
0x316: {  	(v2sf) =	vpush v8, $0xF;
	_ =	sdelay $0xe  }
0x317: {  	s0 =	spop (v2sf)  }
0x318: {  	p0 =	sgt.f32 s0, $0.0e+00  }
.Ltmp46:
0x319: {  	_ = 	snop;
	(pc) =	sbr.rel @p0 .LBB2_50-.Ltmp46, $3  }
0x31a: {  	_ =	sdelay $0x1  }
0x31b: {  	v7 =	vor.u32 v6, v7  }
0x31c: {  	[tilespmem:v5+s25+$0x0] =	vst.idx.msk vm1, v7  }
.Ltmp47:
0x31d: {  	_ = 	snop;
	(pc) =	sbr.rel .LBB2_51-.Ltmp47, $1  }
0x31e: {  	_ =	sdelay $0x3  }
.LBB2_58:
0x31f: {  	s30 =	sadd.s32 $0x1, s30  }
0x320: {  	p0 =	sne.s32 s30, $0x400  }
.Ltmp48:
0x321: {  	_ = 	snop;
	(pc) =	sbr.rel @!p0 .LBB2_59-.Ltmp48, $1  }
0x322: {  	_ =	sdelay $0x3  }
.LBB2_55:
0x323: {  	s0 =	sshll.u32 s30, $0x4  }
0x324: {  	v5 =	vld [tilespmem:s0+$0x8000];
	_ =	sdelay $0x4  }
0x325: {  	vm1 =	vge.s32 v5, v0;
	vm2 =	vlt.s32 v5, v1  }
0x326: {  	vm1 =	vmand vm1, vm2  }
0x327: {  	v6 =	vsel vm1, $0x3F800000, v4  }
0x328: {  	(xrf0) =	vmax.scan.msk.f32 $0xffff, v6;
	_ =	sdelay $0x5  }
0x329: {  	v6, _, _ =	vpop (xrf0)  }
0x32a: {  	(v2sf) =	vpush v6, $0xF;
	_ =	sdelay $0xe  }
0x32b: {  	s31 =	spop (v2sf)  }
0x32c: {  	p0 =	sgt.f32 s31, $0.0e+00  }
.Ltmp49:
0x32d: {  	_ = 	snop;
	(pc) =	sbr.rel @!p0 .LBB2_58-.Ltmp49, $2  }
0x32e: {  	_ =	sdelay $0x2  }
0x32f: {  	v6 =	vld [tilespmem:s0+$0xC000]  }
0x330: {  	_ =	sdelay $0x2  }
0x331: {  	v5 =	vsub.s32 v5, v0  }
0x332: {  	v5 =	vshll.u32 v5, $0x7;
	v7 =	vand.u32 $0x7F, v6  }
0x333: {  	v5 =	vor.u32 v7, v5  }
0x334: {  	v5 =	vnsel vm1, $0x0, v5;
	_ =	sdelay $0x2  }
0x335: {  	v6 =	vshrl.u32 v6, $0x7  }
0x336: {  	v6 =	vshll.u32 v3, v6  }
.LBB2_57:
0x337: {  	v7 =	vld.idx.msk [tilespmem:v5+s25+$0x0], vm1;
	_ =	sdelay $0x4  }
0x338: {  	v8 =	vand.u32 v6, v7  }
0x339: {  	vm2 =	veq.s32 v8, $0x0  }
0x33a: {  	vm1 =	vmand vm1, vm2  }
0x33b: {  	v8 =	vsel vm1, $0x3F800000, v4  }
0x33c: {  	(xrf0) =	vmax.scan.msk.f32 $0xffff, v8;
	_ =	sdelay $0x5  }
0x33d: {  	v8, _, _ =	vpop (xrf0)  }
0x33e: {  	(v2sf) =	vpush v8, $0xF;
	_ =	sdelay $0xe  }
0x33f: {  	s0 =	spop (v2sf)  }
0x340: {  	p0 =	sgt.f32 s0, $0.0e+00  }
.Ltmp50:
0x341: {  	_ = 	snop;
	(pc) =	sbr.rel @p0 .LBB2_57-.Ltmp50, $3  }
0x342: {  	_ =	sdelay $0x1  }
0x343: {  	v7 =	vor.u32 v6, v7  }
0x344: {  	[tilespmem:v5+s25+$0x0] =	vst.idx.msk vm1, v7  }
.Ltmp51:
0x345: {  	_ = 	snop;
	(pc) =	sbr.rel .LBB2_58-.Ltmp51, $1  }
0x346: {  	_ =	sdelay $0x3  }
.LBB2_60:
0x347: {  	_ =	sfence.sel $0x180000  }
0x348: {  	[bflag:$0x0] =	sbarrier.arrive $0xFFFF  }
0x349: {  	_ =	strace $0x90000047  }
0x34a: {  	[bflag:$0x2] =	sbarrier.arrive $0xFFFF  }
0x34b: {  	p0 =	sne.s32 s2, $0x0;
	s0 =	rddreg [dreg:$0x2]  }
0x34c: {  	s0 =	sadd.s32 @!p0 $0x100000, s0  }
0x34d: {  	[sflag:s0] =	ssyncadd.tile.s32 @!p0 $0x1;
	_ =	shalt  }
.Lfunc_end2:
_tile_overlayer_lowered:
.L_overlay_start_2:
0x34e: {  	(tag) =	ssettag $0x2  }
0x34f: {  	s0 =	rddreg [dreg:$0x0];
	s2 =	stileid.u32  }
0x350: {  	s1 =	rddreg [dreg:$0x1];
	p0 =	sne.s32 s2, $0x0  }
0x351: {  	s3 =	rddreg [dreg:$0x2];
	[bflag:$0x3] =	sbarrier.arrive $0xFFFF;
	s2 =	simm.s32 @!p0 $0x1C03  }
0x352: {  	[timem:s3], [sflag:s2] =	dma.local @!p0 [hbm:s0], s1  }
0x353: {  	s0 =	simm.s32 @!p0 $0x3  }
0x354: {  	_ =	swait.ge @!p0 [sflag:s0], s1  }
0x355: {  	s1 =	ssub.s32 @!p0 $0x0, s1;
	[sflag:s0] =	ssyncset.done @!p0 $0x0  }
0x356: {  	[sflag:s0] =	ssyncadd.s32 @!p0 s1  }
0x357: {  	[bflag:$0x3] =	sbarrier.arrive $0xFFFF  }
0x358: {  	_ =	shalt  }

</sc_bundles>
